<compile_context>
chip_gen: v7x
topology: tpu7x:2x2x1
jax: 0.10.2.dev20260603
libtpu: 0.0.44.dev20260713+nightly
codegen_flags: <defaults>
</compile_context>

<pallas_src>
import functools

import jax
import jax.numpy as jnp
from jax import lax
from jax.experimental import pallas as pl
from jax.experimental.pallas import tpu as pltpu
from jax.experimental.pallas import tpu_sc as plsc

N, E, NDIM, HDL, R = 10000, 320000, 128, 256, 128
BN_EPS = 1e-5

NC, NS = 2, 16
NW = NC * NS
CHUNK = 40
EPW = E // NW
NCHUNK = EPW // CHUNK
NGRP = 5
GC = NCHUNK // NGRP
NPAD = 10240
RPS = NPAD // NS
ZROWS = 16

BLK = 5000


NBUF = 6
DEPTH = NBUF - 2


def _sc_agg_body(x_hbm, src_hbm, dst_hbm, out_hbm, sd_v, rows_v, zero_v,
                 acc_sh, sems, ssems):
    c = lax.axis_index("c")
    s = lax.axis_index("s")
    w = c * NS + s

    zf = jnp.zeros((16,), jnp.float32)

    def _zfill(i, carry):
        r = i // (NDIM // 16)
        k = i % (NDIM // 16)
        zero_v[r, pl.ds(k * 16, 16)] = zf
        return carry

    lax.fori_loop(0, ZROWS * (NDIM // 16), _zfill, 0)

    base = s * RPS

    def _zcopy(t, carry):
        pltpu.sync_copy(zero_v, acc_sh.at[pl.ds(base + t * ZROWS, ZROWS)])
        return carry

    lax.fori_loop(0, RPS // ZROWS, _zcopy, 0)
    plsc.subcore_barrier()

    def _gather_start(j):
        b = lax.rem(j, NBUF)
        pltpu.async_copy(x_hbm.at[sd_v.at[0, j]], rows_v.at[b], sems.at[b])

    def _scatter_wait(j):
        b = lax.rem(j, NBUF)
        pltpu.make_async_copy(rows_v.at[b], acc_sh.at[sd_v.at[1, j]],
                              ssems.at[b]).wait()

    def _pipe(j, carry):
        b = lax.rem(j, NBUF)
        pltpu.make_async_copy(x_hbm.at[sd_v.at[0, j]], rows_v.at[b],
                              sems.at[b]).wait()

        @pl.when(j >= DEPTH)
        def _():
            _scatter_wait(j - DEPTH)

        @pl.when(j + DEPTH < GC)
        def _():
            _gather_start(j + DEPTH)

        pltpu.async_copy(rows_v.at[b], acc_sh.at[sd_v.at[1, j]],
                         ssems.at[b], add=True)
        return carry

    for g in range(NGRP):
        pltpu.sync_copy(src_hbm.at[w, g], sd_v.at[0])
        pltpu.sync_copy(dst_hbm.at[w, g], sd_v.at[1])
        for p in range(DEPTH):
            _gather_start(p)
        lax.fori_loop(0, GC, _pipe, 0)
        for p in range(DEPTH, 0, -1):
            _scatter_wait(GC - p)
    plsc.subcore_barrier()

    pltpu.sync_copy(acc_sh.at[pl.ds(base, RPS)], out_hbm.at[c, pl.ds(base, RPS)])


@functools.cache
def _sc_agg_kernel():
    return pl.kernel(
        _sc_agg_body,
        mesh=plsc.VectorSubcoreMesh(core_axis_name="c", subcore_axis_name="s"),
        out_type=jax.ShapeDtypeStruct((NC, NPAD, NDIM), jnp.float32),
        scratch_types=[
            pltpu.VMEM((2, GC, CHUNK), jnp.int32),
            pltpu.VMEM((NBUF, CHUNK, NDIM), jnp.float32),
            pltpu.VMEM((ZROWS, NDIM), jnp.float32),
            pltpu.VMEM_SHARED((NPAD, NDIM), jnp.float32),
            pltpu.SemaphoreType.DMA((NBUF,)),
            pltpu.SemaphoreType.DMA((NBUF,)),
        ],
    )


NB = N // BLK


def _tc_body(x_ref, a0_ref, a1_ref, w1_ref, b1_ref, gamma_ref, beta_ref,
             w2_ref, b2_ref, wfc_ref, bfc_ref, z_ref,
             h1_s, stats_s, s_s, B_s, c_s):
    i = pl.program_id(0)

    @pl.when(i < NB)
    def _():
        h = x_ref[...] + a0_ref[0] + a1_ref[0]
        h1 = jnp.dot(h, w1_ref[...], preferred_element_type=jnp.float32)
        h1 = jnp.maximum(h1 + b1_ref[...], 0.0)
        h1_s[pl.ds(i * BLK, BLK), :] = h1
        blk = jnp.concatenate([jnp.sum(h1, axis=0, keepdims=True),
                               jnp.sum(h1 * h1, axis=0, keepdims=True)],
                              axis=0)

        @pl.when(i == 0)
        def _():
            stats_s[...] = blk

        @pl.when(i > 0)
        def _():
            stats_s[...] = stats_s[...] + blk

    @pl.when(i == NB)
    def _():
        inv_n = jnp.float32(1.0 / N)
        mean = stats_s[0:1, :] * inv_n
        var = stats_s[1:2, :] * inv_n - mean * mean
        s = gamma_ref[...] * lax.rsqrt(var + BN_EPS)
        t = beta_ref[...] - mean * s
        c = jnp.dot(
            jnp.dot(t, w2_ref[...], preferred_element_type=jnp.float32)
            + b2_ref[...],
            wfc_ref[...], preferred_element_type=jnp.float32) + bfc_ref[...]
        s_s[...] = s
        B_s[...] = jnp.dot(w2_ref[...], wfc_ref[...],
                           preferred_element_type=jnp.float32)
        c_s[...] = c

    @pl.when(i >= NB)
    def _():
        k = i - NB
        h1 = h1_s[pl.ds(k * BLK, BLK), :]
        z_ref[...] = jnp.dot(h1 * s_s[...], B_s[...],
                             preferred_element_type=jnp.float32) + c_s[...]


def _tc_fused(x, agg, W1, b1r, gammar, betar, W2, b2r, Wfc, bfcr):
    blk_in = pl.BlockSpec((BLK, NDIM), lambda i: (jnp.minimum(i, NB - 1), 0))
    a_spec = lambda cidx: pl.BlockSpec(
        (1, BLK, NDIM), lambda i: (cidx, jnp.minimum(i, NB - 1), 0))
    return pl.pallas_call(
        _tc_body,
        grid=(2 * NB,),
        in_specs=[
            blk_in, a_spec(0), a_spec(1),
            pl.BlockSpec((NDIM, HDL), lambda i: (0, 0)),
            pl.BlockSpec((1, HDL), lambda i: (0, 0)),
            pl.BlockSpec((1, HDL), lambda i: (0, 0)),
            pl.BlockSpec((1, HDL), lambda i: (0, 0)),
            pl.BlockSpec((HDL, HDL), lambda i: (0, 0)),
            pl.BlockSpec((1, HDL), lambda i: (0, 0)),
            pl.BlockSpec((HDL, R), lambda i: (0, 0)),
            pl.BlockSpec((1, R), lambda i: (0, 0)),
        ],
        out_specs=pl.BlockSpec((BLK, R),
                               lambda i: (jnp.maximum(i - NB, 0), 0)),
        out_shape=jax.ShapeDtypeStruct((N, R), jnp.float32),
        scratch_shapes=[
            pltpu.VMEM((N, HDL), jnp.float32),
            pltpu.VMEM((2, HDL), jnp.float32),
            pltpu.VMEM((1, HDL), jnp.float32),
            pltpu.VMEM((HDL, R), jnp.float32),
            pltpu.VMEM((1, R), jnp.float32),
        ],
    )(x, agg, agg, W1, b1r, gammar, betar, W2, b2r, Wfc, bfcr)


def kernel(x, edge_index, W1, b1, gamma, beta, W2, b2, Wfc, bfc):
    src = edge_index[0].astype(jnp.int32).reshape(NW, NGRP, GC, CHUNK)
    dst = edge_index[1].astype(jnp.int32).reshape(NW, NGRP, GC, CHUNK)
    agg = _sc_agg_kernel()(x, src, dst)
    return _tc_fused(x, agg, W1, b1.reshape(1, HDL),
                     gamma.reshape(1, HDL), beta.reshape(1, HDL),
                     W2, b2.reshape(1, HDL), Wfc, bfc.reshape(1, R))

# --- scband reference (transcript-rebuilt; emitter-appended) ---
"""Pipeline reference for scband-enc-celeb-agin-52793738002762 (READ-ONLY COPY).

The authoritative reference and input builder live on the scoring server;
editing this copy changes nothing except your own understanding.
"""

import jax, jax.numpy as jnp
import numpy as np

N, E, NDIM, HDL, R = 10000, 320000, 128, 256, 128
BN_EPS = 1e-5

def _xavier_uniform(k, shape):
    fan_in, fan_out = shape[0], shape[1]
    limit = float(np.sqrt(6.0 / (fan_in + fan_out)))
    return jax.random.uniform(k, shape, minval=-limit, maxval=limit, dtype=jnp.float32)

def setup_inputs(seed: int = 0) -> dict:
    key = jax.random.key(seed)
    ks = jax.random.split(key, 6)
    x = jax.random.normal(ks[0], (N, NDIM), dtype=jnp.float32)
    edge_index = jax.random.randint(ks[1], (2, E), 0, N)
    W1 = _xavier_uniform(ks[2], (NDIM, HDL)); b1 = jnp.zeros((HDL,), jnp.float32)
    gamma = jnp.ones((HDL,), jnp.float32); beta = jnp.zeros((HDL,), jnp.float32)
    W2 = _xavier_uniform(ks[3], (HDL, HDL)); b2 = jnp.zeros((HDL,), jnp.float32)
    Wfc = _xavier_uniform(ks[4], (HDL, R)); bfc = jnp.zeros((R,), jnp.float32)
    return {"x": x, "edge_index": edge_index, "W1": W1, "b1": b1,
            "gamma": gamma, "beta": beta, "W2": W2, "b2": b2,
            "Wfc": Wfc, "bfc": bfc}

def reference(x, edge_index, W1, b1, gamma, beta, W2, b2, Wfc, bfc):
    src = edge_index[0]
    dst = edge_index[1]
    # GIN aggregation (eps=0, not learnable): h = (1+eps)*x + sum_{j in N(i)} x_j
    agg = jnp.zeros_like(x).at[dst].add(x[src])
    h = x + agg
    # mlp1: Linear -> ReLU -> BatchNorm1d (training-mode batch stats) -> Linear
    h = h @ W1 + b1
    h = jax.nn.relu(h)
    mean = jnp.mean(h, axis=0)
    var = jnp.var(h, axis=0)
    h = (h - mean) / jnp.sqrt(var + BN_EPS) * gamma + beta
    h = h @ W2 + b2
    # final fc
    z = h @ Wfc + bfc
    return z

if __name__ == "__main__":
    import jax
    _d = setup_inputs()
    print(jax.jit(kernel)(*tuple(_d.values())))

</pallas_src>

<mosaic_0001>
#map = affine_map<(d0, d1) -> (0, 0)>
#map1 = affine_map<(d0, d1) -> (0, 0, 0, 0)>
#map2 = affine_map<(d0, d1) -> (0, 0, 0)>
module attributes {stable_mosaic.version = 14 : i64} {
  func.func @_sc_agg_body(%arg0: i32, %arg1: i32, %arg2: memref<10000x128xf32, #tpu.memory_space<hbm>>, %arg3: memref<32x5x50x40xi32, #tpu.memory_space<hbm>>, %arg4: memref<32x5x50x40xi32, #tpu.memory_space<hbm>>, %arg5: memref<2x10240x128xf32, #tpu.memory_space<hbm>>, %arg6: memref<2x50x40xi32, #tpu.memory_space<vmem>>, %arg7: memref<6x40x128xf32, #tpu.memory_space<vmem>>, %arg8: memref<16x128xf32, #tpu.memory_space<vmem>>, %arg9: memref<10240x128xf32, #tpu.memory_space<vmem_shared>>, %arg10: memref<6x!tpu.dma_semaphore, #tpu.memory_space<semaphore_mem>>, %arg11: memref<6x!tpu.dma_semaphore, #tpu.memory_space<semaphore_mem>>) attributes {dimension_semantics = [#tpu.dimension_semantics<core_parallel>, #tpu.dimension_semantics<subcore_parallel>], iteration_bounds = array<i64: 2, 16>, scalar_prefetch = 0 : i64, scratch_operands = 6 : i64, tpu.core_type = #tpu.core_type<sc_vector_subcore>, window_params = [{transform_indices = #map}, {transform_indices = #map1}, {transform_indices = #map1}, {transform_indices = #map2}]} {
    %mul3A = arith.constant 16 : i32
    %mul3A_0 = arith.muli %arg0, %mul3A : i32
    %add3A = arith.addi %mul3A_0, %arg1 : i32
    %broadcast_in_dim3A = arith.constant 0.000000e+00 : f32
    %broadcast_in_dim3A_1 = vector.broadcast %broadcast_in_dim3A : f32 to vector<16xf32>
    %scan3A = arith.constant 0 : i32
    %scan3A_2 = arith.constant 0 : i32
    %scan3A_3 = arith.constant 128 : i32
    %scan3A_4 = arith.addi %scan3A_2, %scan3A_3 : i32
    %scan3A_5 = arith.constant 1 : i32
    scf.for %scan3A_742 = %scan3A_2 to %scan3A_4 step %scan3A_5  : i32 {
      %jit3A = arith.constant 8 : i32
      %div3A = arith.divsi %scan3A_742, %jit3A : i32
      %sign3A = arith.constant 0 : i32
      %sign3A_743 = arith.cmpi sgt, %scan3A_742, %sign3A : i32
      %sign3A_744 = arith.extui %sign3A_743 : i1 to i32
      %sign3A_745 = arith.constant 0 : i32
      %sign3A_746 = arith.cmpi slt, %scan3A_742, %sign3A_745 : i32
      %sign3A_747 = arith.extui %sign3A_746 : i1 to i32
      %sign3A_748 = arith.subi %sign3A_744, %sign3A_747 : i32
      %sign3A_749 = arith.constant 0 : i32
      %sign3A_750 = arith.cmpi sgt, %jit3A, %sign3A_749 : i32
      %sign3A_751 = arith.extui %sign3A_750 : i1 to i32
      %sign3A_752 = arith.constant 0 : i32
      %sign3A_753 = arith.cmpi slt, %jit3A, %sign3A_752 : i32
      %sign3A_754 = arith.extui %sign3A_753 : i1 to i32
      %sign3A_755 = arith.subi %sign3A_751, %sign3A_754 : i32
      %ne3A = arith.cmpi ne, %sign3A_748, %sign3A_755 : i32
      %rem3A_756 = arith.remsi %scan3A_742, %jit3A : i32
      %ne3A_757 = arith.constant 0 : i32
      %ne3A_758 = arith.cmpi ne, %rem3A_756, %ne3A_757 : i32
      %and3A = arith.andi %ne3A, %ne3A_758 : i1
      %sub3A = arith.constant 1 : i32
      %sub3A_759 = arith.subi %div3A, %sub3A : i32
      %select_n3A = arith.select %and3A, %sub3A_759, %div3A : i32
      %jit3A_760 = arith.constant 8 : i32
      %eq3A = arith.constant 0 : i32
      %eq3A_761 = arith.cmpi eq, %jit3A_760, %eq3A : i32
      %jit3A_762 = arith.constant 1 : i32
      %select_n3A_763 = arith.select %eq3A_761, %jit3A_762, %jit3A_760 : i32
      %rem3A_764 = arith.remsi %scan3A_742, %select_n3A_763 : i32
      %ne3A_765 = arith.constant 0 : i32
      %ne3A_766 = arith.cmpi ne, %rem3A_764, %ne3A_765 : i32
      %lt3A = arith.constant 0 : i32
      %lt3A_767 = arith.cmpi slt, %rem3A_764, %lt3A : i32
      %lt3A_768 = arith.constant 0 : i32
      %lt3A_769 = arith.cmpi slt, %select_n3A_763, %lt3A_768 : i32
      %ne3A_770 = arith.xori %lt3A_767, %lt3A_769 : i1
      %and3A_771 = arith.andi %ne3A_770, %ne3A_766 : i1
      %add3A_772 = arith.addi %rem3A_764, %select_n3A_763 : i32
      %select_n3A_773 = arith.select %and3A_771, %add3A_772, %rem3A_764 : i32
      %mul3A_774 = arith.constant 16 : i32
      %mul3A_775 = arith.muli %select_n3A_773, %mul3A_774 : i32
      %swap3A = arith.index_cast %select_n3A : i32 to index
      %swap3A_776 = arith.index_cast %mul3A_775 : i32 to index
      %swap3A_777 = tpu.vector_load %arg8[%swap3A, %swap3A_776] {strides = array<i32>} : memref<16x128xf32, #tpu.memory_space<vmem>>, vector<1x16xf32>,
      %swap3A_778 = vector.shape_cast %swap3A_777 : vector<1x16xf32> to vector<16xf32>
      %swap3A_779 = vector.shape_cast %broadcast_in_dim3A_1 : vector<16xf32> to vector<1x16xf32>
      tpu.vector_store %arg8[%swap3A, %swap3A_776], %swap3A_779 {strides = array<i32>} : memref<16x128xf32, #tpu.memory_space<vmem>>, vector<1x16xf32>,
    }
    %scan3A_6 = arith.constant 128 : i32
    %mul3A_7 = arith.constant 640 : i32
    %mul3A_8 = arith.muli %arg1, %mul3A_7 : i32
    %scan3A_9 = arith.constant 0 : i32
    %scan3A_10 = arith.constant 0 : i32
    %scan3A_11 = arith.constant 40 : i32
    %scan3A_12 = arith.addi %scan3A_10, %scan3A_11 : i32
    %scan3A_13 = arith.constant 1 : i32
    scf.for %scan3A_742 = %scan3A_10 to %scan3A_12 step %scan3A_13  : i32 {
      %mul3A_743 = arith.constant 16 : i32
      %mul3A_744 = arith.muli %scan3A_742, %mul3A_743 : i32
      %add3A_745 = arith.addi %mul3A_8, %mul3A_744 : i32
      "tpu.region"() ({
        %run_scoped3A_746 = tpu.sem_alloc : memref<!tpu.dma_semaphore, #tpu.memory_space<semaphore_mem>>
        %dma_start3A_747 = arith.constant 0 : i32
        %dma_start3A_748 = tpu.memref_slice %arg9[%add3A_745, %dma_start3A_747] : memref<10240x128xf32, #tpu.memory_space<vmem_shared>> -> memref<16x128xf32, #tpu.memory_space<vmem_shared>>
        %dma_start3A_749 = arith.constant 0 : i32
        %dma_start3A_750 = tpu.memref_slice %arg9[%add3A_745, %dma_start3A_749] : memref<10240x128xf32, #tpu.memory_space<vmem_shared>> -> memref<16x128xf32, #tpu.memory_space<vmem_shared>>
        tpu.enqueue_dma source(%arg8 : memref<16x128xf32, #tpu.memory_space<vmem>>) target(%dma_start3A_750 : memref<16x128xf32, #tpu.memory_space<vmem_shared>>) target_semaphore(%run_scoped3A_746 : memref<!tpu.dma_semaphore, #tpu.memory_space<semaphore_mem>>)
        %dma_wait3A_751 = arith.constant 0 : i32
        %dma_wait3A_752 = tpu.memref_slice %arg9[%add3A_745, %dma_wait3A_751] : memref<10240x128xf32, #tpu.memory_space<vmem_shared>> -> memref<16x128xf32, #tpu.memory_space<vmem_shared>>
        %dma_wait3A_753 = arith.constant 0 : i32
        %dma_wait3A_754 = tpu.memref_slice %arg9[%add3A_745, %dma_wait3A_753] : memref<10240x128xf32, #tpu.memory_space<vmem_shared>> -> memref<16x128xf32, #tpu.memory_space<vmem_shared>>
        tpu.wait_dma2 semaphore(%run_scoped3A_746 : memref<!tpu.dma_semaphore, #tpu.memory_space<semaphore_mem>>) src(%arg8 : memref<16x128xf32, #tpu.memory_space<vmem>>) dst(%dma_wait3A_754 : memref<16x128xf32, #tpu.memory_space<vmem_shared>>)
        tpu.yield
      }) : () -> ()
    }
    %scan3A_14 = arith.constant 40 : i32
    %barrier3A = arith.constant 0 : index
    tpu.barrier barrier_id(%barrier3A)
    %run_scoped3A = arith.constant 0 : i32
    %run_scoped3A_15 = arith.constant 0 : i32
    "tpu.region"() ({
      %run_scoped3A_742 = tpu.sem_alloc : memref<!tpu.dma_semaphore, #tpu.memory_space<semaphore_mem>>
      %dma_start3A_743 = arith.constant 0 : i32
      %dma_start3A_744 = arith.constant 0 : i32
      %dma_start3A_745 = tpu.memref_slice %arg6[%run_scoped3A_15, %dma_start3A_743, %dma_start3A_744] : memref<2x50x40xi32, #tpu.memory_space<vmem>> -> memref<1x50x40xi32, #tpu.memory_space<vmem>>
      %dma_start3A_746 = tpu.memref_squeeze %dma_start3A_745 : memref<1x50x40xi32, #tpu.memory_space<vmem>> -> memref<50x40xi32, #tpu.memory_space<vmem>>
      %dma_start3A_747 = arith.constant 0 : i32
      %dma_start3A_748 = arith.constant 0 : i32
      %dma_start3A_749 = tpu.memref_slice %arg3[%add3A, %run_scoped3A, %dma_start3A_747, %dma_start3A_748] : memref<32x5x50x40xi32, #tpu.memory_space<hbm>> -> memref<1x1x50x40xi32, #tpu.memory_space<hbm>>
      %dma_start3A_750 = tpu.memref_squeeze %dma_start3A_749 : memref<1x1x50x40xi32, #tpu.memory_space<hbm>> -> memref<50x40xi32, #tpu.memory_space<hbm>>
      %dma_start3A_751 = arith.constant 0 : i32
      %dma_start3A_752 = arith.constant 0 : i32
      %dma_start3A_753 = tpu.memref_slice %arg6[%run_scoped3A_15, %dma_start3A_751, %dma_start3A_752] : memref<2x50x40xi32, #tpu.memory_space<vmem>> -> memref<1x50x40xi32, #tpu.memory_space<vmem>>
      %dma_start3A_754 = tpu.memref_squeeze %dma_start3A_753 : memref<1x50x40xi32, #tpu.memory_space<vmem>> -> memref<50x40xi32, #tpu.memory_space<vmem>>
      %dma_start3A_755 = arith.constant 0 : i32
      %dma_start3A_756 = arith.constant 0 : i32
      %dma_start3A_757 = tpu.memref_slice %arg3[%add3A, %run_scoped3A, %dma_start3A_755, %dma_start3A_756] : memref<32x5x50x40xi32, #tpu.memory_space<hbm>> -> memref<1x1x50x40xi32, #tpu.memory_space<hbm>>
      %dma_start3A_758 = tpu.memref_squeeze %dma_start3A_757 : memref<1x1x50x40xi32, #tpu.memory_space<hbm>> -> memref<50x40xi32, #tpu.memory_space<hbm>>
      tpu.enqueue_dma source(%dma_start3A_758 : memref<50x40xi32, #tpu.memory_space<hbm>>) target(%dma_start3A_754 : memref<50x40xi32, #tpu.memory_space<vmem>>) target_semaphore(%run_scoped3A_742 : memref<!tpu.dma_semaphore, #tpu.memory_space<semaphore_mem>>)
      %dma_wait3A_759 = arith.constant 0 : i32
      %dma_wait3A_760 = arith.constant 0 : i32
      %dma_wait3A_761 = tpu.memref_slice %arg6[%run_scoped3A_15, %dma_wait3A_759, %dma_wait3A_760] : memref<2x50x40xi32, #tpu.memory_space<vmem>> -> memref<1x50x40xi32, #tpu.memory_space<vmem>>
      %dma_wait3A_762 = tpu.memref_squeeze %dma_wait3A_761 : memref<1x50x40xi32, #tpu.memory_space<vmem>> -> memref<50x40xi32, #tpu.memory_space<vmem>>
      %dma_wait3A_763 = arith.constant 0 : i32
      %dma_wait3A_764 = arith.constant 0 : i32
      %dma_wait3A_765 = tpu.memref_slice %arg3[%add3A, %run_scoped3A, %dma_wait3A_763, %dma_wait3A_764] : memref<32x5x50x40xi32, #tpu.memory_space<hbm>> -> memref<1x1x50x40xi32, #tpu.memory_space<hbm>>
      %dma_wait3A_766 = tpu.memref_squeeze %dma_wait3A_765 : memref<1x1x50x40xi32, #tpu.memory_space<hbm>> -> memref<50x40xi32, #tpu.memory_space<hbm>>
      %dma_wait3A_767 = arith.constant 0 : i32
      %dma_wait3A_768 = arith.constant 0 : i32
      %dma_wait3A_769 = tpu.memref_slice %arg6[%run_scoped3A_15, %dma_wait3A_767, %dma_wait3A_768] : memref<2x50x40xi32, #tpu.memory_space<vmem>> -> memref<1x50x40xi32, #tpu.memory_space<vmem>>
      %dma_wait3A_770 = tpu.memref_squeeze %dma_wait3A_769 : memref<1x50x40xi32, #tpu.memory_space<vmem>> -> memref<50x40xi32, #tpu.memory_space<vmem>>
      %dma_wait3A_771 = arith.constant 0 : i32
      %dma_wait3A_772 = arith.constant 0 : i32
      %dma_wait3A_773 = tpu.memref_slice %arg3[%add3A, %run_scoped3A, %dma_wait3A_771, %dma_wait3A_772] : memref<32x5x50x40xi32, #tpu.memory_space<hbm>> -> memref<1x1x50x40xi32, #tpu.memory_space<hbm>>
      %dma_wait3A_774 = tpu.memref_squeeze %dma_wait3A_773 : memref<1x1x50x40xi32, #tpu.memory_space<hbm>> -> memref<50x40xi32, #tpu.memory_space<hbm>>
      tpu.wait_dma2 semaphore(%run_scoped3A_742 : memref<!tpu.dma_semaphore, #tpu.memory_space<semaphore_mem>>) src(%dma_wait3A_774 : memref<50x40xi32, #tpu.memory_space<hbm>>) dst(%dma_wait3A_770 : memref<50x40xi32, #tpu.memory_space<vmem>>)
      tpu.yield
    }) : () -> ()
    %run_scoped3A_16 = arith.constant 0 : i32
    %run_scoped3A_17 = arith.constant 1 : i32
    "tpu.region"() ({
      %run_scoped3A_742 = tpu.sem_alloc : memref<!tpu.dma_semaphore, #tpu.memory_space<semaphore_mem>>
      %dma_start3A_743 = arith.constant 0 : i32
      %dma_start3A_744 = arith.constant 0 : i32
      %dma_start3A_745 = tpu.memref_slice %arg6[%run_scoped3A_17, %dma_start3A_743, %dma_start3A_744] : memref<2x50x40xi32, #tpu.memory_space<vmem>> -> memref<1x50x40xi32, #tpu.memory_space<vmem>>
      %dma_start3A_746 = tpu.memref_squeeze %dma_start3A_745 : memref<1x50x40xi32, #tpu.memory_space<vmem>> -> memref<50x40xi32, #tpu.memory_space<vmem>>
      %dma_start3A_747 = arith.constant 0 : i32
      %dma_start3A_748 = arith.constant 0 : i32
      %dma_start3A_749 = tpu.memref_slice %arg4[%add3A, %run_scoped3A_16, %dma_start3A_747, %dma_start3A_748] : memref<32x5x50x40xi32, #tpu.memory_space<hbm>> -> memref<1x1x50x40xi32, #tpu.memory_space<hbm>>
      %dma_start3A_750 = tpu.memref_squeeze %dma_start3A_749 : memref<1x1x50x40xi32, #tpu.memory_space<hbm>> -> memref<50x40xi32, #tpu.memory_space<hbm>>
      %dma_start3A_751 = arith.constant 0 : i32
      %dma_start3A_752 = arith.constant 0 : i32
      %dma_start3A_753 = tpu.memref_slice %arg6[%run_scoped3A_17, %dma_start3A_751, %dma_start3A_752] : memref<2x50x40xi32, #tpu.memory_space<vmem>> -> memref<1x50x40xi32, #tpu.memory_space<vmem>>
      %dma_start3A_754 = tpu.memref_squeeze %dma_start3A_753 : memref<1x50x40xi32, #tpu.memory_space<vmem>> -> memref<50x40xi32, #tpu.memory_space<vmem>>
      %dma_start3A_755 = arith.constant 0 : i32
      %dma_start3A_756 = arith.constant 0 : i32
      %dma_start3A_757 = tpu.memref_slice %arg4[%add3A, %run_scoped3A_16, %dma_start3A_755, %dma_start3A_756] : memref<32x5x50x40xi32, #tpu.memory_space<hbm>> -> memref<1x1x50x40xi32, #tpu.memory_space<hbm>>
      %dma_start3A_758 = tpu.memref_squeeze %dma_start3A_757 : memref<1x1x50x40xi32, #tpu.memory_space<hbm>> -> memref<50x40xi32, #tpu.memory_space<hbm>>
      tpu.enqueue_dma source(%dma_start3A_758 : memref<50x40xi32, #tpu.memory_space<hbm>>) target(%dma_start3A_754 : memref<50x40xi32, #tpu.memory_space<vmem>>) target_semaphore(%run_scoped3A_742 : memref<!tpu.dma_semaphore, #tpu.memory_space<semaphore_mem>>)
      %dma_wait3A_759 = arith.constant 0 : i32
      %dma_wait3A_760 = arith.constant 0 : i32
      %dma_wait3A_761 = tpu.memref_slice %arg6[%run_scoped3A_17, %dma_wait3A_759, %dma_wait3A_760] : memref<2x50x40xi32, #tpu.memory_space<vmem>> -> memref<1x50x40xi32, #tpu.memory_space<vmem>>
      %dma_wait3A_762 = tpu.memref_squeeze %dma_wait3A_761 : memref<1x50x40xi32, #tpu.memory_space<vmem>> -> memref<50x40xi32, #tpu.memory_space<vmem>>
      %dma_wait3A_763 = arith.constant 0 : i32
      %dma_wait3A_764 = arith.constant 0 : i32
      %dma_wait3A_765 = tpu.memref_slice %arg4[%add3A, %run_scoped3A_16, %dma_wait3A_763, %dma_wait3A_764] : memref<32x5x50x40xi32, #tpu.memory_space<hbm>> -> memref<1x1x50x40xi32, #tpu.memory_space<hbm>>
      %dma_wait3A_766 = tpu.memref_squeeze %dma_wait3A_765 : memref<1x1x50x40xi32, #tpu.memory_space<hbm>> -> memref<50x40xi32, #tpu.memory_space<hbm>>
      %dma_wait3A_767 = arith.constant 0 : i32
      %dma_wait3A_768 = arith.constant 0 : i32
      %dma_wait3A_769 = tpu.memref_slice %arg6[%run_scoped3A_17, %dma_wait3A_767, %dma_wait3A_768] : memref<2x50x40xi32, #tpu.memory_space<vmem>> -> memref<1x50x40xi32, #tpu.memory_space<vmem>>
      %dma_wait3A_770 = tpu.memref_squeeze %dma_wait3A_769 : memref<1x50x40xi32, #tpu.memory_space<vmem>> -> memref<50x40xi32, #tpu.memory_space<vmem>>
      %dma_wait3A_771 = arith.constant 0 : i32
      %dma_wait3A_772 = arith.constant 0 : i32
      %dma_wait3A_773 = tpu.memref_slice %arg4[%add3A, %run_scoped3A_16, %dma_wait3A_771, %dma_wait3A_772] : memref<32x5x50x40xi32, #tpu.memory_space<hbm>> -> memref<1x1x50x40xi32, #tpu.memory_space<hbm>>
      %dma_wait3A_774 = tpu.memref_squeeze %dma_wait3A_773 : memref<1x1x50x40xi32, #tpu.memory_space<hbm>> -> memref<50x40xi32, #tpu.memory_space<hbm>>
      tpu.wait_dma2 semaphore(%run_scoped3A_742 : memref<!tpu.dma_semaphore, #tpu.memory_space<semaphore_mem>>) src(%dma_wait3A_774 : memref<50x40xi32, #tpu.memory_space<hbm>>) dst(%dma_wait3A_770 : memref<50x40xi32, #tpu.memory_space<vmem>>)
      tpu.yield
    }) : () -> ()
    %rem3A = arith.constant 0 : i32
    %rem3A_18 = arith.constant 6 : i32
    %rem3A_19 = arith.remsi %rem3A, %rem3A_18 : i32
    %dma_start3A = arith.constant 0 : i32
    %dma_start3A_20 = arith.constant 0 : i32
    %dma_start3A_21 = arith.constant 0 : i32
    %dma_start3A_22 = arith.constant 0 : i32
    %dma_start3A_23 = tpu.memref_slice %arg7[%rem3A_19, %dma_start3A_21, %dma_start3A_22] : memref<6x40x128xf32, #tpu.memory_space<vmem>> -> memref<1x40x128xf32, #tpu.memory_space<vmem>>
    %dma_start3A_24 = tpu.memref_squeeze %dma_start3A_23 : memref<1x40x128xf32, #tpu.memory_space<vmem>> -> memref<40x128xf32, #tpu.memory_space<vmem>>
    %dma_start3A_25 = arith.constant 0 : i32
    %dma_start3A_26 = tpu.memref_slice %arg6[%dma_start3A, %dma_start3A_20, %dma_start3A_25] : memref<2x50x40xi32, #tpu.memory_space<vmem>> -> memref<1x1x40xi32, #tpu.memory_space<vmem>>
    %dma_start3A_27 = tpu.memref_squeeze %dma_start3A_26 : memref<1x1x40xi32, #tpu.memory_space<vmem>> -> memref<40xi32, #tpu.memory_space<vmem>>
    %dma_start3A_28 = arith.constant 0 : i32
    %dma_start3A_29 = arith.constant 0 : i32
    %dma_start3A_30 = tpu.memref_slice %arg2[%dma_start3A_28, %dma_start3A_29] : memref<10000x128xf32, #tpu.memory_space<hbm>> -> memref<10000x128xf32, #tpu.memory_space<hbm>>
    %dma_start3A_31 = tpu.memref_slice %arg10[%rem3A_19] : memref<6x!tpu.dma_semaphore, #tpu.memory_space<semaphore_mem>> -> memref<1x!tpu.dma_semaphore, #tpu.memory_space<semaphore_mem>>
    %dma_start3A_32 = tpu.memref_squeeze %dma_start3A_31 : memref<1x!tpu.dma_semaphore, #tpu.memory_space<semaphore_mem>> -> memref<!tpu.dma_semaphore, #tpu.memory_space<semaphore_mem>>
    tpu.enqueue_indirect_dma source(%dma_start3A_30 : memref<10000x128xf32, #tpu.memory_space<hbm>>) target(%dma_start3A_24 : memref<40x128xf32, #tpu.memory_space<vmem>>) offsets(%dma_start3A_27 : memref<40xi32, #tpu.memory_space<vmem>>) semaphore(%dma_start3A_32 : memref<!tpu.dma_semaphore, #tpu.memory_space<semaphore_mem>>)
    %rem3A_33 = arith.constant 1 : i32
    %rem3A_34 = arith.constant 6 : i32
    %rem3A_35 = arith.remsi %rem3A_33, %rem3A_34 : i32
    %dma_start3A_36 = arith.constant 0 : i32
    %dma_start3A_37 = arith.constant 1 : i32
    %dma_start3A_38 = arith.constant 0 : i32
    %dma_start3A_39 = arith.constant 0 : i32
    %dma_start3A_40 = tpu.memref_slice %arg7[%rem3A_35, %dma_start3A_38, %dma_start3A_39] : memref<6x40x128xf32, #tpu.memory_space<vmem>> -> memref<1x40x128xf32, #tpu.memory_space<vmem>>
    %dma_start3A_41 = tpu.memref_squeeze %dma_start3A_40 : memref<1x40x128xf32, #tpu.memory_space<vmem>> -> memref<40x128xf32, #tpu.memory_space<vmem>>
    %dma_start3A_42 = arith.constant 0 : i32
    %dma_start3A_43 = tpu.memref_slice %arg6[%dma_start3A_36, %dma_start3A_37, %dma_start3A_42] : memref<2x50x40xi32, #tpu.memory_space<vmem>> -> memref<1x1x40xi32, #tpu.memory_space<vmem>>
    %dma_start3A_44 = tpu.memref_squeeze %dma_start3A_43 : memref<1x1x40xi32, #tpu.memory_space<vmem>> -> memref<40xi32, #tpu.memory_space<vmem>>
    %dma_start3A_45 = arith.constant 0 : i32
    %dma_start3A_46 = arith.constant 0 : i32
    %dma_start3A_47 = tpu.memref_slice %arg2[%dma_start3A_45, %dma_start3A_46] : memref<10000x128xf32, #tpu.memory_space<hbm>> -> memref<10000x128xf32, #tpu.memory_space<hbm>>
    %dma_start3A_48 = tpu.memref_slice %arg10[%rem3A_35] : memref<6x!tpu.dma_semaphore, #tpu.memory_space<semaphore_mem>> -> memref<1x!tpu.dma_semaphore, #tpu.memory_space<semaphore_mem>>
    %dma_start3A_49 = tpu.memref_squeeze %dma_start3A_48 : memref<1x!tpu.dma_semaphore, #tpu.memory_space<semaphore_mem>> -> memref<!tpu.dma_semaphore, #tpu.memory_space<semaphore_mem>>
    tpu.enqueue_indirect_dma source(%dma_start3A_47 : memref<10000x128xf32, #tpu.memory_space<hbm>>) target(%dma_start3A_41 : memref<40x128xf32, #tpu.memory_space<vmem>>) offsets(%dma_start3A_44 : memref<40xi32, #tpu.memory_space<vmem>>) semaphore(%dma_start3A_49 : memref<!tpu.dma_semaphore, #tpu.memory_space<semaphore_mem>>)
    %rem3A_50 = arith.constant 2 : i32
    %rem3A_51 = arith.constant 6 : i32
    %rem3A_52 = arith.remsi %rem3A_50, %rem3A_51 : i32
    %dma_start3A_53 = arith.constant 0 : i32
    %dma_start3A_54 = arith.constant 2 : i32
    %dma_start3A_55 = arith.constant 0 : i32
    %dma_start3A_56 = arith.constant 0 : i32
    %dma_start3A_57 = tpu.memref_slice %arg7[%rem3A_52, %dma_start3A_55, %dma_start3A_56] : memref<6x40x128xf32, #tpu.memory_space<vmem>> -> memref<1x40x128xf32, #tpu.memory_space<vmem>>
    %dma_start3A_58 = tpu.memref_squeeze %dma_start3A_57 : memref<1x40x128xf32, #tpu.memory_space<vmem>> -> memref<40x128xf32, #tpu.memory_space<vmem>>
    %dma_start3A_59 = arith.constant 0 : i32
    %dma_start3A_60 = tpu.memref_slice %arg6[%dma_start3A_53, %dma_start3A_54, %dma_start3A_59] : memref<2x50x40xi32, #tpu.memory_space<vmem>> -> memref<1x1x40xi32, #tpu.memory_space<vmem>>
    %dma_start3A_61 = tpu.memref_squeeze %dma_start3A_60 : memref<1x1x40xi32, #tpu.memory_space<vmem>> -> memref<40xi32, #tpu.memory_space<vmem>>
    %dma_start3A_62 = arith.constant 0 : i32
    %dma_start3A_63 = arith.constant 0 : i32
    %dma_start3A_64 = tpu.memref_slice %arg2[%dma_start3A_62, %dma_start3A_63] : memref<10000x128xf32, #tpu.memory_space<hbm>> -> memref<10000x128xf32, #tpu.memory_space<hbm>>
    %dma_start3A_65 = tpu.memref_slice %arg10[%rem3A_52] : memref<6x!tpu.dma_semaphore, #tpu.memory_space<semaphore_mem>> -> memref<1x!tpu.dma_semaphore, #tpu.memory_space<semaphore_mem>>
    %dma_start3A_66 = tpu.memref_squeeze %dma_start3A_65 : memref<1x!tpu.dma_semaphore, #tpu.memory_space<semaphore_mem>> -> memref<!tpu.dma_semaphore, #tpu.memory_space<semaphore_mem>>
    tpu.enqueue_indirect_dma source(%dma_start3A_64 : memref<10000x128xf32, #tpu.memory_space<hbm>>) target(%dma_start3A_58 : memref<40x128xf32, #tpu.memory_space<vmem>>) offsets(%dma_start3A_61 : memref<40xi32, #tpu.memory_space<vmem>>) semaphore(%dma_start3A_66 : memref<!tpu.dma_semaphore, #tpu.memory_space<semaphore_mem>>)
    %rem3A_67 = arith.constant 3 : i32
    %rem3A_68 = arith.constant 6 : i32
    %rem3A_69 = arith.remsi %rem3A_67, %rem3A_68 : i32
    %dma_start3A_70 = arith.constant 0 : i32
    %dma_start3A_71 = arith.constant 3 : i32
    %dma_start3A_72 = arith.constant 0 : i32
    %dma_start3A_73 = arith.constant 0 : i32
    %dma_start3A_74 = tpu.memref_slice %arg7[%rem3A_69, %dma_start3A_72, %dma_start3A_73] : memref<6x40x128xf32, #tpu.memory_space<vmem>> -> memref<1x40x128xf32, #tpu.memory_space<vmem>>
    %dma_start3A_75 = tpu.memref_squeeze %dma_start3A_74 : memref<1x40x128xf32, #tpu.memory_space<vmem>> -> memref<40x128xf32, #tpu.memory_space<vmem>>
    %dma_start3A_76 = arith.constant 0 : i32
    %dma_start3A_77 = tpu.memref_slice %arg6[%dma_start3A_70, %dma_start3A_71, %dma_start3A_76] : memref<2x50x40xi32, #tpu.memory_space<vmem>> -> memref<1x1x40xi32, #tpu.memory_space<vmem>>
    %dma_start3A_78 = tpu.memref_squeeze %dma_start3A_77 : memref<1x1x40xi32, #tpu.memory_space<vmem>> -> memref<40xi32, #tpu.memory_space<vmem>>
    %dma_start3A_79 = arith.constant 0 : i32
    %dma_start3A_80 = arith.constant 0 : i32
    %dma_start3A_81 = tpu.memref_slice %arg2[%dma_start3A_79, %dma_start3A_80] : memref<10000x128xf32, #tpu.memory_space<hbm>> -> memref<10000x128xf32, #tpu.memory_space<hbm>>
    %dma_start3A_82 = tpu.memref_slice %arg10[%rem3A_69] : memref<6x!tpu.dma_semaphore, #tpu.memory_space<semaphore_mem>> -> memref<1x!tpu.dma_semaphore, #tpu.memory_space<semaphore_mem>>
    %dma_start3A_83 = tpu.memref_squeeze %dma_start3A_82 : memref<1x!tpu.dma_semaphore, #tpu.memory_space<semaphore_mem>> -> memref<!tpu.dma_semaphore, #tpu.memory_space<semaphore_mem>>
    tpu.enqueue_indirect_dma source(%dma_start3A_81 : memref<10000x128xf32, #tpu.memory_space<hbm>>) target(%dma_start3A_75 : memref<40x128xf32, #tpu.memory_space<vmem>>) offsets(%dma_start3A_78 : memref<40xi32, #tpu.memory_space<vmem>>) semaphore(%dma_start3A_83 : memref<!tpu.dma_semaphore, #tpu.memory_space<semaphore_mem>>)
    %scan3A_84 = arith.constant 0 : i32
    %scan3A_85 = arith.constant 0 : i32
    %scan3A_86 = arith.constant 50 : i32
    %scan3A_87 = arith.addi %scan3A_85, %scan3A_86 : i32
    %scan3A_88 = arith.constant 1 : i32
    scf.for %scan3A_742 = %scan3A_85 to %scan3A_87 step %scan3A_88  : i32 {
      %rem3A_743 = arith.constant 6 : i32
      %rem3A_744 = arith.remsi %scan3A_742, %rem3A_743 : i32
      %dma_wait3A_745 = arith.constant 0 : i32
      %dma_wait3A_746 = arith.constant 0 : i32
      %dma_wait3A_747 = arith.constant 0 : i32
      %dma_wait3A_748 = tpu.memref_slice %arg7[%rem3A_744, %dma_wait3A_746, %dma_wait3A_747] : memref<6x40x128xf32, #tpu.memory_space<vmem>> -> memref<1x40x128xf32, #tpu.memory_space<vmem>>
      %dma_wait3A_749 = tpu.memref_squeeze %dma_wait3A_748 : memref<1x40x128xf32, #tpu.memory_space<vmem>> -> memref<40x128xf32, #tpu.memory_space<vmem>>
      %dma_wait3A_750 = arith.constant 0 : i32
      %dma_wait3A_751 = tpu.memref_slice %arg6[%dma_wait3A_745, %scan3A_742, %dma_wait3A_750] : memref<2x50x40xi32, #tpu.memory_space<vmem>> -> memref<1x1x40xi32, #tpu.memory_space<vmem>>
      %dma_wait3A_752 = tpu.memref_squeeze %dma_wait3A_751 : memref<1x1x40xi32, #tpu.memory_space<vmem>> -> memref<40xi32, #tpu.memory_space<vmem>>
      %dma_wait3A_753 = arith.constant 0 : i32
      %dma_wait3A_754 = arith.constant 0 : i32
      %dma_wait3A_755 = tpu.memref_slice %arg2[%dma_wait3A_753, %dma_wait3A_754] : memref<10000x128xf32, #tpu.memory_space<hbm>> -> memref<10000x128xf32, #tpu.memory_space<hbm>>
      %dma_wait3A_756 = tpu.memref_slice %arg10[%rem3A_744] : memref<6x!tpu.dma_semaphore, #tpu.memory_space<semaphore_mem>> -> memref<1x!tpu.dma_semaphore, #tpu.memory_space<semaphore_mem>>
      %dma_wait3A_757 = tpu.memref_squeeze %dma_wait3A_756 : memref<1x!tpu.dma_semaphore, #tpu.memory_space<semaphore_mem>> -> memref<!tpu.dma_semaphore, #tpu.memory_space<semaphore_mem>>
      tpu.wait_indirect_dma semaphore(%dma_wait3A_757 : memref<!tpu.dma_semaphore, #tpu.memory_space<semaphore_mem>>) src(%dma_wait3A_755 : memref<10000x128xf32, #tpu.memory_space<hbm>>) dst(%dma_wait3A_749 : memref<40x128xf32, #tpu.memory_space<vmem>>)
      %ge3A = arith.constant 4 : i32
      %ge3A_758 = arith.cmpi sge, %scan3A_742, %ge3A : i32
      %convert_element_type3A = arith.extui %ge3A_758 : i1 to i32
      %cond3A = arith.constant 0 : i32
      %cond3A_759 = arith.cmpi ne, %convert_element_type3A, %cond3A : i32
      scf.if %cond3A_759 {
        %sub3A = arith.constant 4 : i32
        %sub3A_779 = arith.subi %scan3A_742, %sub3A : i32
        %rem3A_780 = arith.constant 6 : i32
        %rem3A_781 = arith.remsi %sub3A_779, %rem3A_780 : i32
        %dma_wait3A_782 = arith.constant 1 : i32
        %dma_wait3A_783 = arith.constant 0 : i32
        %dma_wait3A_784 = arith.constant 0 : i32
        %dma_wait3A_785 = tpu.memref_slice %arg7[%rem3A_781, %dma_wait3A_783, %dma_wait3A_784] : memref<6x40x128xf32, #tpu.memory_space<vmem>> -> memref<1x40x128xf32, #tpu.memory_space<vmem>>
        %dma_wait3A_786 = tpu.memref_squeeze %dma_wait3A_785 : memref<1x40x128xf32, #tpu.memory_space<vmem>> -> memref<40x128xf32, #tpu.memory_space<vmem>>
        %dma_wait3A_787 = arith.constant 0 : i32
        %dma_wait3A_788 = tpu.memref_slice %arg6[%dma_wait3A_782, %sub3A_779, %dma_wait3A_787] : memref<2x50x40xi32, #tpu.memory_space<vmem>> -> memref<1x1x40xi32, #tpu.memory_space<vmem>>
        %dma_wait3A_789 = tpu.memref_squeeze %dma_wait3A_788 : memref<1x1x40xi32, #tpu.memory_space<vmem>> -> memref<40xi32, #tpu.memory_space<vmem>>
        %dma_wait3A_790 = arith.constant 0 : i32
        %dma_wait3A_791 = arith.constant 0 : i32
        %dma_wait3A_792 = tpu.memref_slice %arg9[%dma_wait3A_790, %dma_wait3A_791] : memref<10240x128xf32, #tpu.memory_space<vmem_shared>> -> memref<10240x128xf32, #tpu.memory_space<vmem_shared>>
        %dma_wait3A_793 = tpu.memref_slice %arg11[%rem3A_781] : memref<6x!tpu.dma_semaphore, #tpu.memory_space<semaphore_mem>> -> memref<1x!tpu.dma_semaphore, #tpu.memory_space<semaphore_mem>>
        %dma_wait3A_794 = tpu.memref_squeeze %dma_wait3A_793 : memref<1x!tpu.dma_semaphore, #tpu.memory_space<semaphore_mem>> -> memref<!tpu.dma_semaphore, #tpu.memory_space<semaphore_mem>>
        tpu.wait_indirect_dma semaphore(%dma_wait3A_794 : memref<!tpu.dma_semaphore, #tpu.memory_space<semaphore_mem>>) src(%dma_wait3A_786 : memref<40x128xf32, #tpu.memory_space<vmem>>) dst(%dma_wait3A_792 : memref<10240x128xf32, #tpu.memory_space<vmem_shared>>)
      } else {
      }
      %add3A_760 = arith.constant 4 : i32
      %add3A_761 = arith.addi %scan3A_742, %add3A_760 : i32
      %lt3A = arith.constant 50 : i32
      %lt3A_762 = arith.cmpi slt, %add3A_761, %lt3A : i32
      %convert_element_type3A_763 = arith.extui %lt3A_762 : i1 to i32
      %cond3A_764 = arith.constant 0 : i32
      %cond3A_765 = arith.cmpi ne, %convert_element_type3A_763, %cond3A_764 : i32
      scf.if %cond3A_765 {
        %add3A_779 = arith.constant 4 : i32
        %add3A_780 = arith.addi %scan3A_742, %add3A_779 : i32
        %rem3A_781 = arith.constant 6 : i32
        %rem3A_782 = arith.remsi %add3A_780, %rem3A_781 : i32
        %dma_start3A_783 = arith.constant 0 : i32
        %dma_start3A_784 = arith.constant 0 : i32
        %dma_start3A_785 = arith.constant 0 : i32
        %dma_start3A_786 = tpu.memref_slice %arg7[%rem3A_782, %dma_start3A_784, %dma_start3A_785] : memref<6x40x128xf32, #tpu.memory_space<vmem>> -> memref<1x40x128xf32, #tpu.memory_space<vmem>>
        %dma_start3A_787 = tpu.memref_squeeze %dma_start3A_786 : memref<1x40x128xf32, #tpu.memory_space<vmem>> -> memref<40x128xf32, #tpu.memory_space<vmem>>
        %dma_start3A_788 = arith.constant 0 : i32
        %dma_start3A_789 = tpu.memref_slice %arg6[%dma_start3A_783, %add3A_780, %dma_start3A_788] : memref<2x50x40xi32, #tpu.memory_space<vmem>> -> memref<1x1x40xi32, #tpu.memory_space<vmem>>
        %dma_start3A_790 = tpu.memref_squeeze %dma_start3A_789 : memref<1x1x40xi32, #tpu.memory_space<vmem>> -> memref<40xi32, #tpu.memory_space<vmem>>
        %dma_start3A_791 = arith.constant 0 : i32
        %dma_start3A_792 = arith.constant 0 : i32
        %dma_start3A_793 = tpu.memref_slice %arg2[%dma_start3A_791, %dma_start3A_792] : memref<10000x128xf32, #tpu.memory_space<hbm>> -> memref<10000x128xf32, #tpu.memory_space<hbm>>
        %dma_start3A_794 = tpu.memref_slice %arg10[%rem3A_782] : memref<6x!tpu.dma_semaphore, #tpu.memory_space<semaphore_mem>> -> memref<1x!tpu.dma_semaphore, #tpu.memory_space<semaphore_mem>>
        %dma_start3A_795 = tpu.memref_squeeze %dma_start3A_794 : memref<1x!tpu.dma_semaphore, #tpu.memory_space<semaphore_mem>> -> memref<!tpu.dma_semaphore, #tpu.memory_space<semaphore_mem>>
        tpu.enqueue_indirect_dma source(%dma_start3A_793 : memref<10000x128xf32, #tpu.memory_space<hbm>>) target(%dma_start3A_787 : memref<40x128xf32, #tpu.memory_space<vmem>>) offsets(%dma_start3A_790 : memref<40xi32, #tpu.memory_space<vmem>>) semaphore(%dma_start3A_795 : memref<!tpu.dma_semaphore, #tpu.memory_space<semaphore_mem>>)
      } else {
      }
      %dma_start3A_766 = arith.constant 1 : i32
      %dma_start3A_767 = arith.constant 0 : i32
      %dma_start3A_768 = arith.constant 0 : i32
      %dma_start3A_769 = tpu.memref_slice %arg7[%rem3A_744, %dma_start3A_767, %dma_start3A_768] : memref<6x40x128xf32, #tpu.memory_space<vmem>> -> memref<1x40x128xf32, #tpu.memory_space<vmem>>
      %dma_start3A_770 = tpu.memref_squeeze %dma_start3A_769 : memref<1x40x128xf32, #tpu.memory_space<vmem>> -> memref<40x128xf32, #tpu.memory_space<vmem>>
      %dma_start3A_771 = arith.constant 0 : i32
      %dma_start3A_772 = tpu.memref_slice %arg6[%dma_start3A_766, %scan3A_742, %dma_start3A_771] : memref<2x50x40xi32, #tpu.memory_space<vmem>> -> memref<1x1x40xi32, #tpu.memory_space<vmem>>
      %dma_start3A_773 = tpu.memref_squeeze %dma_start3A_772 : memref<1x1x40xi32, #tpu.memory_space<vmem>> -> memref<40xi32, #tpu.memory_space<vmem>>
      %dma_start3A_774 = arith.constant 0 : i32
      %dma_start3A_775 = arith.constant 0 : i32
      %dma_start3A_776 = tpu.memref_slice %arg9[%dma_start3A_774, %dma_start3A_775] : memref<10240x128xf32, #tpu.memory_space<vmem_shared>> -> memref<10240x128xf32, #tpu.memory_space<vmem_shared>>
      %dma_start3A_777 = tpu.memref_slice %arg11[%rem3A_744] : memref<6x!tpu.dma_semaphore, #tpu.memory_space<semaphore_mem>> -> memref<1x!tpu.dma_semaphore, #tpu.memory_space<semaphore_mem>>
      %dma_start3A_778 = tpu.memref_squeeze %dma_start3A_777 : memref<1x!tpu.dma_semaphore, #tpu.memory_space<semaphore_mem>> -> memref<!tpu.dma_semaphore, #tpu.memory_space<semaphore_mem>>
      tpu.enqueue_indirect_dma source(%dma_start3A_770 : memref<40x128xf32, #tpu.memory_space<vmem>>) target(%dma_start3A_776 : memref<10240x128xf32, #tpu.memory_space<vmem_shared>>) offsets(%dma_start3A_773 : memref<40xi32, #tpu.memory_space<vmem>>) semaphore(%dma_start3A_778 : memref<!tpu.dma_semaphore, #tpu.memory_space<semaphore_mem>>) {add = true}
    }
    %scan3A_89 = arith.constant 50 : i32
    %rem3A_90 = arith.constant 46 : i32
    %rem3A_91 = arith.constant 6 : i32
    %rem3A_92 = arith.remsi %rem3A_90, %rem3A_91 : i32
    %dma_wait3A = arith.constant 1 : i32
    %dma_wait3A_93 = arith.constant 46 : i32
    %dma_wait3A_94 = arith.constant 0 : i32
    %dma_wait3A_95 = arith.constant 0 : i32
    %dma_wait3A_96 = tpu.memref_slice %arg7[%rem3A_92, %dma_wait3A_94, %dma_wait3A_95] : memref<6x40x128xf32, #tpu.memory_space<vmem>> -> memref<1x40x128xf32, #tpu.memory_space<vmem>>
    %dma_wait3A_97 = tpu.memref_squeeze %dma_wait3A_96 : memref<1x40x128xf32, #tpu.memory_space<vmem>> -> memref<40x128xf32, #tpu.memory_space<vmem>>
    %dma_wait3A_98 = arith.constant 0 : i32
    %dma_wait3A_99 = tpu.memref_slice %arg6[%dma_wait3A, %dma_wait3A_93, %dma_wait3A_98] : memref<2x50x40xi32, #tpu.memory_space<vmem>> -> memref<1x1x40xi32, #tpu.memory_space<vmem>>
    %dma_wait3A_100 = tpu.memref_squeeze %dma_wait3A_99 : memref<1x1x40xi32, #tpu.memory_space<vmem>> -> memref<40xi32, #tpu.memory_space<vmem>>
    %dma_wait3A_101 = arith.constant 0 : i32
    %dma_wait3A_102 = arith.constant 0 : i32
    %dma_wait3A_103 = tpu.memref_slice %arg9[%dma_wait3A_101, %dma_wait3A_102] : memref<10240x128xf32, #tpu.memory_space<vmem_shared>> -> memref<10240x128xf32, #tpu.memory_space<vmem_shared>>
    %dma_wait3A_104 = tpu.memref_slice %arg11[%rem3A_92] : memref<6x!tpu.dma_semaphore, #tpu.memory_space<semaphore_mem>> -> memref<1x!tpu.dma_semaphore, #tpu.memory_space<semaphore_mem>>
    %dma_wait3A_105 = tpu.memref_squeeze %dma_wait3A_104 : memref<1x!tpu.dma_semaphore, #tpu.memory_space<semaphore_mem>> -> memref<!tpu.dma_semaphore, #tpu.memory_space<semaphore_mem>>
    tpu.wait_indirect_dma semaphore(%dma_wait3A_105 : memref<!tpu.dma_semaphore, #tpu.memory_space<semaphore_mem>>) src(%dma_wait3A_97 : memref<40x128xf32, #tpu.memory_space<vmem>>) dst(%dma_wait3A_103 : memref<10240x128xf32, #tpu.memory_space<vmem_shared>>)
    %rem3A_106 = arith.constant 47 : i32
    %rem3A_107 = arith.constant 6 : i32
    %rem3A_108 = arith.remsi %rem3A_106, %rem3A_107 : i32
    %dma_wait3A_109 = arith.constant 1 : i32
    %dma_wait3A_110 = arith.constant 47 : i32
    %dma_wait3A_111 = arith.constant 0 : i32
    %dma_wait3A_112 = arith.constant 0 : i32
    %dma_wait3A_113 = tpu.memref_slice %arg7[%rem3A_108, %dma_wait3A_111, %dma_wait3A_112] : memref<6x40x128xf32, #tpu.memory_space<vmem>> -> memref<1x40x128xf32, #tpu.memory_space<vmem>>
    %dma_wait3A_114 = tpu.memref_squeeze %dma_wait3A_113 : memref<1x40x128xf32, #tpu.memory_space<vmem>> -> memref<40x128xf32, #tpu.memory_space<vmem>>
    %dma_wait3A_115 = arith.constant 0 : i32
    %dma_wait3A_116 = tpu.memref_slice %arg6[%dma_wait3A_109, %dma_wait3A_110, %dma_wait3A_115] : memref<2x50x40xi32, #tpu.memory_space<vmem>> -> memref<1x1x40xi32, #tpu.memory_space<vmem>>
    %dma_wait3A_117 = tpu.memref_squeeze %dma_wait3A_116 : memref<1x1x40xi32, #tpu.memory_space<vmem>> -> memref<40xi32, #tpu.memory_space<vmem>>
    %dma_wait3A_118 = arith.constant 0 : i32
    %dma_wait3A_119 = arith.constant 0 : i32
    %dma_wait3A_120 = tpu.memref_slice %arg9[%dma_wait3A_118, %dma_wait3A_119] : memref<10240x128xf32, #tpu.memory_space<vmem_shared>> -> memref<10240x128xf32, #tpu.memory_space<vmem_shared>>
    %dma_wait3A_121 = tpu.memref_slice %arg11[%rem3A_108] : memref<6x!tpu.dma_semaphore, #tpu.memory_space<semaphore_mem>> -> memref<1x!tpu.dma_semaphore, #tpu.memory_space<semaphore_mem>>
    %dma_wait3A_122 = tpu.memref_squeeze %dma_wait3A_121 : memref<1x!tpu.dma_semaphore, #tpu.memory_space<semaphore_mem>> -> memref<!tpu.dma_semaphore, #tpu.memory_space<semaphore_mem>>
    tpu.wait_indirect_dma semaphore(%dma_wait3A_122 : memref<!tpu.dma_semaphore, #tpu.memory_space<semaphore_mem>>) src(%dma_wait3A_114 : memref<40x128xf32, #tpu.memory_space<vmem>>) dst(%dma_wait3A_120 : memref<10240x128xf32, #tpu.memory_space<vmem_shared>>)
    %rem3A_123 = arith.constant 48 : i32
    %rem3A_124 = arith.constant 6 : i32
    %rem3A_125 = arith.remsi %rem3A_123, %rem3A_124 : i32
    %dma_wait3A_126 = arith.constant 1 : i32
    %dma_wait3A_127 = arith.constant 48 : i32
    %dma_wait3A_128 = arith.constant 0 : i32
    %dma_wait3A_129 = arith.constant 0 : i32
    %dma_wait3A_130 = tpu.memref_slice %arg7[%rem3A_125, %dma_wait3A_128, %dma_wait3A_129] : memref<6x40x128xf32, #tpu.memory_space<vmem>> -> memref<1x40x128xf32, #tpu.memory_space<vmem>>
    %dma_wait3A_131 = tpu.memref_squeeze %dma_wait3A_130 : memref<1x40x128xf32, #tpu.memory_space<vmem>> -> memref<40x128xf32, #tpu.memory_space<vmem>>
    %dma_wait3A_132 = arith.constant 0 : i32
    %dma_wait3A_133 = tpu.memref_slice %arg6[%dma_wait3A_126, %dma_wait3A_127, %dma_wait3A_132] : memref<2x50x40xi32, #tpu.memory_space<vmem>> -> memref<1x1x40xi32, #tpu.memory_space<vmem>>
    %dma_wait3A_134 = tpu.memref_squeeze %dma_wait3A_133 : memref<1x1x40xi32, #tpu.memory_space<vmem>> -> memref<40xi32, #tpu.memory_space<vmem>>
    %dma_wait3A_135 = arith.constant 0 : i32
    %dma_wait3A_136 = arith.constant 0 : i32
    %dma_wait3A_137 = tpu.memref_slice %arg9[%dma_wait3A_135, %dma_wait3A_136] : memref<10240x128xf32, #tpu.memory_space<vmem_shared>> -> memref<10240x128xf32, #tpu.memory_space<vmem_shared>>
    %dma_wait3A_138 = tpu.memref_slice %arg11[%rem3A_125] : memref<6x!tpu.dma_semaphore, #tpu.memory_space<semaphore_mem>> -> memref<1x!tpu.dma_semaphore, #tpu.memory_space<semaphore_mem>>
    %dma_wait3A_139 = tpu.memref_squeeze %dma_wait3A_138 : memref<1x!tpu.dma_semaphore, #tpu.memory_space<semaphore_mem>> -> memref<!tpu.dma_semaphore, #tpu.memory_space<semaphore_mem>>
    tpu.wait_indirect_dma semaphore(%dma_wait3A_139 : memref<!tpu.dma_semaphore, #tpu.memory_space<semaphore_mem>>) src(%dma_wait3A_131 : memref<40x128xf32, #tpu.memory_space<vmem>>) dst(%dma_wait3A_137 : memref<10240x128xf32, #tpu.memory_space<vmem_shared>>)
    %rem3A_140 = arith.constant 49 : i32
    %rem3A_141 = arith.constant 6 : i32
    %rem3A_142 = arith.remsi %rem3A_140, %rem3A_141 : i32
    %dma_wait3A_143 = arith.constant 1 : i32
    %dma_wait3A_144 = arith.constant 49 : i32
    %dma_wait3A_145 = arith.constant 0 : i32
    %dma_wait3A_146 = arith.constant 0 : i32
    %dma_wait3A_147 = tpu.memref_slice %arg7[%rem3A_142, %dma_wait3A_145, %dma_wait3A_146] : memref<6x40x128xf32, #tpu.memory_space<vmem>> -> memref<1x40x128xf32, #tpu.memory_space<vmem>>
    %dma_wait3A_148 = tpu.memref_squeeze %dma_wait3A_147 : memref<1x40x128xf32, #tpu.memory_space<vmem>> -> memref<40x128xf32, #tpu.memory_space<vmem>>
    %dma_wait3A_149 = arith.constant 0 : i32
    %dma_wait3A_150 = tpu.memref_slice %arg6[%dma_wait3A_143, %dma_wait3A_144, %dma_wait3A_149] : memref<2x50x40xi32, #tpu.memory_space<vmem>> -> memref<1x1x40xi32, #tpu.memory_space<vmem>>
    %dma_wait3A_151 = tpu.memref_squeeze %dma_wait3A_150 : memref<1x1x40xi32, #tpu.memory_space<vmem>> -> memref<40xi32, #tpu.memory_space<vmem>>
    %dma_wait3A_152 = arith.constant 0 : i32
    %dma_wait3A_153 = arith.constant 0 : i32
    %dma_wait3A_154 = tpu.memref_slice %arg9[%dma_wait3A_152, %dma_wait3A_153] : memref<10240x128xf32, #tpu.memory_space<vmem_shared>> -> memref<10240x128xf32, #tpu.memory_space<vmem_shared>>
    %dma_wait3A_155 = tpu.memref_slice %arg11[%rem3A_142] : memref<6x!tpu.dma_semaphore, #tpu.memory_space<semaphore_mem>> -> memref<1x!tpu.dma_semaphore, #tpu.memory_space<semaphore_mem>>
    %dma_wait3A_156 = tpu.memref_squeeze %dma_wait3A_155 : memref<1x!tpu.dma_semaphore, #tpu.memory_space<semaphore_mem>> -> memref<!tpu.dma_semaphore, #tpu.memory_space<semaphore_mem>>
    tpu.wait_indirect_dma semaphore(%dma_wait3A_156 : memref<!tpu.dma_semaphore, #tpu.memory_space<semaphore_mem>>) src(%dma_wait3A_148 : memref<40x128xf32, #tpu.memory_space<vmem>>) dst(%dma_wait3A_154 : memref<10240x128xf32, #tpu.memory_space<vmem_shared>>)
    %run_scoped3A_157 = arith.constant 1 : i32
    %run_scoped3A_158 = arith.constant 0 : i32
    "tpu.region"() ({
      %run_scoped3A_742 = tpu.sem_alloc : memref<!tpu.dma_semaphore, #tpu.memory_space<semaphore_mem>>
      %dma_start3A_743 = arith.constant 0 : i32
      %dma_start3A_744 = arith.constant 0 : i32
      %dma_start3A_745 = tpu.memref_slice %arg6[%run_scoped3A_158, %dma_start3A_743, %dma_start3A_744] : memref<2x50x40xi32, #tpu.memory_space<vmem>> -> memref<1x50x40xi32, #tpu.memory_space<vmem>>
      %dma_start3A_746 = tpu.memref_squeeze %dma_start3A_745 : memref<1x50x40xi32, #tpu.memory_space<vmem>> -> memref<50x40xi32, #tpu.memory_space<vmem>>
      %dma_start3A_747 = arith.constant 0 : i32
      %dma_start3A_748 = arith.constant 0 : i32
      %dma_start3A_749 = tpu.memref_slice %arg3[%add3A, %run_scoped3A_157, %dma_start3A_747, %dma_start3A_748] : memref<32x5x50x40xi32, #tpu.memory_space<hbm>> -> memref<1x1x50x40xi32, #tpu.memory_space<hbm>>
      %dma_start3A_750 = tpu.memref_squeeze %dma_start3A_749 : memref<1x1x50x40xi32, #tpu.memory_space<hbm>> -> memref<50x40xi32, #tpu.memory_space<hbm>>
      %dma_start3A_751 = arith.constant 0 : i32
      %dma_start3A_752 = arith.constant 0 : i32
      %dma_start3A_753 = tpu.memref_slice %arg6[%run_scoped3A_158, %dma_start3A_751, %dma_start3A_752] : memref<2x50x40xi32, #tpu.memory_space<vmem>> -> memref<1x50x40xi32, #tpu.memory_space<vmem>>
      %dma_start3A_754 = tpu.memref_squeeze %dma_start3A_753 : memref<1x50x40xi32, #tpu.memory_space<vmem>> -> memref<50x40xi32, #tpu.memory_space<vmem>>
      %dma_start3A_755 = arith.constant 0 : i32
      %dma_start3A_756 = arith.constant 0 : i32
      %dma_start3A_757 = tpu.memref_slice %arg3[%add3A, %run_scoped3A_157, %dma_start3A_755, %dma_start3A_756] : memref<32x5x50x40xi32, #tpu.memory_space<hbm>> -> memref<1x1x50x40xi32, #tpu.memory_space<hbm>>
      %dma_start3A_758 = tpu.memref_squeeze %dma_start3A_757 : memref<1x1x50x40xi32, #tpu.memory_space<hbm>> -> memref<50x40xi32, #tpu.memory_space<hbm>>
      tpu.enqueue_dma source(%dma_start3A_758 : memref<50x40xi32, #tpu.memory_space<hbm>>) target(%dma_start3A_754 : memref<50x40xi32, #tpu.memory_space<vmem>>) target_semaphore(%run_scoped3A_742 : memref<!tpu.dma_semaphore, #tpu.memory_space<semaphore_mem>>)
      %dma_wait3A_759 = arith.constant 0 : i32
      %dma_wait3A_760 = arith.constant 0 : i32
      %dma_wait3A_761 = tpu.memref_slice %arg6[%run_scoped3A_158, %dma_wait3A_759, %dma_wait3A_760] : memref<2x50x40xi32, #tpu.memory_space<vmem>> -> memref<1x50x40xi32, #tpu.memory_space<vmem>>
      %dma_wait3A_762 = tpu.memref_squeeze %dma_wait3A_761 : memref<1x50x40xi32, #tpu.memory_space<vmem>> -> memref<50x40xi32, #tpu.memory_space<vmem>>
      %dma_wait3A_763 = arith.constant 0 : i32
      %dma_wait3A_764 = arith.constant 0 : i32
      %dma_wait3A_765 = tpu.memref_slice %arg3[%add3A, %run_scoped3A_157, %dma_wait3A_763, %dma_wait3A_764] : memref<32x5x50x40xi32, #tpu.memory_space<hbm>> -> memref<1x1x50x40xi32, #tpu.memory_space<hbm>>
      %dma_wait3A_766 = tpu.memref_squeeze %dma_wait3A_765 : memref<1x1x50x40xi32, #tpu.memory_space<hbm>> -> memref<50x40xi32, #tpu.memory_space<hbm>>
      %dma_wait3A_767 = arith.constant 0 : i32
      %dma_wait3A_768 = arith.constant 0 : i32
      %dma_wait3A_769 = tpu.memref_slice %arg6[%run_scoped3A_158, %dma_wait3A_767, %dma_wait3A_768] : memref<2x50x40xi32, #tpu.memory_space<vmem>> -> memref<1x50x40xi32, #tpu.memory_space<vmem>>
      %dma_wait3A_770 = tpu.memref_squeeze %dma_wait3A_769 : memref<1x50x40xi32, #tpu.memory_space<vmem>> -> memref<50x40xi32, #tpu.memory_space<vmem>>
      %dma_wait3A_771 = arith.constant 0 : i32
      %dma_wait3A_772 = arith.constant 0 : i32
      %dma_wait3A_773 = tpu.memref_slice %arg3[%add3A, %run_scoped3A_157, %dma_wait3A_771, %dma_wait3A_772] : memref<32x5x50x40xi32, #tpu.memory_space<hbm>> -> memref<1x1x50x40xi32, #tpu.memory_space<hbm>>
      %dma_wait3A_774 = tpu.memref_squeeze %dma_wait3A_773 : memref<1x1x50x40xi32, #tpu.memory_space<hbm>> -> memref<50x40xi32, #tpu.memory_space<hbm>>
      tpu.wait_dma2 semaphore(%run_scoped3A_742 : memref<!tpu.dma_semaphore, #tpu.memory_space<semaphore_mem>>) src(%dma_wait3A_774 : memref<50x40xi32, #tpu.memory_space<hbm>>) dst(%dma_wait3A_770 : memref<50x40xi32, #tpu.memory_space<vmem>>)
      tpu.yield
    }) : () -> ()
    %run_scoped3A_159 = arith.constant 1 : i32
    %run_scoped3A_160 = arith.constant 1 : i32
    "tpu.region"() ({
      %run_scoped3A_742 = tpu.sem_alloc : memref<!tpu.dma_semaphore, #tpu.memory_space<semaphore_mem>>
      %dma_start3A_743 = arith.constant 0 : i32
      %dma_start3A_744 = arith.constant 0 : i32
      %dma_start3A_745 = tpu.memref_slice %arg6[%run_scoped3A_160, %dma_start3A_743, %dma_start3A_744] : memref<2x50x40xi32, #tpu.memory_space<vmem>> -> memref<1x50x40xi32, #tpu.memory_space<vmem>>
      %dma_start3A_746 = tpu.memref_squeeze %dma_start3A_745 : memref<1x50x40xi32, #tpu.memory_space<vmem>> -> memref<50x40xi32, #tpu.memory_space<vmem>>
      %dma_start3A_747 = arith.constant 0 : i32
      %dma_start3A_748 = arith.constant 0 : i32
      %dma_start3A_749 = tpu.memref_slice %arg4[%add3A, %run_scoped3A_159, %dma_start3A_747, %dma_start3A_748] : memref<32x5x50x40xi32, #tpu.memory_space<hbm>> -> memref<1x1x50x40xi32, #tpu.memory_space<hbm>>
      %dma_start3A_750 = tpu.memref_squeeze %dma_start3A_749 : memref<1x1x50x40xi32, #tpu.memory_space<hbm>> -> memref<50x40xi32, #tpu.memory_space<hbm>>
      %dma_start3A_751 = arith.constant 0 : i32
      %dma_start3A_752 = arith.constant 0 : i32
      %dma_start3A_753 = tpu.memref_slice %arg6[%run_scoped3A_160, %dma_start3A_751, %dma_start3A_752] : memref<2x50x40xi32, #tpu.memory_space<vmem>> -> memref<1x50x40xi32, #tpu.memory_space<vmem>>
      %dma_start3A_754 = tpu.memref_squeeze %dma_start3A_753 : memref<1x50x40xi32, #tpu.memory_space<vmem>> -> memref<50x40xi32, #tpu.memory_space<vmem>>
      %dma_start3A_755 = arith.constant 0 : i32
      %dma_start3A_756 = arith.constant 0 : i32
      %dma_start3A_757 = tpu.memref_slice %arg4[%add3A, %run_scoped3A_159, %dma_start3A_755, %dma_start3A_756] : memref<32x5x50x40xi32, #tpu.memory_space<hbm>> -> memref<1x1x50x40xi32, #tpu.memory_space<hbm>>
      %dma_start3A_758 = tpu.memref_squeeze %dma_start3A_757 : memref<1x1x50x40xi32, #tpu.memory_space<hbm>> -> memref<50x40xi32, #tpu.memory_space<hbm>>
      tpu.enqueue_dma source(%dma_start3A_758 : memref<50x40xi32, #tpu.memory_space<hbm>>) target(%dma_start3A_754 : memref<50x40xi32, #tpu.memory_space<vmem>>) target_semaphore(%run_scoped3A_742 : memref<!tpu.dma_semaphore, #tpu.memory_space<semaphore_mem>>)
      %dma_wait3A_759 = arith.constant 0 : i32
      %dma_wait3A_760 = arith.constant 0 : i32
      %dma_wait3A_761 = tpu.memref_slice %arg6[%run_scoped3A_160, %dma_wait3A_759, %dma_wait3A_760] : memref<2x50x40xi32, #tpu.memory_space<vmem>> -> memref<1x50x40xi32, #tpu.memory_space<vmem>>
      %dma_wait3A_762 = tpu.memref_squeeze %dma_wait3A_761 : memref<1x50x40xi32, #tpu.memory_space<vmem>> -> memref<50x40xi32, #tpu.memory_space<vmem>>
      %dma_wait3A_763 = arith.constant 0 : i32
      %dma_wait3A_764 = arith.constant 0 : i32
      %dma_wait3A_765 = tpu.memref_slice %arg4[%add3A, %run_scoped3A_159, %dma_wait3A_763, %dma_wait3A_764] : memref<32x5x50x40xi32, #tpu.memory_space<hbm>> -> memref<1x1x50x40xi32, #tpu.memory_space<hbm>>
      %dma_wait3A_766 = tpu.memref_squeeze %dma_wait3A_765 : memref<1x1x50x40xi32, #tpu.memory_space<hbm>> -> memref<50x40xi32, #tpu.memory_space<hbm>>
      %dma_wait3A_767 = arith.constant 0 : i32
      %dma_wait3A_768 = arith.constant 0 : i32
      %dma_wait3A_769 = tpu.memref_slice %arg6[%run_scoped3A_160, %dma_wait3A_767, %dma_wait3A_768] : memref<2x50x40xi32, #tpu.memory_space<vmem>> -> memref<1x50x40xi32, #tpu.memory_space<vmem>>
      %dma_wait3A_770 = tpu.memref_squeeze %dma_wait3A_769 : memref<1x50x40xi32, #tpu.memory_space<vmem>> -> memref<50x40xi32, #tpu.memory_space<vmem>>
      %dma_wait3A_771 = arith.constant 0 : i32
      %dma_wait3A_772 = arith.constant 0 : i32
      %dma_wait3A_773 = tpu.memref_slice %arg4[%add3A, %run_scoped3A_159, %dma_wait3A_771, %dma_wait3A_772] : memref<32x5x50x40xi32, #tpu.memory_space<hbm>> -> memref<1x1x50x40xi32, #tpu.memory_space<hbm>>
      %dma_wait3A_774 = tpu.memref_squeeze %dma_wait3A_773 : memref<1x1x50x40xi32, #tpu.memory_space<hbm>> -> memref<50x40xi32, #tpu.memory_space<hbm>>
      tpu.wait_dma2 semaphore(%run_scoped3A_742 : memref<!tpu.dma_semaphore, #tpu.memory_space<semaphore_mem>>) src(%dma_wait3A_774 : memref<50x40xi32, #tpu.memory_space<hbm>>) dst(%dma_wait3A_770 : memref<50x40xi32, #tpu.memory_space<vmem>>)
      tpu.yield
    }) : () -> ()
    %rem3A_161 = arith.constant 0 : i32
    %rem3A_162 = arith.constant 6 : i32
    %rem3A_163 = arith.remsi %rem3A_161, %rem3A_162 : i32
    %dma_start3A_164 = arith.constant 0 : i32
    %dma_start3A_165 = arith.constant 0 : i32
    %dma_start3A_166 = arith.constant 0 : i32
    %dma_start3A_167 = arith.constant 0 : i32
    %dma_start3A_168 = tpu.memref_slice %arg7[%rem3A_163, %dma_start3A_166, %dma_start3A_167] : memref<6x40x128xf32, #tpu.memory_space<vmem>> -> memref<1x40x128xf32, #tpu.memory_space<vmem>>
    %dma_start3A_169 = tpu.memref_squeeze %dma_start3A_168 : memref<1x40x128xf32, #tpu.memory_space<vmem>> -> memref<40x128xf32, #tpu.memory_space<vmem>>
    %dma_start3A_170 = arith.constant 0 : i32
    %dma_start3A_171 = tpu.memref_slice %arg6[%dma_start3A_164, %dma_start3A_165, %dma_start3A_170] : memref<2x50x40xi32, #tpu.memory_space<vmem>> -> memref<1x1x40xi32, #tpu.memory_space<vmem>>
    %dma_start3A_172 = tpu.memref_squeeze %dma_start3A_171 : memref<1x1x40xi32, #tpu.memory_space<vmem>> -> memref<40xi32, #tpu.memory_space<vmem>>
    %dma_start3A_173 = arith.constant 0 : i32
    %dma_start3A_174 = arith.constant 0 : i32
    %dma_start3A_175 = tpu.memref_slice %arg2[%dma_start3A_173, %dma_start3A_174] : memref<10000x128xf32, #tpu.memory_space<hbm>> -> memref<10000x128xf32, #tpu.memory_space<hbm>>
    %dma_start3A_176 = tpu.memref_slice %arg10[%rem3A_163] : memref<6x!tpu.dma_semaphore, #tpu.memory_space<semaphore_mem>> -> memref<1x!tpu.dma_semaphore, #tpu.memory_space<semaphore_mem>>
    %dma_start3A_177 = tpu.memref_squeeze %dma_start3A_176 : memref<1x!tpu.dma_semaphore, #tpu.memory_space<semaphore_mem>> -> memref<!tpu.dma_semaphore, #tpu.memory_space<semaphore_mem>>
    tpu.enqueue_indirect_dma source(%dma_start3A_175 : memref<10000x128xf32, #tpu.memory_space<hbm>>) target(%dma_start3A_169 : memref<40x128xf32, #tpu.memory_space<vmem>>) offsets(%dma_start3A_172 : memref<40xi32, #tpu.memory_space<vmem>>) semaphore(%dma_start3A_177 : memref<!tpu.dma_semaphore, #tpu.memory_space<semaphore_mem>>)
    %rem3A_178 = arith.constant 1 : i32
    %rem3A_179 = arith.constant 6 : i32
    %rem3A_180 = arith.remsi %rem3A_178, %rem3A_179 : i32
    %dma_start3A_181 = arith.constant 0 : i32
    %dma_start3A_182 = arith.constant 1 : i32
    %dma_start3A_183 = arith.constant 0 : i32
    %dma_start3A_184 = arith.constant 0 : i32
    %dma_start3A_185 = tpu.memref_slice %arg7[%rem3A_180, %dma_start3A_183, %dma_start3A_184] : memref<6x40x128xf32, #tpu.memory_space<vmem>> -> memref<1x40x128xf32, #tpu.memory_space<vmem>>
    %dma_start3A_186 = tpu.memref_squeeze %dma_start3A_185 : memref<1x40x128xf32, #tpu.memory_space<vmem>> -> memref<40x128xf32, #tpu.memory_space<vmem>>
    %dma_start3A_187 = arith.constant 0 : i32
    %dma_start3A_188 = tpu.memref_slice %arg6[%dma_start3A_181, %dma_start3A_182, %dma_start3A_187] : memref<2x50x40xi32, #tpu.memory_space<vmem>> -> memref<1x1x40xi32, #tpu.memory_space<vmem>>
    %dma_start3A_189 = tpu.memref_squeeze %dma_start3A_188 : memref<1x1x40xi32, #tpu.memory_space<vmem>> -> memref<40xi32, #tpu.memory_space<vmem>>
    %dma_start3A_190 = arith.constant 0 : i32
    %dma_start3A_191 = arith.constant 0 : i32
    %dma_start3A_192 = tpu.memref_slice %arg2[%dma_start3A_190, %dma_start3A_191] : memref<10000x128xf32, #tpu.memory_space<hbm>> -> memref<10000x128xf32, #tpu.memory_space<hbm>>
    %dma_start3A_193 = tpu.memref_slice %arg10[%rem3A_180] : memref<6x!tpu.dma_semaphore, #tpu.memory_space<semaphore_mem>> -> memref<1x!tpu.dma_semaphore, #tpu.memory_space<semaphore_mem>>
    %dma_start3A_194 = tpu.memref_squeeze %dma_start3A_193 : memref<1x!tpu.dma_semaphore, #tpu.memory_space<semaphore_mem>> -> memref<!tpu.dma_semaphore, #tpu.memory_space<semaphore_mem>>
    tpu.enqueue_indirect_dma source(%dma_start3A_192 : memref<10000x128xf32, #tpu.memory_space<hbm>>) target(%dma_start3A_186 : memref<40x128xf32, #tpu.memory_space<vmem>>) offsets(%dma_start3A_189 : memref<40xi32, #tpu.memory_space<vmem>>) semaphore(%dma_start3A_194 : memref<!tpu.dma_semaphore, #tpu.memory_space<semaphore_mem>>)
    %rem3A_195 = arith.constant 2 : i32
    %rem3A_196 = arith.constant 6 : i32
    %rem3A_197 = arith.remsi %rem3A_195, %rem3A_196 : i32
    %dma_start3A_198 = arith.constant 0 : i32
    %dma_start3A_199 = arith.constant 2 : i32
    %dma_start3A_200 = arith.constant 0 : i32
    %dma_start3A_201 = arith.constant 0 : i32
    %dma_start3A_202 = tpu.memref_slice %arg7[%rem3A_197, %dma_start3A_200, %dma_start3A_201] : memref<6x40x128xf32, #tpu.memory_space<vmem>> -> memref<1x40x128xf32, #tpu.memory_space<vmem>>
    %dma_start3A_203 = tpu.memref_squeeze %dma_start3A_202 : memref<1x40x128xf32, #tpu.memory_space<vmem>> -> memref<40x128xf32, #tpu.memory_space<vmem>>
    %dma_start3A_204 = arith.constant 0 : i32
    %dma_start3A_205 = tpu.memref_slice %arg6[%dma_start3A_198, %dma_start3A_199, %dma_start3A_204] : memref<2x50x40xi32, #tpu.memory_space<vmem>> -> memref<1x1x40xi32, #tpu.memory_space<vmem>>
    %dma_start3A_206 = tpu.memref_squeeze %dma_start3A_205 : memref<1x1x40xi32, #tpu.memory_space<vmem>> -> memref<40xi32, #tpu.memory_space<vmem>>
    %dma_start3A_207 = arith.constant 0 : i32
    %dma_start3A_208 = arith.constant 0 : i32
    %dma_start3A_209 = tpu.memref_slice %arg2[%dma_start3A_207, %dma_start3A_208] : memref<10000x128xf32, #tpu.memory_space<hbm>> -> memref<10000x128xf32, #tpu.memory_space<hbm>>
    %dma_start3A_210 = tpu.memref_slice %arg10[%rem3A_197] : memref<6x!tpu.dma_semaphore, #tpu.memory_space<semaphore_mem>> -> memref<1x!tpu.dma_semaphore, #tpu.memory_space<semaphore_mem>>
    %dma_start3A_211 = tpu.memref_squeeze %dma_start3A_210 : memref<1x!tpu.dma_semaphore, #tpu.memory_space<semaphore_mem>> -> memref<!tpu.dma_semaphore, #tpu.memory_space<semaphore_mem>>
    tpu.enqueue_indirect_dma source(%dma_start3A_209 : memref<10000x128xf32, #tpu.memory_space<hbm>>) target(%dma_start3A_203 : memref<40x128xf32, #tpu.memory_space<vmem>>) offsets(%dma_start3A_206 : memref<40xi32, #tpu.memory_space<vmem>>) semaphore(%dma_start3A_211 : memref<!tpu.dma_semaphore, #tpu.memory_space<semaphore_mem>>)
    %rem3A_212 = arith.constant 3 : i32
    %rem3A_213 = arith.constant 6 : i32
    %rem3A_214 = arith.remsi %rem3A_212, %rem3A_213 : i32
    %dma_start3A_215 = arith.constant 0 : i32
    %dma_start3A_216 = arith.constant 3 : i32
    %dma_start3A_217 = arith.constant 0 : i32
    %dma_start3A_218 = arith.constant 0 : i32
    %dma_start3A_219 = tpu.memref_slice %arg7[%rem3A_214, %dma_start3A_217, %dma_start3A_218] : memref<6x40x128xf32, #tpu.memory_space<vmem>> -> memref<1x40x128xf32, #tpu.memory_space<vmem>>
    %dma_start3A_220 = tpu.memref_squeeze %dma_start3A_219 : memref<1x40x128xf32, #tpu.memory_space<vmem>> -> memref<40x128xf32, #tpu.memory_space<vmem>>
    %dma_start3A_221 = arith.constant 0 : i32
    %dma_start3A_222 = tpu.memref_slice %arg6[%dma_start3A_215, %dma_start3A_216, %dma_start3A_221] : memref<2x50x40xi32, #tpu.memory_space<vmem>> -> memref<1x1x40xi32, #tpu.memory_space<vmem>>
    %dma_start3A_223 = tpu.memref_squeeze %dma_start3A_222 : memref<1x1x40xi32, #tpu.memory_space<vmem>> -> memref<40xi32, #tpu.memory_space<vmem>>
    %dma_start3A_224 = arith.constant 0 : i32
    %dma_start3A_225 = arith.constant 0 : i32
    %dma_start3A_226 = tpu.memref_slice %arg2[%dma_start3A_224, %dma_start3A_225] : memref<10000x128xf32, #tpu.memory_space<hbm>> -> memref<10000x128xf32, #tpu.memory_space<hbm>>
    %dma_start3A_227 = tpu.memref_slice %arg10[%rem3A_214] : memref<6x!tpu.dma_semaphore, #tpu.memory_space<semaphore_mem>> -> memref<1x!tpu.dma_semaphore, #tpu.memory_space<semaphore_mem>>
    %dma_start3A_228 = tpu.memref_squeeze %dma_start3A_227 : memref<1x!tpu.dma_semaphore, #tpu.memory_space<semaphore_mem>> -> memref<!tpu.dma_semaphore, #tpu.memory_space<semaphore_mem>>
    tpu.enqueue_indirect_dma source(%dma_start3A_226 : memref<10000x128xf32, #tpu.memory_space<hbm>>) target(%dma_start3A_220 : memref<40x128xf32, #tpu.memory_space<vmem>>) offsets(%dma_start3A_223 : memref<40xi32, #tpu.memory_space<vmem>>) semaphore(%dma_start3A_228 : memref<!tpu.dma_semaphore, #tpu.memory_space<semaphore_mem>>)
    %scan3A_229 = arith.constant 0 : i32
    %scan3A_230 = arith.constant 0 : i32
    %scan3A_231 = arith.constant 50 : i32
    %scan3A_232 = arith.addi %scan3A_230, %scan3A_231 : i32
    %scan3A_233 = arith.constant 1 : i32
    scf.for %scan3A_742 = %scan3A_230 to %scan3A_232 step %scan3A_233  : i32 {
      %rem3A_743 = arith.constant 6 : i32
      %rem3A_744 = arith.remsi %scan3A_742, %rem3A_743 : i32
      %dma_wait3A_745 = arith.constant 0 : i32
      %dma_wait3A_746 = arith.constant 0 : i32
      %dma_wait3A_747 = arith.constant 0 : i32
      %dma_wait3A_748 = tpu.memref_slice %arg7[%rem3A_744, %dma_wait3A_746, %dma_wait3A_747] : memref<6x40x128xf32, #tpu.memory_space<vmem>> -> memref<1x40x128xf32, #tpu.memory_space<vmem>>
      %dma_wait3A_749 = tpu.memref_squeeze %dma_wait3A_748 : memref<1x40x128xf32, #tpu.memory_space<vmem>> -> memref<40x128xf32, #tpu.memory_space<vmem>>
      %dma_wait3A_750 = arith.constant 0 : i32
      %dma_wait3A_751 = tpu.memref_slice %arg6[%dma_wait3A_745, %scan3A_742, %dma_wait3A_750] : memref<2x50x40xi32, #tpu.memory_space<vmem>> -> memref<1x1x40xi32, #tpu.memory_space<vmem>>
      %dma_wait3A_752 = tpu.memref_squeeze %dma_wait3A_751 : memref<1x1x40xi32, #tpu.memory_space<vmem>> -> memref<40xi32, #tpu.memory_space<vmem>>
      %dma_wait3A_753 = arith.constant 0 : i32
      %dma_wait3A_754 = arith.constant 0 : i32
      %dma_wait3A_755 = tpu.memref_slice %arg2[%dma_wait3A_753, %dma_wait3A_754] : memref<10000x128xf32, #tpu.memory_space<hbm>> -> memref<10000x128xf32, #tpu.memory_space<hbm>>
      %dma_wait3A_756 = tpu.memref_slice %arg10[%rem3A_744] : memref<6x!tpu.dma_semaphore, #tpu.memory_space<semaphore_mem>> -> memref<1x!tpu.dma_semaphore, #tpu.memory_space<semaphore_mem>>
      %dma_wait3A_757 = tpu.memref_squeeze %dma_wait3A_756 : memref<1x!tpu.dma_semaphore, #tpu.memory_space<semaphore_mem>> -> memref<!tpu.dma_semaphore, #tpu.memory_space<semaphore_mem>>
      tpu.wait_indirect_dma semaphore(%dma_wait3A_757 : memref<!tpu.dma_semaphore, #tpu.memory_space<semaphore_mem>>) src(%dma_wait3A_755 : memref<10000x128xf32, #tpu.memory_space<hbm>>) dst(%dma_wait3A_749 : memref<40x128xf32, #tpu.memory_space<vmem>>)
      %ge3A = arith.constant 4 : i32
      %ge3A_758 = arith.cmpi sge, %scan3A_742, %ge3A : i32
      %convert_element_type3A = arith.extui %ge3A_758 : i1 to i32
      %cond3A = arith.constant 0 : i32
      %cond3A_759 = arith.cmpi ne, %convert_element_type3A, %cond3A : i32
      scf.if %cond3A_759 {
        %sub3A = arith.constant 4 : i32
        %sub3A_779 = arith.subi %scan3A_742, %sub3A : i32
        %rem3A_780 = arith.constant 6 : i32
        %rem3A_781 = arith.remsi %sub3A_779, %rem3A_780 : i32
        %dma_wait3A_782 = arith.constant 1 : i32
        %dma_wait3A_783 = arith.constant 0 : i32
        %dma_wait3A_784 = arith.constant 0 : i32
        %dma_wait3A_785 = tpu.memref_slice %arg7[%rem3A_781, %dma_wait3A_783, %dma_wait3A_784] : memref<6x40x128xf32, #tpu.memory_space<vmem>> -> memref<1x40x128xf32, #tpu.memory_space<vmem>>
        %dma_wait3A_786 = tpu.memref_squeeze %dma_wait3A_785 : memref<1x40x128xf32, #tpu.memory_space<vmem>> -> memref<40x128xf32, #tpu.memory_space<vmem>>
        %dma_wait3A_787 = arith.constant 0 : i32
        %dma_wait3A_788 = tpu.memref_slice %arg6[%dma_wait3A_782, %sub3A_779, %dma_wait3A_787] : memref<2x50x40xi32, #tpu.memory_space<vmem>> -> memref<1x1x40xi32, #tpu.memory_space<vmem>>
        %dma_wait3A_789 = tpu.memref_squeeze %dma_wait3A_788 : memref<1x1x40xi32, #tpu.memory_space<vmem>> -> memref<40xi32, #tpu.memory_space<vmem>>
        %dma_wait3A_790 = arith.constant 0 : i32
        %dma_wait3A_791 = arith.constant 0 : i32
        %dma_wait3A_792 = tpu.memref_slice %arg9[%dma_wait3A_790, %dma_wait3A_791] : memref<10240x128xf32, #tpu.memory_space<vmem_shared>> -> memref<10240x128xf32, #tpu.memory_space<vmem_shared>>
        %dma_wait3A_793 = tpu.memref_slice %arg11[%rem3A_781] : memref<6x!tpu.dma_semaphore, #tpu.memory_space<semaphore_mem>> -> memref<1x!tpu.dma_semaphore, #tpu.memory_space<semaphore_mem>>
        %dma_wait3A_794 = tpu.memref_squeeze %dma_wait3A_793 : memref<1x!tpu.dma_semaphore, #tpu.memory_space<semaphore_mem>> -> memref<!tpu.dma_semaphore, #tpu.memory_space<semaphore_mem>>
        tpu.wait_indirect_dma semaphore(%dma_wait3A_794 : memref<!tpu.dma_semaphore, #tpu.memory_space<semaphore_mem>>) src(%dma_wait3A_786 : memref<40x128xf32, #tpu.memory_space<vmem>>) dst(%dma_wait3A_792 : memref<10240x128xf32, #tpu.memory_space<vmem_shared>>)
      } else {
      }
      %add3A_760 = arith.constant 4 : i32
      %add3A_761 = arith.addi %scan3A_742, %add3A_760 : i32
      %lt3A = arith.constant 50 : i32
      %lt3A_762 = arith.cmpi slt, %add3A_761, %lt3A : i32
      %convert_element_type3A_763 = arith.extui %lt3A_762 : i1 to i32
      %cond3A_764 = arith.constant 0 : i32
      %cond3A_765 = arith.cmpi ne, %convert_element_type3A_763, %cond3A_764 : i32
      scf.if %cond3A_765 {
        %add3A_779 = arith.constant 4 : i32
        %add3A_780 = arith.addi %scan3A_742, %add3A_779 : i32
        %rem3A_781 = arith.constant 6 : i32
        %rem3A_782 = arith.remsi %add3A_780, %rem3A_781 : i32
        %dma_start3A_783 = arith.constant 0 : i32
        %dma_start3A_784 = arith.constant 0 : i32
        %dma_start3A_785 = arith.constant 0 : i32
        %dma_start3A_786 = tpu.memref_slice %arg7[%rem3A_782, %dma_start3A_784, %dma_start3A_785] : memref<6x40x128xf32, #tpu.memory_space<vmem>> -> memref<1x40x128xf32, #tpu.memory_space<vmem>>
        %dma_start3A_787 = tpu.memref_squeeze %dma_start3A_786 : memref<1x40x128xf32, #tpu.memory_space<vmem>> -> memref<40x128xf32, #tpu.memory_space<vmem>>
        %dma_start3A_788 = arith.constant 0 : i32
        %dma_start3A_789 = tpu.memref_slice %arg6[%dma_start3A_783, %add3A_780, %dma_start3A_788] : memref<2x50x40xi32, #tpu.memory_space<vmem>> -> memref<1x1x40xi32, #tpu.memory_space<vmem>>
        %dma_start3A_790 = tpu.memref_squeeze %dma_start3A_789 : memref<1x1x40xi32, #tpu.memory_space<vmem>> -> memref<40xi32, #tpu.memory_space<vmem>>
        %dma_start3A_791 = arith.constant 0 : i32
        %dma_start3A_792 = arith.constant 0 : i32
        %dma_start3A_793 = tpu.memref_slice %arg2[%dma_start3A_791, %dma_start3A_792] : memref<10000x128xf32, #tpu.memory_space<hbm>> -> memref<10000x128xf32, #tpu.memory_space<hbm>>
        %dma_start3A_794 = tpu.memref_slice %arg10[%rem3A_782] : memref<6x!tpu.dma_semaphore, #tpu.memory_space<semaphore_mem>> -> memref<1x!tpu.dma_semaphore, #tpu.memory_space<semaphore_mem>>
        %dma_start3A_795 = tpu.memref_squeeze %dma_start3A_794 : memref<1x!tpu.dma_semaphore, #tpu.memory_space<semaphore_mem>> -> memref<!tpu.dma_semaphore, #tpu.memory_space<semaphore_mem>>
        tpu.enqueue_indirect_dma source(%dma_start3A_793 : memref<10000x128xf32, #tpu.memory_space<hbm>>) target(%dma_start3A_787 : memref<40x128xf32, #tpu.memory_space<vmem>>) offsets(%dma_start3A_790 : memref<40xi32, #tpu.memory_space<vmem>>) semaphore(%dma_start3A_795 : memref<!tpu.dma_semaphore, #tpu.memory_space<semaphore_mem>>)
      } else {
      }
      %dma_start3A_766 = arith.constant 1 : i32
      %dma_start3A_767 = arith.constant 0 : i32
      %dma_start3A_768 = arith.constant 0 : i32
      %dma_start3A_769 = tpu.memref_slice %arg7[%rem3A_744, %dma_start3A_767, %dma_start3A_768] : memref<6x40x128xf32, #tpu.memory_space<vmem>> -> memref<1x40x128xf32, #tpu.memory_space<vmem>>
      %dma_start3A_770 = tpu.memref_squeeze %dma_start3A_769 : memref<1x40x128xf32, #tpu.memory_space<vmem>> -> memref<40x128xf32, #tpu.memory_space<vmem>>
      %dma_start3A_771 = arith.constant 0 : i32
      %dma_start3A_772 = tpu.memref_slice %arg6[%dma_start3A_766, %scan3A_742, %dma_start3A_771] : memref<2x50x40xi32, #tpu.memory_space<vmem>> -> memref<1x1x40xi32, #tpu.memory_space<vmem>>
      %dma_start3A_773 = tpu.memref_squeeze %dma_start3A_772 : memref<1x1x40xi32, #tpu.memory_space<vmem>> -> memref<40xi32, #tpu.memory_space<vmem>>
      %dma_start3A_774 = arith.constant 0 : i32
      %dma_start3A_775 = arith.constant 0 : i32
      %dma_start3A_776 = tpu.memref_slice %arg9[%dma_start3A_774, %dma_start3A_775] : memref<10240x128xf32, #tpu.memory_space<vmem_shared>> -> memref<10240x128xf32, #tpu.memory_space<vmem_shared>>
      %dma_start3A_777 = tpu.memref_slice %arg11[%rem3A_744] : memref<6x!tpu.dma_semaphore, #tpu.memory_space<semaphore_mem>> -> memref<1x!tpu.dma_semaphore, #tpu.memory_space<semaphore_mem>>
      %dma_start3A_778 = tpu.memref_squeeze %dma_start3A_777 : memref<1x!tpu.dma_semaphore, #tpu.memory_space<semaphore_mem>> -> memref<!tpu.dma_semaphore, #tpu.memory_space<semaphore_mem>>
      tpu.enqueue_indirect_dma source(%dma_start3A_770 : memref<40x128xf32, #tpu.memory_space<vmem>>) target(%dma_start3A_776 : memref<10240x128xf32, #tpu.memory_space<vmem_shared>>) offsets(%dma_start3A_773 : memref<40xi32, #tpu.memory_space<vmem>>) semaphore(%dma_start3A_778 : memref<!tpu.dma_semaphore, #tpu.memory_space<semaphore_mem>>) {add = true}
    }
    %scan3A_234 = arith.constant 50 : i32
    %rem3A_235 = arith.constant 46 : i32
    %rem3A_236 = arith.constant 6 : i32
    %rem3A_237 = arith.remsi %rem3A_235, %rem3A_236 : i32
    %dma_wait3A_238 = arith.constant 1 : i32
    %dma_wait3A_239 = arith.constant 46 : i32
    %dma_wait3A_240 = arith.constant 0 : i32
    %dma_wait3A_241 = arith.constant 0 : i32
    %dma_wait3A_242 = tpu.memref_slice %arg7[%rem3A_237, %dma_wait3A_240, %dma_wait3A_241] : memref<6x40x128xf32, #tpu.memory_space<vmem>> -> memref<1x40x128xf32, #tpu.memory_space<vmem>>
    %dma_wait3A_243 = tpu.memref_squeeze %dma_wait3A_242 : memref<1x40x128xf32, #tpu.memory_space<vmem>> -> memref<40x128xf32, #tpu.memory_space<vmem>>
    %dma_wait3A_244 = arith.constant 0 : i32
    %dma_wait3A_245 = tpu.memref_slice %arg6[%dma_wait3A_238, %dma_wait3A_239, %dma_wait3A_244] : memref<2x50x40xi32, #tpu.memory_space<vmem>> -> memref<1x1x40xi32, #tpu.memory_space<vmem>>
    %dma_wait3A_246 = tpu.memref_squeeze %dma_wait3A_245 : memref<1x1x40xi32, #tpu.memory_space<vmem>> -> memref<40xi32, #tpu.memory_space<vmem>>
    %dma_wait3A_247 = arith.constant 0 : i32
    %dma_wait3A_248 = arith.constant 0 : i32
    %dma_wait3A_249 = tpu.memref_slice %arg9[%dma_wait3A_247, %dma_wait3A_248] : memref<10240x128xf32, #tpu.memory_space<vmem_shared>> -> memref<10240x128xf32, #tpu.memory_space<vmem_shared>>
    %dma_wait3A_250 = tpu.memref_slice %arg11[%rem3A_237] : memref<6x!tpu.dma_semaphore, #tpu.memory_space<semaphore_mem>> -> memref<1x!tpu.dma_semaphore, #tpu.memory_space<semaphore_mem>>
    %dma_wait3A_251 = tpu.memref_squeeze %dma_wait3A_250 : memref<1x!tpu.dma_semaphore, #tpu.memory_space<semaphore_mem>> -> memref<!tpu.dma_semaphore, #tpu.memory_space<semaphore_mem>>
    tpu.wait_indirect_dma semaphore(%dma_wait3A_251 : memref<!tpu.dma_semaphore, #tpu.memory_space<semaphore_mem>>) src(%dma_wait3A_243 : memref<40x128xf32, #tpu.memory_space<vmem>>) dst(%dma_wait3A_249 : memref<10240x128xf32, #tpu.memory_space<vmem_shared>>)
    %rem3A_252 = arith.constant 47 : i32
    %rem3A_253 = arith.constant 6 : i32
    %rem3A_254 = arith.remsi %rem3A_252, %rem3A_253 : i32
    %dma_wait3A_255 = arith.constant 1 : i32
    %dma_wait3A_256 = arith.constant 47 : i32
    %dma_wait3A_257 = arith.constant 0 : i32
    %dma_wait3A_258 = arith.constant 0 : i32
    %dma_wait3A_259 = tpu.memref_slice %arg7[%rem3A_254, %dma_wait3A_257, %dma_wait3A_258] : memref<6x40x128xf32, #tpu.memory_space<vmem>> -> memref<1x40x128xf32, #tpu.memory_space<vmem>>
    %dma_wait3A_260 = tpu.memref_squeeze %dma_wait3A_259 : memref<1x40x128xf32, #tpu.memory_space<vmem>> -> memref<40x128xf32, #tpu.memory_space<vmem>>
    %dma_wait3A_261 = arith.constant 0 : i32
    %dma_wait3A_262 = tpu.memref_slice %arg6[%dma_wait3A_255, %dma_wait3A_256, %dma_wait3A_261] : memref<2x50x40xi32, #tpu.memory_space<vmem>> -> memref<1x1x40xi32, #tpu.memory_space<vmem>>
    %dma_wait3A_263 = tpu.memref_squeeze %dma_wait3A_262 : memref<1x1x40xi32, #tpu.memory_space<vmem>> -> memref<40xi32, #tpu.memory_space<vmem>>
    %dma_wait3A_264 = arith.constant 0 : i32
    %dma_wait3A_265 = arith.constant 0 : i32
    %dma_wait3A_266 = tpu.memref_slice %arg9[%dma_wait3A_264, %dma_wait3A_265] : memref<10240x128xf32, #tpu.memory_space<vmem_shared>> -> memref<10240x128xf32, #tpu.memory_space<vmem_shared>>
    %dma_wait3A_267 = tpu.memref_slice %arg11[%rem3A_254] : memref<6x!tpu.dma_semaphore, #tpu.memory_space<semaphore_mem>> -> memref<1x!tpu.dma_semaphore, #tpu.memory_space<semaphore_mem>>
    %dma_wait3A_268 = tpu.memref_squeeze %dma_wait3A_267 : memref<1x!tpu.dma_semaphore, #tpu.memory_space<semaphore_mem>> -> memref<!tpu.dma_semaphore, #tpu.memory_space<semaphore_mem>>
    tpu.wait_indirect_dma semaphore(%dma_wait3A_268 : memref<!tpu.dma_semaphore, #tpu.memory_space<semaphore_mem>>) src(%dma_wait3A_260 : memref<40x128xf32, #tpu.memory_space<vmem>>) dst(%dma_wait3A_266 : memref<10240x128xf32, #tpu.memory_space<vmem_shared>>)
    %rem3A_269 = arith.constant 48 : i32
    %rem3A_270 = arith.constant 6 : i32
    %rem3A_271 = arith.remsi %rem3A_269, %rem3A_270 : i32
    %dma_wait3A_272 = arith.constant 1 : i32
    %dma_wait3A_273 = arith.constant 48 : i32
    %dma_wait3A_274 = arith.constant 0 : i32
    %dma_wait3A_275 = arith.constant 0 : i32
    %dma_wait3A_276 = tpu.memref_slice %arg7[%rem3A_271, %dma_wait3A_274, %dma_wait3A_275] : memref<6x40x128xf32, #tpu.memory_space<vmem>> -> memref<1x40x128xf32, #tpu.memory_space<vmem>>
    %dma_wait3A_277 = tpu.memref_squeeze %dma_wait3A_276 : memref<1x40x128xf32, #tpu.memory_space<vmem>> -> memref<40x128xf32, #tpu.memory_space<vmem>>
    %dma_wait3A_278 = arith.constant 0 : i32
    %dma_wait3A_279 = tpu.memref_slice %arg6[%dma_wait3A_272, %dma_wait3A_273, %dma_wait3A_278] : memref<2x50x40xi32, #tpu.memory_space<vmem>> -> memref<1x1x40xi32, #tpu.memory_space<vmem>>
    %dma_wait3A_280 = tpu.memref_squeeze %dma_wait3A_279 : memref<1x1x40xi32, #tpu.memory_space<vmem>> -> memref<40xi32, #tpu.memory_space<vmem>>
    %dma_wait3A_281 = arith.constant 0 : i32
    %dma_wait3A_282 = arith.constant 0 : i32
    %dma_wait3A_283 = tpu.memref_slice %arg9[%dma_wait3A_281, %dma_wait3A_282] : memref<10240x128xf32, #tpu.memory_space<vmem_shared>> -> memref<10240x128xf32, #tpu.memory_space<vmem_shared>>
    %dma_wait3A_284 = tpu.memref_slice %arg11[%rem3A_271] : memref<6x!tpu.dma_semaphore, #tpu.memory_space<semaphore_mem>> -> memref<1x!tpu.dma_semaphore, #tpu.memory_space<semaphore_mem>>
    %dma_wait3A_285 = tpu.memref_squeeze %dma_wait3A_284 : memref<1x!tpu.dma_semaphore, #tpu.memory_space<semaphore_mem>> -> memref<!tpu.dma_semaphore, #tpu.memory_space<semaphore_mem>>
    tpu.wait_indirect_dma semaphore(%dma_wait3A_285 : memref<!tpu.dma_semaphore, #tpu.memory_space<semaphore_mem>>) src(%dma_wait3A_277 : memref<40x128xf32, #tpu.memory_space<vmem>>) dst(%dma_wait3A_283 : memref<10240x128xf32, #tpu.memory_space<vmem_shared>>)
    %rem3A_286 = arith.constant 49 : i32
    %rem3A_287 = arith.constant 6 : i32
    %rem3A_288 = arith.remsi %rem3A_286, %rem3A_287 : i32
    %dma_wait3A_289 = arith.constant 1 : i32
    %dma_wait3A_290 = arith.constant 49 : i32
    %dma_wait3A_291 = arith.constant 0 : i32
    %dma_wait3A_292 = arith.constant 0 : i32
    %dma_wait3A_293 = tpu.memref_slice %arg7[%rem3A_288, %dma_wait3A_291, %dma_wait3A_292] : memref<6x40x128xf32, #tpu.memory_space<vmem>> -> memref<1x40x128xf32, #tpu.memory_space<vmem>>
    %dma_wait3A_294 = tpu.memref_squeeze %dma_wait3A_293 : memref<1x40x128xf32, #tpu.memory_space<vmem>> -> memref<40x128xf32, #tpu.memory_space<vmem>>
    %dma_wait3A_295 = arith.constant 0 : i32
    %dma_wait3A_296 = tpu.memref_slice %arg6[%dma_wait3A_289, %dma_wait3A_290, %dma_wait3A_295] : memref<2x50x40xi32, #tpu.memory_space<vmem>> -> memref<1x1x40xi32, #tpu.memory_space<vmem>>
    %dma_wait3A_297 = tpu.memref_squeeze %dma_wait3A_296 : memref<1x1x40xi32, #tpu.memory_space<vmem>> -> memref<40xi32, #tpu.memory_space<vmem>>
    %dma_wait3A_298 = arith.constant 0 : i32
    %dma_wait3A_299 = arith.constant 0 : i32
    %dma_wait3A_300 = tpu.memref_slice %arg9[%dma_wait3A_298, %dma_wait3A_299] : memref<10240x128xf32, #tpu.memory_space<vmem_shared>> -> memref<10240x128xf32, #tpu.memory_space<vmem_shared>>
    %dma_wait3A_301 = tpu.memref_slice %arg11[%rem3A_288] : memref<6x!tpu.dma_semaphore, #tpu.memory_space<semaphore_mem>> -> memref<1x!tpu.dma_semaphore, #tpu.memory_space<semaphore_mem>>
    %dma_wait3A_302 = tpu.memref_squeeze %dma_wait3A_301 : memref<1x!tpu.dma_semaphore, #tpu.memory_space<semaphore_mem>> -> memref<!tpu.dma_semaphore, #tpu.memory_space<semaphore_mem>>
    tpu.wait_indirect_dma semaphore(%dma_wait3A_302 : memref<!tpu.dma_semaphore, #tpu.memory_space<semaphore_mem>>) src(%dma_wait3A_294 : memref<40x128xf32, #tpu.memory_space<vmem>>) dst(%dma_wait3A_300 : memref<10240x128xf32, #tpu.memory_space<vmem_shared>>)
    %run_scoped3A_303 = arith.constant 2 : i32
    %run_scoped3A_304 = arith.constant 0 : i32
    "tpu.region"() ({
      %run_scoped3A_742 = tpu.sem_alloc : memref<!tpu.dma_semaphore, #tpu.memory_space<semaphore_mem>>
      %dma_start3A_743 = arith.constant 0 : i32
      %dma_start3A_744 = arith.constant 0 : i32
      %dma_start3A_745 = tpu.memref_slice %arg6[%run_scoped3A_304, %dma_start3A_743, %dma_start3A_744] : memref<2x50x40xi32, #tpu.memory_space<vmem>> -> memref<1x50x40xi32, #tpu.memory_space<vmem>>
      %dma_start3A_746 = tpu.memref_squeeze %dma_start3A_745 : memref<1x50x40xi32, #tpu.memory_space<vmem>> -> memref<50x40xi32, #tpu.memory_space<vmem>>
      %dma_start3A_747 = arith.constant 0 : i32
      %dma_start3A_748 = arith.constant 0 : i32
      %dma_start3A_749 = tpu.memref_slice %arg3[%add3A, %run_scoped3A_303, %dma_start3A_747, %dma_start3A_748] : memref<32x5x50x40xi32, #tpu.memory_space<hbm>> -> memref<1x1x50x40xi32, #tpu.memory_space<hbm>>
      %dma_start3A_750 = tpu.memref_squeeze %dma_start3A_749 : memref<1x1x50x40xi32, #tpu.memory_space<hbm>> -> memref<50x40xi32, #tpu.memory_space<hbm>>
      %dma_start3A_751 = arith.constant 0 : i32
      %dma_start3A_752 = arith.constant 0 : i32
      %dma_start3A_753 = tpu.memref_slice %arg6[%run_scoped3A_304, %dma_start3A_751, %dma_start3A_752] : memref<2x50x40xi32, #tpu.memory_space<vmem>> -> memref<1x50x40xi32, #tpu.memory_space<vmem>>
      %dma_start3A_754 = tpu.memref_squeeze %dma_start3A_753 : memref<1x50x40xi32, #tpu.memory_space<vmem>> -> memref<50x40xi32, #tpu.memory_space<vmem>>
      %dma_start3A_755 = arith.constant 0 : i32
      %dma_start3A_756 = arith.constant 0 : i32
      %dma_start3A_757 = tpu.memref_slice %arg3[%add3A, %run_scoped3A_303, %dma_start3A_755, %dma_start3A_756] : memref<32x5x50x40xi32, #tpu.memory_space<hbm>> -> memref<1x1x50x40xi32, #tpu.memory_space<hbm>>
      %dma_start3A_758 = tpu.memref_squeeze %dma_start3A_757 : memref<1x1x50x40xi32, #tpu.memory_space<hbm>> -> memref<50x40xi32, #tpu.memory_space<hbm>>
      tpu.enqueue_dma source(%dma_start3A_758 : memref<50x40xi32, #tpu.memory_space<hbm>>) target(%dma_start3A_754 : memref<50x40xi32, #tpu.memory_space<vmem>>) target_semaphore(%run_scoped3A_742 : memref<!tpu.dma_semaphore, #tpu.memory_space<semaphore_mem>>)
      %dma_wait3A_759 = arith.constant 0 : i32
      %dma_wait3A_760 = arith.constant 0 : i32
      %dma_wait3A_761 = tpu.memref_slice %arg6[%run_scoped3A_304, %dma_wait3A_759, %dma_wait3A_760] : memref<2x50x40xi32, #tpu.memory_space<vmem>> -> memref<1x50x40xi32, #tpu.memory_space<vmem>>
      %dma_wait3A_762 = tpu.memref_squeeze %dma_wait3A_761 : memref<1x50x40xi32, #tpu.memory_space<vmem>> -> memref<50x40xi32, #tpu.memory_space<vmem>>
      %dma_wait3A_763 = arith.constant 0 : i32
      %dma_wait3A_764 = arith.constant 0 : i32
      %dma_wait3A_765 = tpu.memref_slice %arg3[%add3A, %run_scoped3A_303, %dma_wait3A_763, %dma_wait3A_764] : memref<32x5x50x40xi32, #tpu.memory_space<hbm>> -> memref<1x1x50x40xi32, #tpu.memory_space<hbm>>
      %dma_wait3A_766 = tpu.memref_squeeze %dma_wait3A_765 : memref<1x1x50x40xi32, #tpu.memory_space<hbm>> -> memref<50x40xi32, #tpu.memory_space<hbm>>
      %dma_wait3A_767 = arith.constant 0 : i32
      %dma_wait3A_768 = arith.constant 0 : i32
      %dma_wait3A_769 = tpu.memref_slice %arg6[%run_scoped3A_304, %dma_wait3A_767, %dma_wait3A_768] : memref<2x50x40xi32, #tpu.memory_space<vmem>> -> memref<1x50x40xi32, #tpu.memory_space<vmem>>
      %dma_wait3A_770 = tpu.memref_squeeze %dma_wait3A_769 : memref<1x50x40xi32, #tpu.memory_space<vmem>> -> memref<50x40xi32, #tpu.memory_space<vmem>>
      %dma_wait3A_771 = arith.constant 0 : i32
      %dma_wait3A_772 = arith.constant 0 : i32
      %dma_wait3A_773 = tpu.memref_slice %arg3[%add3A, %run_scoped3A_303, %dma_wait3A_771, %dma_wait3A_772] : memref<32x5x50x40xi32, #tpu.memory_space<hbm>> -> memref<1x1x50x40xi32, #tpu.memory_space<hbm>>
      %dma_wait3A_774 = tpu.memref_squeeze %dma_wait3A_773 : memref<1x1x50x40xi32, #tpu.memory_space<hbm>> -> memref<50x40xi32, #tpu.memory_space<hbm>>
      tpu.wait_dma2 semaphore(%run_scoped3A_742 : memref<!tpu.dma_semaphore, #tpu.memory_space<semaphore_mem>>) src(%dma_wait3A_774 : memref<50x40xi32, #tpu.memory_space<hbm>>) dst(%dma_wait3A_770 : memref<50x40xi32, #tpu.memory_space<vmem>>)
      tpu.yield
    }) : () -> ()
    %run_scoped3A_305 = arith.constant 2 : i32
    %run_scoped3A_306 = arith.constant 1 : i32
    "tpu.region"() ({
      %run_scoped3A_742 = tpu.sem_alloc : memref<!tpu.dma_semaphore, #tpu.memory_space<semaphore_mem>>
      %dma_start3A_743 = arith.constant 0 : i32
      %dma_start3A_744 = arith.constant 0 : i32
      %dma_start3A_745 = tpu.memref_slice %arg6[%run_scoped3A_306, %dma_start3A_743, %dma_start3A_744] : memref<2x50x40xi32, #tpu.memory_space<vmem>> -> memref<1x50x40xi32, #tpu.memory_space<vmem>>
      %dma_start3A_746 = tpu.memref_squeeze %dma_start3A_745 : memref<1x50x40xi32, #tpu.memory_space<vmem>> -> memref<50x40xi32, #tpu.memory_space<vmem>>
      %dma_start3A_747 = arith.constant 0 : i32
      %dma_start3A_748 = arith.constant 0 : i32
      %dma_start3A_749 = tpu.memref_slice %arg4[%add3A, %run_scoped3A_305, %dma_start3A_747, %dma_start3A_748] : memref<32x5x50x40xi32, #tpu.memory_space<hbm>> -> memref<1x1x50x40xi32, #tpu.memory_space<hbm>>
      %dma_start3A_750 = tpu.memref_squeeze %dma_start3A_749 : memref<1x1x50x40xi32, #tpu.memory_space<hbm>> -> memref<50x40xi32, #tpu.memory_space<hbm>>
      %dma_start3A_751 = arith.constant 0 : i32
      %dma_start3A_752 = arith.constant 0 : i32
      %dma_start3A_753 = tpu.memref_slice %arg6[%run_scoped3A_306, %dma_start3A_751, %dma_start3A_752] : memref<2x50x40xi32, #tpu.memory_space<vmem>> -> memref<1x50x40xi32, #tpu.memory_space<vmem>>
      %dma_start3A_754 = tpu.memref_squeeze %dma_start3A_753 : memref<1x50x40xi32, #tpu.memory_space<vmem>> -> memref<50x40xi32, #tpu.memory_space<vmem>>
      %dma_start3A_755 = arith.constant 0 : i32
      %dma_start3A_756 = arith.constant 0 : i32
      %dma_start3A_757 = tpu.memref_slice %arg4[%add3A, %run_scoped3A_305, %dma_start3A_755, %dma_start3A_756] : memref<32x5x50x40xi32, #tpu.memory_space<hbm>> -> memref<1x1x50x40xi32, #tpu.memory_space<hbm>>
      %dma_start3A_758 = tpu.memref_squeeze %dma_start3A_757 : memref<1x1x50x40xi32, #tpu.memory_space<hbm>> -> memref<50x40xi32, #tpu.memory_space<hbm>>
      tpu.enqueue_dma source(%dma_start3A_758 : memref<50x40xi32, #tpu.memory_space<hbm>>) target(%dma_start3A_754 : memref<50x40xi32, #tpu.memory_space<vmem>>) target_semaphore(%run_scoped3A_742 : memref<!tpu.dma_semaphore, #tpu.memory_space<semaphore_mem>>)
      %dma_wait3A_759 = arith.constant 0 : i32
      %dma_wait3A_760 = arith.constant 0 : i32
      %dma_wait3A_761 = tpu.memref_slice %arg6[%run_scoped3A_306, %dma_wait3A_759, %dma_wait3A_760] : memref<2x50x40xi32, #tpu.memory_space<vmem>> -> memref<1x50x40xi32, #tpu.memory_space<vmem>>
      %dma_wait3A_762 = tpu.memref_squeeze %dma_wait3A_761 : memref<1x50x40xi32, #tpu.memory_space<vmem>> -> memref<50x40xi32, #tpu.memory_space<vmem>>
      %dma_wait3A_763 = arith.constant 0 : i32
      %dma_wait3A_764 = arith.constant 0 : i32
      %dma_wait3A_765 = tpu.memref_slice %arg4[%add3A, %run_scoped3A_305, %dma_wait3A_763, %dma_wait3A_764] : memref<32x5x50x40xi32, #tpu.memory_space<hbm>> -> memref<1x1x50x40xi32, #tpu.memory_space<hbm>>
      %dma_wait3A_766 = tpu.memref_squeeze %dma_wait3A_765 : memref<1x1x50x40xi32, #tpu.memory_space<hbm>> -> memref<50x40xi32, #tpu.memory_space<hbm>>
      %dma_wait3A_767 = arith.constant 0 : i32
      %dma_wait3A_768 = arith.constant 0 : i32
      %dma_wait3A_769 = tpu.memref_slice %arg6[%run_scoped3A_306, %dma_wait3A_767, %dma_wait3A_768] : memref<2x50x40xi32, #tpu.memory_space<vmem>> -> memref<1x50x40xi32, #tpu.memory_space<vmem>>
      %dma_wait3A_770 = tpu.memref_squeeze %dma_wait3A_769 : memref<1x50x40xi32, #tpu.memory_space<vmem>> -> memref<50x40xi32, #tpu.memory_space<vmem>>
      %dma_wait3A_771 = arith.constant 0 : i32
      %dma_wait3A_772 = arith.constant 0 : i32
      %dma_wait3A_773 = tpu.memref_slice %arg4[%add3A, %run_scoped3A_305, %dma_wait3A_771, %dma_wait3A_772] : memref<32x5x50x40xi32, #tpu.memory_space<hbm>> -> memref<1x1x50x40xi32, #tpu.memory_space<hbm>>
      %dma_wait3A_774 = tpu.memref_squeeze %dma_wait3A_773 : memref<1x1x50x40xi32, #tpu.memory_space<hbm>> -> memref<50x40xi32, #tpu.memory_space<hbm>>
      tpu.wait_dma2 semaphore(%run_scoped3A_742 : memref<!tpu.dma_semaphore, #tpu.memory_space<semaphore_mem>>) src(%dma_wait3A_774 : memref<50x40xi32, #tpu.memory_space<hbm>>) dst(%dma_wait3A_770 : memref<50x40xi32, #tpu.memory_space<vmem>>)
      tpu.yield
    }) : () -> ()
    %rem3A_307 = arith.constant 0 : i32
    %rem3A_308 = arith.constant 6 : i32
    %rem3A_309 = arith.remsi %rem3A_307, %rem3A_308 : i32
    %dma_start3A_310 = arith.constant 0 : i32
    %dma_start3A_311 = arith.constant 0 : i32
    %dma_start3A_312 = arith.constant 0 : i32
    %dma_start3A_313 = arith.constant 0 : i32
    %dma_start3A_314 = tpu.memref_slice %arg7[%rem3A_309, %dma_start3A_312, %dma_start3A_313] : memref<6x40x128xf32, #tpu.memory_space<vmem>> -> memref<1x40x128xf32, #tpu.memory_space<vmem>>
    %dma_start3A_315 = tpu.memref_squeeze %dma_start3A_314 : memref<1x40x128xf32, #tpu.memory_space<vmem>> -> memref<40x128xf32, #tpu.memory_space<vmem>>
    %dma_start3A_316 = arith.constant 0 : i32
    %dma_start3A_317 = tpu.memref_slice %arg6[%dma_start3A_310, %dma_start3A_311, %dma_start3A_316] : memref<2x50x40xi32, #tpu.memory_space<vmem>> -> memref<1x1x40xi32, #tpu.memory_space<vmem>>
    %dma_start3A_318 = tpu.memref_squeeze %dma_start3A_317 : memref<1x1x40xi32, #tpu.memory_space<vmem>> -> memref<40xi32, #tpu.memory_space<vmem>>
    %dma_start3A_319 = arith.constant 0 : i32
    %dma_start3A_320 = arith.constant 0 : i32
    %dma_start3A_321 = tpu.memref_slice %arg2[%dma_start3A_319, %dma_start3A_320] : memref<10000x128xf32, #tpu.memory_space<hbm>> -> memref<10000x128xf32, #tpu.memory_space<hbm>>
    %dma_start3A_322 = tpu.memref_slice %arg10[%rem3A_309] : memref<6x!tpu.dma_semaphore, #tpu.memory_space<semaphore_mem>> -> memref<1x!tpu.dma_semaphore, #tpu.memory_space<semaphore_mem>>
    %dma_start3A_323 = tpu.memref_squeeze %dma_start3A_322 : memref<1x!tpu.dma_semaphore, #tpu.memory_space<semaphore_mem>> -> memref<!tpu.dma_semaphore, #tpu.memory_space<semaphore_mem>>
    tpu.enqueue_indirect_dma source(%dma_start3A_321 : memref<10000x128xf32, #tpu.memory_space<hbm>>) target(%dma_start3A_315 : memref<40x128xf32, #tpu.memory_space<vmem>>) offsets(%dma_start3A_318 : memref<40xi32, #tpu.memory_space<vmem>>) semaphore(%dma_start3A_323 : memref<!tpu.dma_semaphore, #tpu.memory_space<semaphore_mem>>)
    %rem3A_324 = arith.constant 1 : i32
    %rem3A_325 = arith.constant 6 : i32
    %rem3A_326 = arith.remsi %rem3A_324, %rem3A_325 : i32
    %dma_start3A_327 = arith.constant 0 : i32
    %dma_start3A_328 = arith.constant 1 : i32
    %dma_start3A_329 = arith.constant 0 : i32
    %dma_start3A_330 = arith.constant 0 : i32
    %dma_start3A_331 = tpu.memref_slice %arg7[%rem3A_326, %dma_start3A_329, %dma_start3A_330] : memref<6x40x128xf32, #tpu.memory_space<vmem>> -> memref<1x40x128xf32, #tpu.memory_space<vmem>>
    %dma_start3A_332 = tpu.memref_squeeze %dma_start3A_331 : memref<1x40x128xf32, #tpu.memory_space<vmem>> -> memref<40x128xf32, #tpu.memory_space<vmem>>
    %dma_start3A_333 = arith.constant 0 : i32
    %dma_start3A_334 = tpu.memref_slice %arg6[%dma_start3A_327, %dma_start3A_328, %dma_start3A_333] : memref<2x50x40xi32, #tpu.memory_space<vmem>> -> memref<1x1x40xi32, #tpu.memory_space<vmem>>
    %dma_start3A_335 = tpu.memref_squeeze %dma_start3A_334 : memref<1x1x40xi32, #tpu.memory_space<vmem>> -> memref<40xi32, #tpu.memory_space<vmem>>
    %dma_start3A_336 = arith.constant 0 : i32
    %dma_start3A_337 = arith.constant 0 : i32
    %dma_start3A_338 = tpu.memref_slice %arg2[%dma_start3A_336, %dma_start3A_337] : memref<10000x128xf32, #tpu.memory_space<hbm>> -> memref<10000x128xf32, #tpu.memory_space<hbm>>
    %dma_start3A_339 = tpu.memref_slice %arg10[%rem3A_326] : memref<6x!tpu.dma_semaphore, #tpu.memory_space<semaphore_mem>> -> memref<1x!tpu.dma_semaphore, #tpu.memory_space<semaphore_mem>>
    %dma_start3A_340 = tpu.memref_squeeze %dma_start3A_339 : memref<1x!tpu.dma_semaphore, #tpu.memory_space<semaphore_mem>> -> memref<!tpu.dma_semaphore, #tpu.memory_space<semaphore_mem>>
    tpu.enqueue_indirect_dma source(%dma_start3A_338 : memref<10000x128xf32, #tpu.memory_space<hbm>>) target(%dma_start3A_332 : memref<40x128xf32, #tpu.memory_space<vmem>>) offsets(%dma_start3A_335 : memref<40xi32, #tpu.memory_space<vmem>>) semaphore(%dma_start3A_340 : memref<!tpu.dma_semaphore, #tpu.memory_space<semaphore_mem>>)
    %rem3A_341 = arith.constant 2 : i32
    %rem3A_342 = arith.constant 6 : i32
    %rem3A_343 = arith.remsi %rem3A_341, %rem3A_342 : i32
    %dma_start3A_344 = arith.constant 0 : i32
    %dma_start3A_345 = arith.constant 2 : i32
    %dma_start3A_346 = arith.constant 0 : i32
    %dma_start3A_347 = arith.constant 0 : i32
    %dma_start3A_348 = tpu.memref_slice %arg7[%rem3A_343, %dma_start3A_346, %dma_start3A_347] : memref<6x40x128xf32, #tpu.memory_space<vmem>> -> memref<1x40x128xf32, #tpu.memory_space<vmem>>
    %dma_start3A_349 = tpu.memref_squeeze %dma_start3A_348 : memref<1x40x128xf32, #tpu.memory_space<vmem>> -> memref<40x128xf32, #tpu.memory_space<vmem>>
    %dma_start3A_350 = arith.constant 0 : i32
    %dma_start3A_351 = tpu.memref_slice %arg6[%dma_start3A_344, %dma_start3A_345, %dma_start3A_350] : memref<2x50x40xi32, #tpu.memory_space<vmem>> -> memref<1x1x40xi32, #tpu.memory_space<vmem>>
    %dma_start3A_352 = tpu.memref_squeeze %dma_start3A_351 : memref<1x1x40xi32, #tpu.memory_space<vmem>> -> memref<40xi32, #tpu.memory_space<vmem>>
    %dma_start3A_353 = arith.constant 0 : i32
    %dma_start3A_354 = arith.constant 0 : i32
    %dma_start3A_355 = tpu.memref_slice %arg2[%dma_start3A_353, %dma_start3A_354] : memref<10000x128xf32, #tpu.memory_space<hbm>> -> memref<10000x128xf32, #tpu.memory_space<hbm>>
    %dma_start3A_356 = tpu.memref_slice %arg10[%rem3A_343] : memref<6x!tpu.dma_semaphore, #tpu.memory_space<semaphore_mem>> -> memref<1x!tpu.dma_semaphore, #tpu.memory_space<semaphore_mem>>
    %dma_start3A_357 = tpu.memref_squeeze %dma_start3A_356 : memref<1x!tpu.dma_semaphore, #tpu.memory_space<semaphore_mem>> -> memref<!tpu.dma_semaphore, #tpu.memory_space<semaphore_mem>>
    tpu.enqueue_indirect_dma source(%dma_start3A_355 : memref<10000x128xf32, #tpu.memory_space<hbm>>) target(%dma_start3A_349 : memref<40x128xf32, #tpu.memory_space<vmem>>) offsets(%dma_start3A_352 : memref<40xi32, #tpu.memory_space<vmem>>) semaphore(%dma_start3A_357 : memref<!tpu.dma_semaphore, #tpu.memory_space<semaphore_mem>>)
    %rem3A_358 = arith.constant 3 : i32
    %rem3A_359 = arith.constant 6 : i32
    %rem3A_360 = arith.remsi %rem3A_358, %rem3A_359 : i32
    %dma_start3A_361 = arith.constant 0 : i32
    %dma_start3A_362 = arith.constant 3 : i32
    %dma_start3A_363 = arith.constant 0 : i32
    %dma_start3A_364 = arith.constant 0 : i32
    %dma_start3A_365 = tpu.memref_slice %arg7[%rem3A_360, %dma_start3A_363, %dma_start3A_364] : memref<6x40x128xf32, #tpu.memory_space<vmem>> -> memref<1x40x128xf32, #tpu.memory_space<vmem>>
    %dma_start3A_366 = tpu.memref_squeeze %dma_start3A_365 : memref<1x40x128xf32, #tpu.memory_space<vmem>> -> memref<40x128xf32, #tpu.memory_space<vmem>>
    %dma_start3A_367 = arith.constant 0 : i32
    %dma_start3A_368 = tpu.memref_slice %arg6[%dma_start3A_361, %dma_start3A_362, %dma_start3A_367] : memref<2x50x40xi32, #tpu.memory_space<vmem>> -> memref<1x1x40xi32, #tpu.memory_space<vmem>>
    %dma_start3A_369 = tpu.memref_squeeze %dma_start3A_368 : memref<1x1x40xi32, #tpu.memory_space<vmem>> -> memref<40xi32, #tpu.memory_space<vmem>>
    %dma_start3A_370 = arith.constant 0 : i32
    %dma_start3A_371 = arith.constant 0 : i32
    %dma_start3A_372 = tpu.memref_slice %arg2[%dma_start3A_370, %dma_start3A_371] : memref<10000x128xf32, #tpu.memory_space<hbm>> -> memref<10000x128xf32, #tpu.memory_space<hbm>>
    %dma_start3A_373 = tpu.memref_slice %arg10[%rem3A_360] : memref<6x!tpu.dma_semaphore, #tpu.memory_space<semaphore_mem>> -> memref<1x!tpu.dma_semaphore, #tpu.memory_space<semaphore_mem>>
    %dma_start3A_374 = tpu.memref_squeeze %dma_start3A_373 : memref<1x!tpu.dma_semaphore, #tpu.memory_space<semaphore_mem>> -> memref<!tpu.dma_semaphore, #tpu.memory_space<semaphore_mem>>
    tpu.enqueue_indirect_dma source(%dma_start3A_372 : memref<10000x128xf32, #tpu.memory_space<hbm>>) target(%dma_start3A_366 : memref<40x128xf32, #tpu.memory_space<vmem>>) offsets(%dma_start3A_369 : memref<40xi32, #tpu.memory_space<vmem>>) semaphore(%dma_start3A_374 : memref<!tpu.dma_semaphore, #tpu.memory_space<semaphore_mem>>)
    %scan3A_375 = arith.constant 0 : i32
    %scan3A_376 = arith.constant 0 : i32
    %scan3A_377 = arith.constant 50 : i32
    %scan3A_378 = arith.addi %scan3A_376, %scan3A_377 : i32
    %scan3A_379 = arith.constant 1 : i32
    scf.for %scan3A_742 = %scan3A_376 to %scan3A_378 step %scan3A_379  : i32 {
      %rem3A_743 = arith.constant 6 : i32
      %rem3A_744 = arith.remsi %scan3A_742, %rem3A_743 : i32
      %dma_wait3A_745 = arith.constant 0 : i32
      %dma_wait3A_746 = arith.constant 0 : i32
      %dma_wait3A_747 = arith.constant 0 : i32
      %dma_wait3A_748 = tpu.memref_slice %arg7[%rem3A_744, %dma_wait3A_746, %dma_wait3A_747] : memref<6x40x128xf32, #tpu.memory_space<vmem>> -> memref<1x40x128xf32, #tpu.memory_space<vmem>>
      %dma_wait3A_749 = tpu.memref_squeeze %dma_wait3A_748 : memref<1x40x128xf32, #tpu.memory_space<vmem>> -> memref<40x128xf32, #tpu.memory_space<vmem>>
      %dma_wait3A_750 = arith.constant 0 : i32
      %dma_wait3A_751 = tpu.memref_slice %arg6[%dma_wait3A_745, %scan3A_742, %dma_wait3A_750] : memref<2x50x40xi32, #tpu.memory_space<vmem>> -> memref<1x1x40xi32, #tpu.memory_space<vmem>>
      %dma_wait3A_752 = tpu.memref_squeeze %dma_wait3A_751 : memref<1x1x40xi32, #tpu.memory_space<vmem>> -> memref<40xi32, #tpu.memory_space<vmem>>
      %dma_wait3A_753 = arith.constant 0 : i32
      %dma_wait3A_754 = arith.constant 0 : i32
      %dma_wait3A_755 = tpu.memref_slice %arg2[%dma_wait3A_753, %dma_wait3A_754] : memref<10000x128xf32, #tpu.memory_space<hbm>> -> memref<10000x128xf32, #tpu.memory_space<hbm>>
      %dma_wait3A_756 = tpu.memref_slice %arg10[%rem3A_744] : memref<6x!tpu.dma_semaphore, #tpu.memory_space<semaphore_mem>> -> memref<1x!tpu.dma_semaphore, #tpu.memory_space<semaphore_mem>>
      %dma_wait3A_757 = tpu.memref_squeeze %dma_wait3A_756 : memref<1x!tpu.dma_semaphore, #tpu.memory_space<semaphore_mem>> -> memref<!tpu.dma_semaphore, #tpu.memory_space<semaphore_mem>>
      tpu.wait_indirect_dma semaphore(%dma_wait3A_757 : memref<!tpu.dma_semaphore, #tpu.memory_space<semaphore_mem>>) src(%dma_wait3A_755 : memref<10000x128xf32, #tpu.memory_space<hbm>>) dst(%dma_wait3A_749 : memref<40x128xf32, #tpu.memory_space<vmem>>)
      %ge3A = arith.constant 4 : i32
      %ge3A_758 = arith.cmpi sge, %scan3A_742, %ge3A : i32
      %convert_element_type3A = arith.extui %ge3A_758 : i1 to i32
      %cond3A = arith.constant 0 : i32
      %cond3A_759 = arith.cmpi ne, %convert_element_type3A, %cond3A : i32
      scf.if %cond3A_759 {
        %sub3A = arith.constant 4 : i32
        %sub3A_779 = arith.subi %scan3A_742, %sub3A : i32
        %rem3A_780 = arith.constant 6 : i32
        %rem3A_781 = arith.remsi %sub3A_779, %rem3A_780 : i32
        %dma_wait3A_782 = arith.constant 1 : i32
        %dma_wait3A_783 = arith.constant 0 : i32
        %dma_wait3A_784 = arith.constant 0 : i32
        %dma_wait3A_785 = tpu.memref_slice %arg7[%rem3A_781, %dma_wait3A_783, %dma_wait3A_784] : memref<6x40x128xf32, #tpu.memory_space<vmem>> -> memref<1x40x128xf32, #tpu.memory_space<vmem>>
        %dma_wait3A_786 = tpu.memref_squeeze %dma_wait3A_785 : memref<1x40x128xf32, #tpu.memory_space<vmem>> -> memref<40x128xf32, #tpu.memory_space<vmem>>
        %dma_wait3A_787 = arith.constant 0 : i32
        %dma_wait3A_788 = tpu.memref_slice %arg6[%dma_wait3A_782, %sub3A_779, %dma_wait3A_787] : memref<2x50x40xi32, #tpu.memory_space<vmem>> -> memref<1x1x40xi32, #tpu.memory_space<vmem>>
        %dma_wait3A_789 = tpu.memref_squeeze %dma_wait3A_788 : memref<1x1x40xi32, #tpu.memory_space<vmem>> -> memref<40xi32, #tpu.memory_space<vmem>>
        %dma_wait3A_790 = arith.constant 0 : i32
        %dma_wait3A_791 = arith.constant 0 : i32
        %dma_wait3A_792 = tpu.memref_slice %arg9[%dma_wait3A_790, %dma_wait3A_791] : memref<10240x128xf32, #tpu.memory_space<vmem_shared>> -> memref<10240x128xf32, #tpu.memory_space<vmem_shared>>
        %dma_wait3A_793 = tpu.memref_slice %arg11[%rem3A_781] : memref<6x!tpu.dma_semaphore, #tpu.memory_space<semaphore_mem>> -> memref<1x!tpu.dma_semaphore, #tpu.memory_space<semaphore_mem>>
        %dma_wait3A_794 = tpu.memref_squeeze %dma_wait3A_793 : memref<1x!tpu.dma_semaphore, #tpu.memory_space<semaphore_mem>> -> memref<!tpu.dma_semaphore, #tpu.memory_space<semaphore_mem>>
        tpu.wait_indirect_dma semaphore(%dma_wait3A_794 : memref<!tpu.dma_semaphore, #tpu.memory_space<semaphore_mem>>) src(%dma_wait3A_786 : memref<40x128xf32, #tpu.memory_space<vmem>>) dst(%dma_wait3A_792 : memref<10240x128xf32, #tpu.memory_space<vmem_shared>>)
      } else {
      }
      %add3A_760 = arith.constant 4 : i32
      %add3A_761 = arith.addi %scan3A_742, %add3A_760 : i32
      %lt3A = arith.constant 50 : i32
      %lt3A_762 = arith.cmpi slt, %add3A_761, %lt3A : i32
      %convert_element_type3A_763 = arith.extui %lt3A_762 : i1 to i32
      %cond3A_764 = arith.constant 0 : i32
      %cond3A_765 = arith.cmpi ne, %convert_element_type3A_763, %cond3A_764 : i32
      scf.if %cond3A_765 {
        %add3A_779 = arith.constant 4 : i32
        %add3A_780 = arith.addi %scan3A_742, %add3A_779 : i32
        %rem3A_781 = arith.constant 6 : i32
        %rem3A_782 = arith.remsi %add3A_780, %rem3A_781 : i32
        %dma_start3A_783 = arith.constant 0 : i32
        %dma_start3A_784 = arith.constant 0 : i32
        %dma_start3A_785 = arith.constant 0 : i32
        %dma_start3A_786 = tpu.memref_slice %arg7[%rem3A_782, %dma_start3A_784, %dma_start3A_785] : memref<6x40x128xf32, #tpu.memory_space<vmem>> -> memref<1x40x128xf32, #tpu.memory_space<vmem>>
        %dma_start3A_787 = tpu.memref_squeeze %dma_start3A_786 : memref<1x40x128xf32, #tpu.memory_space<vmem>> -> memref<40x128xf32, #tpu.memory_space<vmem>>
        %dma_start3A_788 = arith.constant 0 : i32
        %dma_start3A_789 = tpu.memref_slice %arg6[%dma_start3A_783, %add3A_780, %dma_start3A_788] : memref<2x50x40xi32, #tpu.memory_space<vmem>> -> memref<1x1x40xi32, #tpu.memory_space<vmem>>
        %dma_start3A_790 = tpu.memref_squeeze %dma_start3A_789 : memref<1x1x40xi32, #tpu.memory_space<vmem>> -> memref<40xi32, #tpu.memory_space<vmem>>
        %dma_start3A_791 = arith.constant 0 : i32
        %dma_start3A_792 = arith.constant 0 : i32
        %dma_start3A_793 = tpu.memref_slice %arg2[%dma_start3A_791, %dma_start3A_792] : memref<10000x128xf32, #tpu.memory_space<hbm>> -> memref<10000x128xf32, #tpu.memory_space<hbm>>
        %dma_start3A_794 = tpu.memref_slice %arg10[%rem3A_782] : memref<6x!tpu.dma_semaphore, #tpu.memory_space<semaphore_mem>> -> memref<1x!tpu.dma_semaphore, #tpu.memory_space<semaphore_mem>>
        %dma_start3A_795 = tpu.memref_squeeze %dma_start3A_794 : memref<1x!tpu.dma_semaphore, #tpu.memory_space<semaphore_mem>> -> memref<!tpu.dma_semaphore, #tpu.memory_space<semaphore_mem>>
        tpu.enqueue_indirect_dma source(%dma_start3A_793 : memref<10000x128xf32, #tpu.memory_space<hbm>>) target(%dma_start3A_787 : memref<40x128xf32, #tpu.memory_space<vmem>>) offsets(%dma_start3A_790 : memref<40xi32, #tpu.memory_space<vmem>>) semaphore(%dma_start3A_795 : memref<!tpu.dma_semaphore, #tpu.memory_space<semaphore_mem>>)
      } else {
      }
      %dma_start3A_766 = arith.constant 1 : i32
      %dma_start3A_767 = arith.constant 0 : i32
      %dma_start3A_768 = arith.constant 0 : i32
      %dma_start3A_769 = tpu.memref_slice %arg7[%rem3A_744, %dma_start3A_767, %dma_start3A_768] : memref<6x40x128xf32, #tpu.memory_space<vmem>> -> memref<1x40x128xf32, #tpu.memory_space<vmem>>
      %dma_start3A_770 = tpu.memref_squeeze %dma_start3A_769 : memref<1x40x128xf32, #tpu.memory_space<vmem>> -> memref<40x128xf32, #tpu.memory_space<vmem>>
      %dma_start3A_771 = arith.constant 0 : i32
      %dma_start3A_772 = tpu.memref_slice %arg6[%dma_start3A_766, %scan3A_742, %dma_start3A_771] : memref<2x50x40xi32, #tpu.memory_space<vmem>> -> memref<1x1x40xi32, #tpu.memory_space<vmem>>
      %dma_start3A_773 = tpu.memref_squeeze %dma_start3A_772 : memref<1x1x40xi32, #tpu.memory_space<vmem>> -> memref<40xi32, #tpu.memory_space<vmem>>
      %dma_start3A_774 = arith.constant 0 : i32
      %dma_start3A_775 = arith.constant 0 : i32
      %dma_start3A_776 = tpu.memref_slice %arg9[%dma_start3A_774, %dma_start3A_775] : memref<10240x128xf32, #tpu.memory_space<vmem_shared>> -> memref<10240x128xf32, #tpu.memory_space<vmem_shared>>
      %dma_start3A_777 = tpu.memref_slice %arg11[%rem3A_744] : memref<6x!tpu.dma_semaphore, #tpu.memory_space<semaphore_mem>> -> memref<1x!tpu.dma_semaphore, #tpu.memory_space<semaphore_mem>>
      %dma_start3A_778 = tpu.memref_squeeze %dma_start3A_777 : memref<1x!tpu.dma_semaphore, #tpu.memory_space<semaphore_mem>> -> memref<!tpu.dma_semaphore, #tpu.memory_space<semaphore_mem>>
      tpu.enqueue_indirect_dma source(%dma_start3A_770 : memref<40x128xf32, #tpu.memory_space<vmem>>) target(%dma_start3A_776 : memref<10240x128xf32, #tpu.memory_space<vmem_shared>>) offsets(%dma_start3A_773 : memref<40xi32, #tpu.memory_space<vmem>>) semaphore(%dma_start3A_778 : memref<!tpu.dma_semaphore, #tpu.memory_space<semaphore_mem>>) {add = true}
    }
    %scan3A_380 = arith.constant 50 : i32
    %rem3A_381 = arith.constant 46 : i32
    %rem3A_382 = arith.constant 6 : i32
    %rem3A_383 = arith.remsi %rem3A_381, %rem3A_382 : i32
    %dma_wait3A_384 = arith.constant 1 : i32
    %dma_wait3A_385 = arith.constant 46 : i32
    %dma_wait3A_386 = arith.constant 0 : i32
    %dma_wait3A_387 = arith.constant 0 : i32
    %dma_wait3A_388 = tpu.memref_slice %arg7[%rem3A_383, %dma_wait3A_386, %dma_wait3A_387] : memref<6x40x128xf32, #tpu.memory_space<vmem>> -> memref<1x40x128xf32, #tpu.memory_space<vmem>>
    %dma_wait3A_389 = tpu.memref_squeeze %dma_wait3A_388 : memref<1x40x128xf32, #tpu.memory_space<vmem>> -> memref<40x128xf32, #tpu.memory_space<vmem>>
    %dma_wait3A_390 = arith.constant 0 : i32
    %dma_wait3A_391 = tpu.memref_slice %arg6[%dma_wait3A_384, %dma_wait3A_385, %dma_wait3A_390] : memref<2x50x40xi32, #tpu.memory_space<vmem>> -> memref<1x1x40xi32, #tpu.memory_space<vmem>>
    %dma_wait3A_392 = tpu.memref_squeeze %dma_wait3A_391 : memref<1x1x40xi32, #tpu.memory_space<vmem>> -> memref<40xi32, #tpu.memory_space<vmem>>
    %dma_wait3A_393 = arith.constant 0 : i32
    %dma_wait3A_394 = arith.constant 0 : i32
    %dma_wait3A_395 = tpu.memref_slice %arg9[%dma_wait3A_393, %dma_wait3A_394] : memref<10240x128xf32, #tpu.memory_space<vmem_shared>> -> memref<10240x128xf32, #tpu.memory_space<vmem_shared>>
    %dma_wait3A_396 = tpu.memref_slice %arg11[%rem3A_383] : memref<6x!tpu.dma_semaphore, #tpu.memory_space<semaphore_mem>> -> memref<1x!tpu.dma_semaphore, #tpu.memory_space<semaphore_mem>>
    %dma_wait3A_397 = tpu.memref_squeeze %dma_wait3A_396 : memref<1x!tpu.dma_semaphore, #tpu.memory_space<semaphore_mem>> -> memref<!tpu.dma_semaphore, #tpu.memory_space<semaphore_mem>>
    tpu.wait_indirect_dma semaphore(%dma_wait3A_397 : memref<!tpu.dma_semaphore, #tpu.memory_space<semaphore_mem>>) src(%dma_wait3A_389 : memref<40x128xf32, #tpu.memory_space<vmem>>) dst(%dma_wait3A_395 : memref<10240x128xf32, #tpu.memory_space<vmem_shared>>)
    %rem3A_398 = arith.constant 47 : i32
    %rem3A_399 = arith.constant 6 : i32
    %rem3A_400 = arith.remsi %rem3A_398, %rem3A_399 : i32
    %dma_wait3A_401 = arith.constant 1 : i32
    %dma_wait3A_402 = arith.constant 47 : i32
    %dma_wait3A_403 = arith.constant 0 : i32
    %dma_wait3A_404 = arith.constant 0 : i32
    %dma_wait3A_405 = tpu.memref_slice %arg7[%rem3A_400, %dma_wait3A_403, %dma_wait3A_404] : memref<6x40x128xf32, #tpu.memory_space<vmem>> -> memref<1x40x128xf32, #tpu.memory_space<vmem>>
    %dma_wait3A_406 = tpu.memref_squeeze %dma_wait3A_405 : memref<1x40x128xf32, #tpu.memory_space<vmem>> -> memref<40x128xf32, #tpu.memory_space<vmem>>
    %dma_wait3A_407 = arith.constant 0 : i32
    %dma_wait3A_408 = tpu.memref_slice %arg6[%dma_wait3A_401, %dma_wait3A_402, %dma_wait3A_407] : memref<2x50x40xi32, #tpu.memory_space<vmem>> -> memref<1x1x40xi32, #tpu.memory_space<vmem>>
    %dma_wait3A_409 = tpu.memref_squeeze %dma_wait3A_408 : memref<1x1x40xi32, #tpu.memory_space<vmem>> -> memref<40xi32, #tpu.memory_space<vmem>>
    %dma_wait3A_410 = arith.constant 0 : i32
    %dma_wait3A_411 = arith.constant 0 : i32
    %dma_wait3A_412 = tpu.memref_slice %arg9[%dma_wait3A_410, %dma_wait3A_411] : memref<10240x128xf32, #tpu.memory_space<vmem_shared>> -> memref<10240x128xf32, #tpu.memory_space<vmem_shared>>
    %dma_wait3A_413 = tpu.memref_slice %arg11[%rem3A_400] : memref<6x!tpu.dma_semaphore, #tpu.memory_space<semaphore_mem>> -> memref<1x!tpu.dma_semaphore, #tpu.memory_space<semaphore_mem>>
    %dma_wait3A_414 = tpu.memref_squeeze %dma_wait3A_413 : memref<1x!tpu.dma_semaphore, #tpu.memory_space<semaphore_mem>> -> memref<!tpu.dma_semaphore, #tpu.memory_space<semaphore_mem>>
    tpu.wait_indirect_dma semaphore(%dma_wait3A_414 : memref<!tpu.dma_semaphore, #tpu.memory_space<semaphore_mem>>) src(%dma_wait3A_406 : memref<40x128xf32, #tpu.memory_space<vmem>>) dst(%dma_wait3A_412 : memref<10240x128xf32, #tpu.memory_space<vmem_shared>>)
    %rem3A_415 = arith.constant 48 : i32
    %rem3A_416 = arith.constant 6 : i32
    %rem3A_417 = arith.remsi %rem3A_415, %rem3A_416 : i32
    %dma_wait3A_418 = arith.constant 1 : i32
    %dma_wait3A_419 = arith.constant 48 : i32
    %dma_wait3A_420 = arith.constant 0 : i32
    %dma_wait3A_421 = arith.constant 0 : i32
    %dma_wait3A_422 = tpu.memref_slice %arg7[%rem3A_417, %dma_wait3A_420, %dma_wait3A_421] : memref<6x40x128xf32, #tpu.memory_space<vmem>> -> memref<1x40x128xf32, #tpu.memory_space<vmem>>
    %dma_wait3A_423 = tpu.memref_squeeze %dma_wait3A_422 : memref<1x40x128xf32, #tpu.memory_space<vmem>> -> memref<40x128xf32, #tpu.memory_space<vmem>>
    %dma_wait3A_424 = arith.constant 0 : i32
    %dma_wait3A_425 = tpu.memref_slice %arg6[%dma_wait3A_418, %dma_wait3A_419, %dma_wait3A_424] : memref<2x50x40xi32, #tpu.memory_space<vmem>> -> memref<1x1x40xi32, #tpu.memory_space<vmem>>
    %dma_wait3A_426 = tpu.memref_squeeze %dma_wait3A_425 : memref<1x1x40xi32, #tpu.memory_space<vmem>> -> memref<40xi32, #tpu.memory_space<vmem>>
    %dma_wait3A_427 = arith.constant 0 : i32
    %dma_wait3A_428 = arith.constant 0 : i32
    %dma_wait3A_429 = tpu.memref_slice %arg9[%dma_wait3A_427, %dma_wait3A_428] : memref<10240x128xf32, #tpu.memory_space<vmem_shared>> -> memref<10240x128xf32, #tpu.memory_space<vmem_shared>>
    %dma_wait3A_430 = tpu.memref_slice %arg11[%rem3A_417] : memref<6x!tpu.dma_semaphore, #tpu.memory_space<semaphore_mem>> -> memref<1x!tpu.dma_semaphore, #tpu.memory_space<semaphore_mem>>
    %dma_wait3A_431 = tpu.memref_squeeze %dma_wait3A_430 : memref<1x!tpu.dma_semaphore, #tpu.memory_space<semaphore_mem>> -> memref<!tpu.dma_semaphore, #tpu.memory_space<semaphore_mem>>
    tpu.wait_indirect_dma semaphore(%dma_wait3A_431 : memref<!tpu.dma_semaphore, #tpu.memory_space<semaphore_mem>>) src(%dma_wait3A_423 : memref<40x128xf32, #tpu.memory_space<vmem>>) dst(%dma_wait3A_429 : memref<10240x128xf32, #tpu.memory_space<vmem_shared>>)
    %rem3A_432 = arith.constant 49 : i32
    %rem3A_433 = arith.constant 6 : i32
    %rem3A_434 = arith.remsi %rem3A_432, %rem3A_433 : i32
    %dma_wait3A_435 = arith.constant 1 : i32
    %dma_wait3A_436 = arith.constant 49 : i32
    %dma_wait3A_437 = arith.constant 0 : i32
    %dma_wait3A_438 = arith.constant 0 : i32
    %dma_wait3A_439 = tpu.memref_slice %arg7[%rem3A_434, %dma_wait3A_437, %dma_wait3A_438] : memref<6x40x128xf32, #tpu.memory_space<vmem>> -> memref<1x40x128xf32, #tpu.memory_space<vmem>>
    %dma_wait3A_440 = tpu.memref_squeeze %dma_wait3A_439 : memref<1x40x128xf32, #tpu.memory_space<vmem>> -> memref<40x128xf32, #tpu.memory_space<vmem>>
    %dma_wait3A_441 = arith.constant 0 : i32
    %dma_wait3A_442 = tpu.memref_slice %arg6[%dma_wait3A_435, %dma_wait3A_436, %dma_wait3A_441] : memref<2x50x40xi32, #tpu.memory_space<vmem>> -> memref<1x1x40xi32, #tpu.memory_space<vmem>>
    %dma_wait3A_443 = tpu.memref_squeeze %dma_wait3A_442 : memref<1x1x40xi32, #tpu.memory_space<vmem>> -> memref<40xi32, #tpu.memory_space<vmem>>
    %dma_wait3A_444 = arith.constant 0 : i32
    %dma_wait3A_445 = arith.constant 0 : i32
    %dma_wait3A_446 = tpu.memref_slice %arg9[%dma_wait3A_444, %dma_wait3A_445] : memref<10240x128xf32, #tpu.memory_space<vmem_shared>> -> memref<10240x128xf32, #tpu.memory_space<vmem_shared>>
    %dma_wait3A_447 = tpu.memref_slice %arg11[%rem3A_434] : memref<6x!tpu.dma_semaphore, #tpu.memory_space<semaphore_mem>> -> memref<1x!tpu.dma_semaphore, #tpu.memory_space<semaphore_mem>>
    %dma_wait3A_448 = tpu.memref_squeeze %dma_wait3A_447 : memref<1x!tpu.dma_semaphore, #tpu.memory_space<semaphore_mem>> -> memref<!tpu.dma_semaphore, #tpu.memory_space<semaphore_mem>>
    tpu.wait_indirect_dma semaphore(%dma_wait3A_448 : memref<!tpu.dma_semaphore, #tpu.memory_space<semaphore_mem>>) src(%dma_wait3A_440 : memref<40x128xf32, #tpu.memory_space<vmem>>) dst(%dma_wait3A_446 : memref<10240x128xf32, #tpu.memory_space<vmem_shared>>)
    %run_scoped3A_449 = arith.constant 3 : i32
    %run_scoped3A_450 = arith.constant 0 : i32
    "tpu.region"() ({
      %run_scoped3A_742 = tpu.sem_alloc : memref<!tpu.dma_semaphore, #tpu.memory_space<semaphore_mem>>
      %dma_start3A_743 = arith.constant 0 : i32
      %dma_start3A_744 = arith.constant 0 : i32
      %dma_start3A_745 = tpu.memref_slice %arg6[%run_scoped3A_450, %dma_start3A_743, %dma_start3A_744] : memref<2x50x40xi32, #tpu.memory_space<vmem>> -> memref<1x50x40xi32, #tpu.memory_space<vmem>>
      %dma_start3A_746 = tpu.memref_squeeze %dma_start3A_745 : memref<1x50x40xi32, #tpu.memory_space<vmem>> -> memref<50x40xi32, #tpu.memory_space<vmem>>
      %dma_start3A_747 = arith.constant 0 : i32
      %dma_start3A_748 = arith.constant 0 : i32
      %dma_start3A_749 = tpu.memref_slice %arg3[%add3A, %run_scoped3A_449, %dma_start3A_747, %dma_start3A_748] : memref<32x5x50x40xi32, #tpu.memory_space<hbm>> -> memref<1x1x50x40xi32, #tpu.memory_space<hbm>>
      %dma_start3A_750 = tpu.memref_squeeze %dma_start3A_749 : memref<1x1x50x40xi32, #tpu.memory_space<hbm>> -> memref<50x40xi32, #tpu.memory_space<hbm>>
      %dma_start3A_751 = arith.constant 0 : i32
      %dma_start3A_752 = arith.constant 0 : i32
      %dma_start3A_753 = tpu.memref_slice %arg6[%run_scoped3A_450, %dma_start3A_751, %dma_start3A_752] : memref<2x50x40xi32, #tpu.memory_space<vmem>> -> memref<1x50x40xi32, #tpu.memory_space<vmem>>
      %dma_start3A_754 = tpu.memref_squeeze %dma_start3A_753 : memref<1x50x40xi32, #tpu.memory_space<vmem>> -> memref<50x40xi32, #tpu.memory_space<vmem>>
      %dma_start3A_755 = arith.constant 0 : i32
      %dma_start3A_756 = arith.constant 0 : i32
      %dma_start3A_757 = tpu.memref_slice %arg3[%add3A, %run_scoped3A_449, %dma_start3A_755, %dma_start3A_756] : memref<32x5x50x40xi32, #tpu.memory_space<hbm>> -> memref<1x1x50x40xi32, #tpu.memory_space<hbm>>
      %dma_start3A_758 = tpu.memref_squeeze %dma_start3A_757 : memref<1x1x50x40xi32, #tpu.memory_space<hbm>> -> memref<50x40xi32, #tpu.memory_space<hbm>>
      tpu.enqueue_dma source(%dma_start3A_758 : memref<50x40xi32, #tpu.memory_space<hbm>>) target(%dma_start3A_754 : memref<50x40xi32, #tpu.memory_space<vmem>>) target_semaphore(%run_scoped3A_742 : memref<!tpu.dma_semaphore, #tpu.memory_space<semaphore_mem>>)
      %dma_wait3A_759 = arith.constant 0 : i32
      %dma_wait3A_760 = arith.constant 0 : i32
      %dma_wait3A_761 = tpu.memref_slice %arg6[%run_scoped3A_450, %dma_wait3A_759, %dma_wait3A_760] : memref<2x50x40xi32, #tpu.memory_space<vmem>> -> memref<1x50x40xi32, #tpu.memory_space<vmem>>
      %dma_wait3A_762 = tpu.memref_squeeze %dma_wait3A_761 : memref<1x50x40xi32, #tpu.memory_space<vmem>> -> memref<50x40xi32, #tpu.memory_space<vmem>>
      %dma_wait3A_763 = arith.constant 0 : i32
      %dma_wait3A_764 = arith.constant 0 : i32
      %dma_wait3A_765 = tpu.memref_slice %arg3[%add3A, %run_scoped3A_449, %dma_wait3A_763, %dma_wait3A_764] : memref<32x5x50x40xi32, #tpu.memory_space<hbm>> -> memref<1x1x50x40xi32, #tpu.memory_space<hbm>>
      %dma_wait3A_766 = tpu.memref_squeeze %dma_wait3A_765 : memref<1x1x50x40xi32, #tpu.memory_space<hbm>> -> memref<50x40xi32, #tpu.memory_space<hbm>>
      %dma_wait3A_767 = arith.constant 0 : i32
      %dma_wait3A_768 = arith.constant 0 : i32
      %dma_wait3A_769 = tpu.memref_slice %arg6[%run_scoped3A_450, %dma_wait3A_767, %dma_wait3A_768] : memref<2x50x40xi32, #tpu.memory_space<vmem>> -> memref<1x50x40xi32, #tpu.memory_space<vmem>>
      %dma_wait3A_770 = tpu.memref_squeeze %dma_wait3A_769 : memref<1x50x40xi32, #tpu.memory_space<vmem>> -> memref<50x40xi32, #tpu.memory_space<vmem>>
      %dma_wait3A_771 = arith.constant 0 : i32
      %dma_wait3A_772 = arith.constant 0 : i32
      %dma_wait3A_773 = tpu.memref_slice %arg3[%add3A, %run_scoped3A_449, %dma_wait3A_771, %dma_wait3A_772] : memref<32x5x50x40xi32, #tpu.memory_space<hbm>> -> memref<1x1x50x40xi32, #tpu.memory_space<hbm>>
      %dma_wait3A_774 = tpu.memref_squeeze %dma_wait3A_773 : memref<1x1x50x40xi32, #tpu.memory_space<hbm>> -> memref<50x40xi32, #tpu.memory_space<hbm>>
      tpu.wait_dma2 semaphore(%run_scoped3A_742 : memref<!tpu.dma_semaphore, #tpu.memory_space<semaphore_mem>>) src(%dma_wait3A_774 : memref<50x40xi32, #tpu.memory_space<hbm>>) dst(%dma_wait3A_770 : memref<50x40xi32, #tpu.memory_space<vmem>>)
      tpu.yield
    }) : () -> ()
    %run_scoped3A_451 = arith.constant 3 : i32
    %run_scoped3A_452 = arith.constant 1 : i32
    "tpu.region"() ({
      %run_scoped3A_742 = tpu.sem_alloc : memref<!tpu.dma_semaphore, #tpu.memory_space<semaphore_mem>>
      %dma_start3A_743 = arith.constant 0 : i32
      %dma_start3A_744 = arith.constant 0 : i32
      %dma_start3A_745 = tpu.memref_slice %arg6[%run_scoped3A_452, %dma_start3A_743, %dma_start3A_744] : memref<2x50x40xi32, #tpu.memory_space<vmem>> -> memref<1x50x40xi32, #tpu.memory_space<vmem>>
      %dma_start3A_746 = tpu.memref_squeeze %dma_start3A_745 : memref<1x50x40xi32, #tpu.memory_space<vmem>> -> memref<50x40xi32, #tpu.memory_space<vmem>>
      %dma_start3A_747 = arith.constant 0 : i32
      %dma_start3A_748 = arith.constant 0 : i32
      %dma_start3A_749 = tpu.memref_slice %arg4[%add3A, %run_scoped3A_451, %dma_start3A_747, %dma_start3A_748] : memref<32x5x50x40xi32, #tpu.memory_space<hbm>> -> memref<1x1x50x40xi32, #tpu.memory_space<hbm>>
      %dma_start3A_750 = tpu.memref_squeeze %dma_start3A_749 : memref<1x1x50x40xi32, #tpu.memory_space<hbm>> -> memref<50x40xi32, #tpu.memory_space<hbm>>
      %dma_start3A_751 = arith.constant 0 : i32
      %dma_start3A_752 = arith.constant 0 : i32
      %dma_start3A_753 = tpu.memref_slice %arg6[%run_scoped3A_452, %dma_start3A_751, %dma_start3A_752] : memref<2x50x40xi32, #tpu.memory_space<vmem>> -> memref<1x50x40xi32, #tpu.memory_space<vmem>>
      %dma_start3A_754 = tpu.memref_squeeze %dma_start3A_753 : memref<1x50x40xi32, #tpu.memory_space<vmem>> -> memref<50x40xi32, #tpu.memory_space<vmem>>
      %dma_start3A_755 = arith.constant 0 : i32
      %dma_start3A_756 = arith.constant 0 : i32
      %dma_start3A_757 = tpu.memref_slice %arg4[%add3A, %run_scoped3A_451, %dma_start3A_755, %dma_start3A_756] : memref<32x5x50x40xi32, #tpu.memory_space<hbm>> -> memref<1x1x50x40xi32, #tpu.memory_space<hbm>>
      %dma_start3A_758 = tpu.memref_squeeze %dma_start3A_757 : memref<1x1x50x40xi32, #tpu.memory_space<hbm>> -> memref<50x40xi32, #tpu.memory_space<hbm>>
      tpu.enqueue_dma source(%dma_start3A_758 : memref<50x40xi32, #tpu.memory_space<hbm>>) target(%dma_start3A_754 : memref<50x40xi32, #tpu.memory_space<vmem>>) target_semaphore(%run_scoped3A_742 : memref<!tpu.dma_semaphore, #tpu.memory_space<semaphore_mem>>)
      %dma_wait3A_759 = arith.constant 0 : i32
      %dma_wait3A_760 = arith.constant 0 : i32
      %dma_wait3A_761 = tpu.memref_slice %arg6[%run_scoped3A_452, %dma_wait3A_759, %dma_wait3A_760] : memref<2x50x40xi32, #tpu.memory_space<vmem>> -> memref<1x50x40xi32, #tpu.memory_space<vmem>>
      %dma_wait3A_762 = tpu.memref_squeeze %dma_wait3A_761 : memref<1x50x40xi32, #tpu.memory_space<vmem>> -> memref<50x40xi32, #tpu.memory_space<vmem>>
      %dma_wait3A_763 = arith.constant 0 : i32
      %dma_wait3A_764 = arith.constant 0 : i32
      %dma_wait3A_765 = tpu.memref_slice %arg4[%add3A, %run_scoped3A_451, %dma_wait3A_763, %dma_wait3A_764] : memref<32x5x50x40xi32, #tpu.memory_space<hbm>> -> memref<1x1x50x40xi32, #tpu.memory_space<hbm>>
      %dma_wait3A_766 = tpu.memref_squeeze %dma_wait3A_765 : memref<1x1x50x40xi32, #tpu.memory_space<hbm>> -> memref<50x40xi32, #tpu.memory_space<hbm>>
      %dma_wait3A_767 = arith.constant 0 : i32
      %dma_wait3A_768 = arith.constant 0 : i32
      %dma_wait3A_769 = tpu.memref_slice %arg6[%run_scoped3A_452, %dma_wait3A_767, %dma_wait3A_768] : memref<2x50x40xi32, #tpu.memory_space<vmem>> -> memref<1x50x40xi32, #tpu.memory_space<vmem>>
      %dma_wait3A_770 = tpu.memref_squeeze %dma_wait3A_769 : memref<1x50x40xi32, #tpu.memory_space<vmem>> -> memref<50x40xi32, #tpu.memory_space<vmem>>
      %dma_wait3A_771 = arith.constant 0 : i32
      %dma_wait3A_772 = arith.constant 0 : i32
      %dma_wait3A_773 = tpu.memref_slice %arg4[%add3A, %run_scoped3A_451, %dma_wait3A_771, %dma_wait3A_772] : memref<32x5x50x40xi32, #tpu.memory_space<hbm>> -> memref<1x1x50x40xi32, #tpu.memory_space<hbm>>
      %dma_wait3A_774 = tpu.memref_squeeze %dma_wait3A_773 : memref<1x1x50x40xi32, #tpu.memory_space<hbm>> -> memref<50x40xi32, #tpu.memory_space<hbm>>
      tpu.wait_dma2 semaphore(%run_scoped3A_742 : memref<!tpu.dma_semaphore, #tpu.memory_space<semaphore_mem>>) src(%dma_wait3A_774 : memref<50x40xi32, #tpu.memory_space<hbm>>) dst(%dma_wait3A_770 : memref<50x40xi32, #tpu.memory_space<vmem>>)
      tpu.yield
    }) : () -> ()
    %rem3A_453 = arith.constant 0 : i32
    %rem3A_454 = arith.constant 6 : i32
    %rem3A_455 = arith.remsi %rem3A_453, %rem3A_454 : i32
    %dma_start3A_456 = arith.constant 0 : i32
    %dma_start3A_457 = arith.constant 0 : i32
    %dma_start3A_458 = arith.constant 0 : i32
    %dma_start3A_459 = arith.constant 0 : i32
    %dma_start3A_460 = tpu.memref_slice %arg7[%rem3A_455, %dma_start3A_458, %dma_start3A_459] : memref<6x40x128xf32, #tpu.memory_space<vmem>> -> memref<1x40x128xf32, #tpu.memory_space<vmem>>
    %dma_start3A_461 = tpu.memref_squeeze %dma_start3A_460 : memref<1x40x128xf32, #tpu.memory_space<vmem>> -> memref<40x128xf32, #tpu.memory_space<vmem>>
    %dma_start3A_462 = arith.constant 0 : i32
    %dma_start3A_463 = tpu.memref_slice %arg6[%dma_start3A_456, %dma_start3A_457, %dma_start3A_462] : memref<2x50x40xi32, #tpu.memory_space<vmem>> -> memref<1x1x40xi32, #tpu.memory_space<vmem>>
    %dma_start3A_464 = tpu.memref_squeeze %dma_start3A_463 : memref<1x1x40xi32, #tpu.memory_space<vmem>> -> memref<40xi32, #tpu.memory_space<vmem>>
    %dma_start3A_465 = arith.constant 0 : i32
    %dma_start3A_466 = arith.constant 0 : i32
    %dma_start3A_467 = tpu.memref_slice %arg2[%dma_start3A_465, %dma_start3A_466] : memref<10000x128xf32, #tpu.memory_space<hbm>> -> memref<10000x128xf32, #tpu.memory_space<hbm>>
    %dma_start3A_468 = tpu.memref_slice %arg10[%rem3A_455] : memref<6x!tpu.dma_semaphore, #tpu.memory_space<semaphore_mem>> -> memref<1x!tpu.dma_semaphore, #tpu.memory_space<semaphore_mem>>
    %dma_start3A_469 = tpu.memref_squeeze %dma_start3A_468 : memref<1x!tpu.dma_semaphore, #tpu.memory_space<semaphore_mem>> -> memref<!tpu.dma_semaphore, #tpu.memory_space<semaphore_mem>>
    tpu.enqueue_indirect_dma source(%dma_start3A_467 : memref<10000x128xf32, #tpu.memory_space<hbm>>) target(%dma_start3A_461 : memref<40x128xf32, #tpu.memory_space<vmem>>) offsets(%dma_start3A_464 : memref<40xi32, #tpu.memory_space<vmem>>) semaphore(%dma_start3A_469 : memref<!tpu.dma_semaphore, #tpu.memory_space<semaphore_mem>>)
    %rem3A_470 = arith.constant 1 : i32
    %rem3A_471 = arith.constant 6 : i32
    %rem3A_472 = arith.remsi %rem3A_470, %rem3A_471 : i32
    %dma_start3A_473 = arith.constant 0 : i32
    %dma_start3A_474 = arith.constant 1 : i32
    %dma_start3A_475 = arith.constant 0 : i32
    %dma_start3A_476 = arith.constant 0 : i32
    %dma_start3A_477 = tpu.memref_slice %arg7[%rem3A_472, %dma_start3A_475, %dma_start3A_476] : memref<6x40x128xf32, #tpu.memory_space<vmem>> -> memref<1x40x128xf32, #tpu.memory_space<vmem>>
    %dma_start3A_478 = tpu.memref_squeeze %dma_start3A_477 : memref<1x40x128xf32, #tpu.memory_space<vmem>> -> memref<40x128xf32, #tpu.memory_space<vmem>>
    %dma_start3A_479 = arith.constant 0 : i32
    %dma_start3A_480 = tpu.memref_slice %arg6[%dma_start3A_473, %dma_start3A_474, %dma_start3A_479] : memref<2x50x40xi32, #tpu.memory_space<vmem>> -> memref<1x1x40xi32, #tpu.memory_space<vmem>>
    %dma_start3A_481 = tpu.memref_squeeze %dma_start3A_480 : memref<1x1x40xi32, #tpu.memory_space<vmem>> -> memref<40xi32, #tpu.memory_space<vmem>>
    %dma_start3A_482 = arith.constant 0 : i32
    %dma_start3A_483 = arith.constant 0 : i32
    %dma_start3A_484 = tpu.memref_slice %arg2[%dma_start3A_482, %dma_start3A_483] : memref<10000x128xf32, #tpu.memory_space<hbm>> -> memref<10000x128xf32, #tpu.memory_space<hbm>>
    %dma_start3A_485 = tpu.memref_slice %arg10[%rem3A_472] : memref<6x!tpu.dma_semaphore, #tpu.memory_space<semaphore_mem>> -> memref<1x!tpu.dma_semaphore, #tpu.memory_space<semaphore_mem>>
    %dma_start3A_486 = tpu.memref_squeeze %dma_start3A_485 : memref<1x!tpu.dma_semaphore, #tpu.memory_space<semaphore_mem>> -> memref<!tpu.dma_semaphore, #tpu.memory_space<semaphore_mem>>
    tpu.enqueue_indirect_dma source(%dma_start3A_484 : memref<10000x128xf32, #tpu.memory_space<hbm>>) target(%dma_start3A_478 : memref<40x128xf32, #tpu.memory_space<vmem>>) offsets(%dma_start3A_481 : memref<40xi32, #tpu.memory_space<vmem>>) semaphore(%dma_start3A_486 : memref<!tpu.dma_semaphore, #tpu.memory_space<semaphore_mem>>)
    %rem3A_487 = arith.constant 2 : i32
    %rem3A_488 = arith.constant 6 : i32
    %rem3A_489 = arith.remsi %rem3A_487, %rem3A_488 : i32
    %dma_start3A_490 = arith.constant 0 : i32
    %dma_start3A_491 = arith.constant 2 : i32
    %dma_start3A_492 = arith.constant 0 : i32
    %dma_start3A_493 = arith.constant 0 : i32
    %dma_start3A_494 = tpu.memref_slice %arg7[%rem3A_489, %dma_start3A_492, %dma_start3A_493] : memref<6x40x128xf32, #tpu.memory_space<vmem>> -> memref<1x40x128xf32, #tpu.memory_space<vmem>>
    %dma_start3A_495 = tpu.memref_squeeze %dma_start3A_494 : memref<1x40x128xf32, #tpu.memory_space<vmem>> -> memref<40x128xf32, #tpu.memory_space<vmem>>
    %dma_start3A_496 = arith.constant 0 : i32
    %dma_start3A_497 = tpu.memref_slice %arg6[%dma_start3A_490, %dma_start3A_491, %dma_start3A_496] : memref<2x50x40xi32, #tpu.memory_space<vmem>> -> memref<1x1x40xi32, #tpu.memory_space<vmem>>
    %dma_start3A_498 = tpu.memref_squeeze %dma_start3A_497 : memref<1x1x40xi32, #tpu.memory_space<vmem>> -> memref<40xi32, #tpu.memory_space<vmem>>
    %dma_start3A_499 = arith.constant 0 : i32
    %dma_start3A_500 = arith.constant 0 : i32
    %dma_start3A_501 = tpu.memref_slice %arg2[%dma_start3A_499, %dma_start3A_500] : memref<10000x128xf32, #tpu.memory_space<hbm>> -> memref<10000x128xf32, #tpu.memory_space<hbm>>
    %dma_start3A_502 = tpu.memref_slice %arg10[%rem3A_489] : memref<6x!tpu.dma_semaphore, #tpu.memory_space<semaphore_mem>> -> memref<1x!tpu.dma_semaphore, #tpu.memory_space<semaphore_mem>>
    %dma_start3A_503 = tpu.memref_squeeze %dma_start3A_502 : memref<1x!tpu.dma_semaphore, #tpu.memory_space<semaphore_mem>> -> memref<!tpu.dma_semaphore, #tpu.memory_space<semaphore_mem>>
    tpu.enqueue_indirect_dma source(%dma_start3A_501 : memref<10000x128xf32, #tpu.memory_space<hbm>>) target(%dma_start3A_495 : memref<40x128xf32, #tpu.memory_space<vmem>>) offsets(%dma_start3A_498 : memref<40xi32, #tpu.memory_space<vmem>>) semaphore(%dma_start3A_503 : memref<!tpu.dma_semaphore, #tpu.memory_space<semaphore_mem>>)
    %rem3A_504 = arith.constant 3 : i32
    %rem3A_505 = arith.constant 6 : i32
    %rem3A_506 = arith.remsi %rem3A_504, %rem3A_505 : i32
    %dma_start3A_507 = arith.constant 0 : i32
    %dma_start3A_508 = arith.constant 3 : i32
    %dma_start3A_509 = arith.constant 0 : i32
    %dma_start3A_510 = arith.constant 0 : i32
    %dma_start3A_511 = tpu.memref_slice %arg7[%rem3A_506, %dma_start3A_509, %dma_start3A_510] : memref<6x40x128xf32, #tpu.memory_space<vmem>> -> memref<1x40x128xf32, #tpu.memory_space<vmem>>
    %dma_start3A_512 = tpu.memref_squeeze %dma_start3A_511 : memref<1x40x128xf32, #tpu.memory_space<vmem>> -> memref<40x128xf32, #tpu.memory_space<vmem>>
    %dma_start3A_513 = arith.constant 0 : i32
    %dma_start3A_514 = tpu.memref_slice %arg6[%dma_start3A_507, %dma_start3A_508, %dma_start3A_513] : memref<2x50x40xi32, #tpu.memory_space<vmem>> -> memref<1x1x40xi32, #tpu.memory_space<vmem>>
    %dma_start3A_515 = tpu.memref_squeeze %dma_start3A_514 : memref<1x1x40xi32, #tpu.memory_space<vmem>> -> memref<40xi32, #tpu.memory_space<vmem>>
    %dma_start3A_516 = arith.constant 0 : i32
    %dma_start3A_517 = arith.constant 0 : i32
    %dma_start3A_518 = tpu.memref_slice %arg2[%dma_start3A_516, %dma_start3A_517] : memref<10000x128xf32, #tpu.memory_space<hbm>> -> memref<10000x128xf32, #tpu.memory_space<hbm>>
    %dma_start3A_519 = tpu.memref_slice %arg10[%rem3A_506] : memref<6x!tpu.dma_semaphore, #tpu.memory_space<semaphore_mem>> -> memref<1x!tpu.dma_semaphore, #tpu.memory_space<semaphore_mem>>
    %dma_start3A_520 = tpu.memref_squeeze %dma_start3A_519 : memref<1x!tpu.dma_semaphore, #tpu.memory_space<semaphore_mem>> -> memref<!tpu.dma_semaphore, #tpu.memory_space<semaphore_mem>>
    tpu.enqueue_indirect_dma source(%dma_start3A_518 : memref<10000x128xf32, #tpu.memory_space<hbm>>) target(%dma_start3A_512 : memref<40x128xf32, #tpu.memory_space<vmem>>) offsets(%dma_start3A_515 : memref<40xi32, #tpu.memory_space<vmem>>) semaphore(%dma_start3A_520 : memref<!tpu.dma_semaphore, #tpu.memory_space<semaphore_mem>>)
    %scan3A_521 = arith.constant 0 : i32
    %scan3A_522 = arith.constant 0 : i32
    %scan3A_523 = arith.constant 50 : i32
    %scan3A_524 = arith.addi %scan3A_522, %scan3A_523 : i32
    %scan3A_525 = arith.constant 1 : i32
    scf.for %scan3A_742 = %scan3A_522 to %scan3A_524 step %scan3A_525  : i32 {
      %rem3A_743 = arith.constant 6 : i32
      %rem3A_744 = arith.remsi %scan3A_742, %rem3A_743 : i32
      %dma_wait3A_745 = arith.constant 0 : i32
      %dma_wait3A_746 = arith.constant 0 : i32
      %dma_wait3A_747 = arith.constant 0 : i32
      %dma_wait3A_748 = tpu.memref_slice %arg7[%rem3A_744, %dma_wait3A_746, %dma_wait3A_747] : memref<6x40x128xf32, #tpu.memory_space<vmem>> -> memref<1x40x128xf32, #tpu.memory_space<vmem>>
      %dma_wait3A_749 = tpu.memref_squeeze %dma_wait3A_748 : memref<1x40x128xf32, #tpu.memory_space<vmem>> -> memref<40x128xf32, #tpu.memory_space<vmem>>
      %dma_wait3A_750 = arith.constant 0 : i32
      %dma_wait3A_751 = tpu.memref_slice %arg6[%dma_wait3A_745, %scan3A_742, %dma_wait3A_750] : memref<2x50x40xi32, #tpu.memory_space<vmem>> -> memref<1x1x40xi32, #tpu.memory_space<vmem>>
      %dma_wait3A_752 = tpu.memref_squeeze %dma_wait3A_751 : memref<1x1x40xi32, #tpu.memory_space<vmem>> -> memref<40xi32, #tpu.memory_space<vmem>>
      %dma_wait3A_753 = arith.constant 0 : i32
      %dma_wait3A_754 = arith.constant 0 : i32
      %dma_wait3A_755 = tpu.memref_slice %arg2[%dma_wait3A_753, %dma_wait3A_754] : memref<10000x128xf32, #tpu.memory_space<hbm>> -> memref<10000x128xf32, #tpu.memory_space<hbm>>
      %dma_wait3A_756 = tpu.memref_slice %arg10[%rem3A_744] : memref<6x!tpu.dma_semaphore, #tpu.memory_space<semaphore_mem>> -> memref<1x!tpu.dma_semaphore, #tpu.memory_space<semaphore_mem>>
      %dma_wait3A_757 = tpu.memref_squeeze %dma_wait3A_756 : memref<1x!tpu.dma_semaphore, #tpu.memory_space<semaphore_mem>> -> memref<!tpu.dma_semaphore, #tpu.memory_space<semaphore_mem>>
      tpu.wait_indirect_dma semaphore(%dma_wait3A_757 : memref<!tpu.dma_semaphore, #tpu.memory_space<semaphore_mem>>) src(%dma_wait3A_755 : memref<10000x128xf32, #tpu.memory_space<hbm>>) dst(%dma_wait3A_749 : memref<40x128xf32, #tpu.memory_space<vmem>>)
      %ge3A = arith.constant 4 : i32
      %ge3A_758 = arith.cmpi sge, %scan3A_742, %ge3A : i32
      %convert_element_type3A = arith.extui %ge3A_758 : i1 to i32
      %cond3A = arith.constant 0 : i32
      %cond3A_759 = arith.cmpi ne, %convert_element_type3A, %cond3A : i32
      scf.if %cond3A_759 {
        %sub3A = arith.constant 4 : i32
        %sub3A_779 = arith.subi %scan3A_742, %sub3A : i32
        %rem3A_780 = arith.constant 6 : i32
        %rem3A_781 = arith.remsi %sub3A_779, %rem3A_780 : i32
        %dma_wait3A_782 = arith.constant 1 : i32
        %dma_wait3A_783 = arith.constant 0 : i32
        %dma_wait3A_784 = arith.constant 0 : i32
        %dma_wait3A_785 = tpu.memref_slice %arg7[%rem3A_781, %dma_wait3A_783, %dma_wait3A_784] : memref<6x40x128xf32, #tpu.memory_space<vmem>> -> memref<1x40x128xf32, #tpu.memory_space<vmem>>
        %dma_wait3A_786 = tpu.memref_squeeze %dma_wait3A_785 : memref<1x40x128xf32, #tpu.memory_space<vmem>> -> memref<40x128xf32, #tpu.memory_space<vmem>>
        %dma_wait3A_787 = arith.constant 0 : i32
        %dma_wait3A_788 = tpu.memref_slice %arg6[%dma_wait3A_782, %sub3A_779, %dma_wait3A_787] : memref<2x50x40xi32, #tpu.memory_space<vmem>> -> memref<1x1x40xi32, #tpu.memory_space<vmem>>
        %dma_wait3A_789 = tpu.memref_squeeze %dma_wait3A_788 : memref<1x1x40xi32, #tpu.memory_space<vmem>> -> memref<40xi32, #tpu.memory_space<vmem>>
        %dma_wait3A_790 = arith.constant 0 : i32
        %dma_wait3A_791 = arith.constant 0 : i32
        %dma_wait3A_792 = tpu.memref_slice %arg9[%dma_wait3A_790, %dma_wait3A_791] : memref<10240x128xf32, #tpu.memory_space<vmem_shared>> -> memref<10240x128xf32, #tpu.memory_space<vmem_shared>>
        %dma_wait3A_793 = tpu.memref_slice %arg11[%rem3A_781] : memref<6x!tpu.dma_semaphore, #tpu.memory_space<semaphore_mem>> -> memref<1x!tpu.dma_semaphore, #tpu.memory_space<semaphore_mem>>
        %dma_wait3A_794 = tpu.memref_squeeze %dma_wait3A_793 : memref<1x!tpu.dma_semaphore, #tpu.memory_space<semaphore_mem>> -> memref<!tpu.dma_semaphore, #tpu.memory_space<semaphore_mem>>
        tpu.wait_indirect_dma semaphore(%dma_wait3A_794 : memref<!tpu.dma_semaphore, #tpu.memory_space<semaphore_mem>>) src(%dma_wait3A_786 : memref<40x128xf32, #tpu.memory_space<vmem>>) dst(%dma_wait3A_792 : memref<10240x128xf32, #tpu.memory_space<vmem_shared>>)
      } else {
      }
      %add3A_760 = arith.constant 4 : i32
      %add3A_761 = arith.addi %scan3A_742, %add3A_760 : i32
      %lt3A = arith.constant 50 : i32
      %lt3A_762 = arith.cmpi slt, %add3A_761, %lt3A : i32
      %convert_element_type3A_763 = arith.extui %lt3A_762 : i1 to i32
      %cond3A_764 = arith.constant 0 : i32
      %cond3A_765 = arith.cmpi ne, %convert_element_type3A_763, %cond3A_764 : i32
      scf.if %cond3A_765 {
        %add3A_779 = arith.constant 4 : i32
        %add3A_780 = arith.addi %scan3A_742, %add3A_779 : i32
        %rem3A_781 = arith.constant 6 : i32
        %rem3A_782 = arith.remsi %add3A_780, %rem3A_781 : i32
        %dma_start3A_783 = arith.constant 0 : i32
        %dma_start3A_784 = arith.constant 0 : i32
        %dma_start3A_785 = arith.constant 0 : i32
        %dma_start3A_786 = tpu.memref_slice %arg7[%rem3A_782, %dma_start3A_784, %dma_start3A_785] : memref<6x40x128xf32, #tpu.memory_space<vmem>> -> memref<1x40x128xf32, #tpu.memory_space<vmem>>
        %dma_start3A_787 = tpu.memref_squeeze %dma_start3A_786 : memref<1x40x128xf32, #tpu.memory_space<vmem>> -> memref<40x128xf32, #tpu.memory_space<vmem>>
        %dma_start3A_788 = arith.constant 0 : i32
        %dma_start3A_789 = tpu.memref_slice %arg6[%dma_start3A_783, %add3A_780, %dma_start3A_788] : memref<2x50x40xi32, #tpu.memory_space<vmem>> -> memref<1x1x40xi32, #tpu.memory_space<vmem>>
        %dma_start3A_790 = tpu.memref_squeeze %dma_start3A_789 : memref<1x1x40xi32, #tpu.memory_space<vmem>> -> memref<40xi32, #tpu.memory_space<vmem>>
        %dma_start3A_791 = arith.constant 0 : i32
        %dma_start3A_792 = arith.constant 0 : i32
        %dma_start3A_793 = tpu.memref_slice %arg2[%dma_start3A_791, %dma_start3A_792] : memref<10000x128xf32, #tpu.memory_space<hbm>> -> memref<10000x128xf32, #tpu.memory_space<hbm>>
        %dma_start3A_794 = tpu.memref_slice %arg10[%rem3A_782] : memref<6x!tpu.dma_semaphore, #tpu.memory_space<semaphore_mem>> -> memref<1x!tpu.dma_semaphore, #tpu.memory_space<semaphore_mem>>
        %dma_start3A_795 = tpu.memref_squeeze %dma_start3A_794 : memref<1x!tpu.dma_semaphore, #tpu.memory_space<semaphore_mem>> -> memref<!tpu.dma_semaphore, #tpu.memory_space<semaphore_mem>>
        tpu.enqueue_indirect_dma source(%dma_start3A_793 : memref<10000x128xf32, #tpu.memory_space<hbm>>) target(%dma_start3A_787 : memref<40x128xf32, #tpu.memory_space<vmem>>) offsets(%dma_start3A_790 : memref<40xi32, #tpu.memory_space<vmem>>) semaphore(%dma_start3A_795 : memref<!tpu.dma_semaphore, #tpu.memory_space<semaphore_mem>>)
      } else {
      }
      %dma_start3A_766 = arith.constant 1 : i32
      %dma_start3A_767 = arith.constant 0 : i32
      %dma_start3A_768 = arith.constant 0 : i32
      %dma_start3A_769 = tpu.memref_slice %arg7[%rem3A_744, %dma_start3A_767, %dma_start3A_768] : memref<6x40x128xf32, #tpu.memory_space<vmem>> -> memref<1x40x128xf32, #tpu.memory_space<vmem>>
      %dma_start3A_770 = tpu.memref_squeeze %dma_start3A_769 : memref<1x40x128xf32, #tpu.memory_space<vmem>> -> memref<40x128xf32, #tpu.memory_space<vmem>>
      %dma_start3A_771 = arith.constant 0 : i32
      %dma_start3A_772 = tpu.memref_slice %arg6[%dma_start3A_766, %scan3A_742, %dma_start3A_771] : memref<2x50x40xi32, #tpu.memory_space<vmem>> -> memref<1x1x40xi32, #tpu.memory_space<vmem>>
      %dma_start3A_773 = tpu.memref_squeeze %dma_start3A_772 : memref<1x1x40xi32, #tpu.memory_space<vmem>> -> memref<40xi32, #tpu.memory_space<vmem>>
      %dma_start3A_774 = arith.constant 0 : i32
      %dma_start3A_775 = arith.constant 0 : i32
      %dma_start3A_776 = tpu.memref_slice %arg9[%dma_start3A_774, %dma_start3A_775] : memref<10240x128xf32, #tpu.memory_space<vmem_shared>> -> memref<10240x128xf32, #tpu.memory_space<vmem_shared>>
      %dma_start3A_777 = tpu.memref_slice %arg11[%rem3A_744] : memref<6x!tpu.dma_semaphore, #tpu.memory_space<semaphore_mem>> -> memref<1x!tpu.dma_semaphore, #tpu.memory_space<semaphore_mem>>
      %dma_start3A_778 = tpu.memref_squeeze %dma_start3A_777 : memref<1x!tpu.dma_semaphore, #tpu.memory_space<semaphore_mem>> -> memref<!tpu.dma_semaphore, #tpu.memory_space<semaphore_mem>>
      tpu.enqueue_indirect_dma source(%dma_start3A_770 : memref<40x128xf32, #tpu.memory_space<vmem>>) target(%dma_start3A_776 : memref<10240x128xf32, #tpu.memory_space<vmem_shared>>) offsets(%dma_start3A_773 : memref<40xi32, #tpu.memory_space<vmem>>) semaphore(%dma_start3A_778 : memref<!tpu.dma_semaphore, #tpu.memory_space<semaphore_mem>>) {add = true}
    }
    %scan3A_526 = arith.constant 50 : i32
    %rem3A_527 = arith.constant 46 : i32
    %rem3A_528 = arith.constant 6 : i32
    %rem3A_529 = arith.remsi %rem3A_527, %rem3A_528 : i32
    %dma_wait3A_530 = arith.constant 1 : i32
    %dma_wait3A_531 = arith.constant 46 : i32
    %dma_wait3A_532 = arith.constant 0 : i32
    %dma_wait3A_533 = arith.constant 0 : i32
    %dma_wait3A_534 = tpu.memref_slice %arg7[%rem3A_529, %dma_wait3A_532, %dma_wait3A_533] : memref<6x40x128xf32, #tpu.memory_space<vmem>> -> memref<1x40x128xf32, #tpu.memory_space<vmem>>
    %dma_wait3A_535 = tpu.memref_squeeze %dma_wait3A_534 : memref<1x40x128xf32, #tpu.memory_space<vmem>> -> memref<40x128xf32, #tpu.memory_space<vmem>>
    %dma_wait3A_536 = arith.constant 0 : i32
    %dma_wait3A_537 = tpu.memref_slice %arg6[%dma_wait3A_530, %dma_wait3A_531, %dma_wait3A_536] : memref<2x50x40xi32, #tpu.memory_space<vmem>> -> memref<1x1x40xi32, #tpu.memory_space<vmem>>
    %dma_wait3A_538 = tpu.memref_squeeze %dma_wait3A_537 : memref<1x1x40xi32, #tpu.memory_space<vmem>> -> memref<40xi32, #tpu.memory_space<vmem>>
    %dma_wait3A_539 = arith.constant 0 : i32
    %dma_wait3A_540 = arith.constant 0 : i32
    %dma_wait3A_541 = tpu.memref_slice %arg9[%dma_wait3A_539, %dma_wait3A_540] : memref<10240x128xf32, #tpu.memory_space<vmem_shared>> -> memref<10240x128xf32, #tpu.memory_space<vmem_shared>>
    %dma_wait3A_542 = tpu.memref_slice %arg11[%rem3A_529] : memref<6x!tpu.dma_semaphore, #tpu.memory_space<semaphore_mem>> -> memref<1x!tpu.dma_semaphore, #tpu.memory_space<semaphore_mem>>
    %dma_wait3A_543 = tpu.memref_squeeze %dma_wait3A_542 : memref<1x!tpu.dma_semaphore, #tpu.memory_space<semaphore_mem>> -> memref<!tpu.dma_semaphore, #tpu.memory_space<semaphore_mem>>
    tpu.wait_indirect_dma semaphore(%dma_wait3A_543 : memref<!tpu.dma_semaphore, #tpu.memory_space<semaphore_mem>>) src(%dma_wait3A_535 : memref<40x128xf32, #tpu.memory_space<vmem>>) dst(%dma_wait3A_541 : memref<10240x128xf32, #tpu.memory_space<vmem_shared>>)
    %rem3A_544 = arith.constant 47 : i32
    %rem3A_545 = arith.constant 6 : i32
    %rem3A_546 = arith.remsi %rem3A_544, %rem3A_545 : i32
    %dma_wait3A_547 = arith.constant 1 : i32
    %dma_wait3A_548 = arith.constant 47 : i32
    %dma_wait3A_549 = arith.constant 0 : i32
    %dma_wait3A_550 = arith.constant 0 : i32
    %dma_wait3A_551 = tpu.memref_slice %arg7[%rem3A_546, %dma_wait3A_549, %dma_wait3A_550] : memref<6x40x128xf32, #tpu.memory_space<vmem>> -> memref<1x40x128xf32, #tpu.memory_space<vmem>>
    %dma_wait3A_552 = tpu.memref_squeeze %dma_wait3A_551 : memref<1x40x128xf32, #tpu.memory_space<vmem>> -> memref<40x128xf32, #tpu.memory_space<vmem>>
    %dma_wait3A_553 = arith.constant 0 : i32
    %dma_wait3A_554 = tpu.memref_slice %arg6[%dma_wait3A_547, %dma_wait3A_548, %dma_wait3A_553] : memref<2x50x40xi32, #tpu.memory_space<vmem>> -> memref<1x1x40xi32, #tpu.memory_space<vmem>>
    %dma_wait3A_555 = tpu.memref_squeeze %dma_wait3A_554 : memref<1x1x40xi32, #tpu.memory_space<vmem>> -> memref<40xi32, #tpu.memory_space<vmem>>
    %dma_wait3A_556 = arith.constant 0 : i32
    %dma_wait3A_557 = arith.constant 0 : i32
    %dma_wait3A_558 = tpu.memref_slice %arg9[%dma_wait3A_556, %dma_wait3A_557] : memref<10240x128xf32, #tpu.memory_space<vmem_shared>> -> memref<10240x128xf32, #tpu.memory_space<vmem_shared>>
    %dma_wait3A_559 = tpu.memref_slice %arg11[%rem3A_546] : memref<6x!tpu.dma_semaphore, #tpu.memory_space<semaphore_mem>> -> memref<1x!tpu.dma_semaphore, #tpu.memory_space<semaphore_mem>>
    %dma_wait3A_560 = tpu.memref_squeeze %dma_wait3A_559 : memref<1x!tpu.dma_semaphore, #tpu.memory_space<semaphore_mem>> -> memref<!tpu.dma_semaphore, #tpu.memory_space<semaphore_mem>>
    tpu.wait_indirect_dma semaphore(%dma_wait3A_560 : memref<!tpu.dma_semaphore, #tpu.memory_space<semaphore_mem>>) src(%dma_wait3A_552 : memref<40x128xf32, #tpu.memory_space<vmem>>) dst(%dma_wait3A_558 : memref<10240x128xf32, #tpu.memory_space<vmem_shared>>)
    %rem3A_561 = arith.constant 48 : i32
    %rem3A_562 = arith.constant 6 : i32
    %rem3A_563 = arith.remsi %rem3A_561, %rem3A_562 : i32
    %dma_wait3A_564 = arith.constant 1 : i32
    %dma_wait3A_565 = arith.constant 48 : i32
    %dma_wait3A_566 = arith.constant 0 : i32
    %dma_wait3A_567 = arith.constant 0 : i32
    %dma_wait3A_568 = tpu.memref_slice %arg7[%rem3A_563, %dma_wait3A_566, %dma_wait3A_567] : memref<6x40x128xf32, #tpu.memory_space<vmem>> -> memref<1x40x128xf32, #tpu.memory_space<vmem>>
    %dma_wait3A_569 = tpu.memref_squeeze %dma_wait3A_568 : memref<1x40x128xf32, #tpu.memory_space<vmem>> -> memref<40x128xf32, #tpu.memory_space<vmem>>
    %dma_wait3A_570 = arith.constant 0 : i32
    %dma_wait3A_571 = tpu.memref_slice %arg6[%dma_wait3A_564, %dma_wait3A_565, %dma_wait3A_570] : memref<2x50x40xi32, #tpu.memory_space<vmem>> -> memref<1x1x40xi32, #tpu.memory_space<vmem>>
    %dma_wait3A_572 = tpu.memref_squeeze %dma_wait3A_571 : memref<1x1x40xi32, #tpu.memory_space<vmem>> -> memref<40xi32, #tpu.memory_space<vmem>>
    %dma_wait3A_573 = arith.constant 0 : i32
    %dma_wait3A_574 = arith.constant 0 : i32
    %dma_wait3A_575 = tpu.memref_slice %arg9[%dma_wait3A_573, %dma_wait3A_574] : memref<10240x128xf32, #tpu.memory_space<vmem_shared>> -> memref<10240x128xf32, #tpu.memory_space<vmem_shared>>
    %dma_wait3A_576 = tpu.memref_slice %arg11[%rem3A_563] : memref<6x!tpu.dma_semaphore, #tpu.memory_space<semaphore_mem>> -> memref<1x!tpu.dma_semaphore, #tpu.memory_space<semaphore_mem>>
    %dma_wait3A_577 = tpu.memref_squeeze %dma_wait3A_576 : memref<1x!tpu.dma_semaphore, #tpu.memory_space<semaphore_mem>> -> memref<!tpu.dma_semaphore, #tpu.memory_space<semaphore_mem>>
    tpu.wait_indirect_dma semaphore(%dma_wait3A_577 : memref<!tpu.dma_semaphore, #tpu.memory_space<semaphore_mem>>) src(%dma_wait3A_569 : memref<40x128xf32, #tpu.memory_space<vmem>>) dst(%dma_wait3A_575 : memref<10240x128xf32, #tpu.memory_space<vmem_shared>>)
    %rem3A_578 = arith.constant 49 : i32
    %rem3A_579 = arith.constant 6 : i32
    %rem3A_580 = arith.remsi %rem3A_578, %rem3A_579 : i32
    %dma_wait3A_581 = arith.constant 1 : i32
    %dma_wait3A_582 = arith.constant 49 : i32
    %dma_wait3A_583 = arith.constant 0 : i32
    %dma_wait3A_584 = arith.constant 0 : i32
    %dma_wait3A_585 = tpu.memref_slice %arg7[%rem3A_580, %dma_wait3A_583, %dma_wait3A_584] : memref<6x40x128xf32, #tpu.memory_space<vmem>> -> memref<1x40x128xf32, #tpu.memory_space<vmem>>
    %dma_wait3A_586 = tpu.memref_squeeze %dma_wait3A_585 : memref<1x40x128xf32, #tpu.memory_space<vmem>> -> memref<40x128xf32, #tpu.memory_space<vmem>>
    %dma_wait3A_587 = arith.constant 0 : i32
    %dma_wait3A_588 = tpu.memref_slice %arg6[%dma_wait3A_581, %dma_wait3A_582, %dma_wait3A_587] : memref<2x50x40xi32, #tpu.memory_space<vmem>> -> memref<1x1x40xi32, #tpu.memory_space<vmem>>
    %dma_wait3A_589 = tpu.memref_squeeze %dma_wait3A_588 : memref<1x1x40xi32, #tpu.memory_space<vmem>> -> memref<40xi32, #tpu.memory_space<vmem>>
    %dma_wait3A_590 = arith.constant 0 : i32
    %dma_wait3A_591 = arith.constant 0 : i32
    %dma_wait3A_592 = tpu.memref_slice %arg9[%dma_wait3A_590, %dma_wait3A_591] : memref<10240x128xf32, #tpu.memory_space<vmem_shared>> -> memref<10240x128xf32, #tpu.memory_space<vmem_shared>>
    %dma_wait3A_593 = tpu.memref_slice %arg11[%rem3A_580] : memref<6x!tpu.dma_semaphore, #tpu.memory_space<semaphore_mem>> -> memref<1x!tpu.dma_semaphore, #tpu.memory_space<semaphore_mem>>
    %dma_wait3A_594 = tpu.memref_squeeze %dma_wait3A_593 : memref<1x!tpu.dma_semaphore, #tpu.memory_space<semaphore_mem>> -> memref<!tpu.dma_semaphore, #tpu.memory_space<semaphore_mem>>
    tpu.wait_indirect_dma semaphore(%dma_wait3A_594 : memref<!tpu.dma_semaphore, #tpu.memory_space<semaphore_mem>>) src(%dma_wait3A_586 : memref<40x128xf32, #tpu.memory_space<vmem>>) dst(%dma_wait3A_592 : memref<10240x128xf32, #tpu.memory_space<vmem_shared>>)
    %run_scoped3A_595 = arith.constant 4 : i32
    %run_scoped3A_596 = arith.constant 0 : i32
    "tpu.region"() ({
      %run_scoped3A_742 = tpu.sem_alloc : memref<!tpu.dma_semaphore, #tpu.memory_space<semaphore_mem>>
      %dma_start3A_743 = arith.constant 0 : i32
      %dma_start3A_744 = arith.constant 0 : i32
      %dma_start3A_745 = tpu.memref_slice %arg6[%run_scoped3A_596, %dma_start3A_743, %dma_start3A_744] : memref<2x50x40xi32, #tpu.memory_space<vmem>> -> memref<1x50x40xi32, #tpu.memory_space<vmem>>
      %dma_start3A_746 = tpu.memref_squeeze %dma_start3A_745 : memref<1x50x40xi32, #tpu.memory_space<vmem>> -> memref<50x40xi32, #tpu.memory_space<vmem>>
      %dma_start3A_747 = arith.constant 0 : i32
      %dma_start3A_748 = arith.constant 0 : i32
      %dma_start3A_749 = tpu.memref_slice %arg3[%add3A, %run_scoped3A_595, %dma_start3A_747, %dma_start3A_748] : memref<32x5x50x40xi32, #tpu.memory_space<hbm>> -> memref<1x1x50x40xi32, #tpu.memory_space<hbm>>
      %dma_start3A_750 = tpu.memref_squeeze %dma_start3A_749 : memref<1x1x50x40xi32, #tpu.memory_space<hbm>> -> memref<50x40xi32, #tpu.memory_space<hbm>>
      %dma_start3A_751 = arith.constant 0 : i32
      %dma_start3A_752 = arith.constant 0 : i32
      %dma_start3A_753 = tpu.memref_slice %arg6[%run_scoped3A_596, %dma_start3A_751, %dma_start3A_752] : memref<2x50x40xi32, #tpu.memory_space<vmem>> -> memref<1x50x40xi32, #tpu.memory_space<vmem>>
      %dma_start3A_754 = tpu.memref_squeeze %dma_start3A_753 : memref<1x50x40xi32, #tpu.memory_space<vmem>> -> memref<50x40xi32, #tpu.memory_space<vmem>>
      %dma_start3A_755 = arith.constant 0 : i32
      %dma_start3A_756 = arith.constant 0 : i32
      %dma_start3A_757 = tpu.memref_slice %arg3[%add3A, %run_scoped3A_595, %dma_start3A_755, %dma_start3A_756] : memref<32x5x50x40xi32, #tpu.memory_space<hbm>> -> memref<1x1x50x40xi32, #tpu.memory_space<hbm>>
      %dma_start3A_758 = tpu.memref_squeeze %dma_start3A_757 : memref<1x1x50x40xi32, #tpu.memory_space<hbm>> -> memref<50x40xi32, #tpu.memory_space<hbm>>
      tpu.enqueue_dma source(%dma_start3A_758 : memref<50x40xi32, #tpu.memory_space<hbm>>) target(%dma_start3A_754 : memref<50x40xi32, #tpu.memory_space<vmem>>) target_semaphore(%run_scoped3A_742 : memref<!tpu.dma_semaphore, #tpu.memory_space<semaphore_mem>>)
      %dma_wait3A_759 = arith.constant 0 : i32
      %dma_wait3A_760 = arith.constant 0 : i32
      %dma_wait3A_761 = tpu.memref_slice %arg6[%run_scoped3A_596, %dma_wait3A_759, %dma_wait3A_760] : memref<2x50x40xi32, #tpu.memory_space<vmem>> -> memref<1x50x40xi32, #tpu.memory_space<vmem>>
      %dma_wait3A_762 = tpu.memref_squeeze %dma_wait3A_761 : memref<1x50x40xi32, #tpu.memory_space<vmem>> -> memref<50x40xi32, #tpu.memory_space<vmem>>
      %dma_wait3A_763 = arith.constant 0 : i32
      %dma_wait3A_764 = arith.constant 0 : i32
      %dma_wait3A_765 = tpu.memref_slice %arg3[%add3A, %run_scoped3A_595, %dma_wait3A_763, %dma_wait3A_764] : memref<32x5x50x40xi32, #tpu.memory_space<hbm>> -> memref<1x1x50x40xi32, #tpu.memory_space<hbm>>
      %dma_wait3A_766 = tpu.memref_squeeze %dma_wait3A_765 : memref<1x1x50x40xi32, #tpu.memory_space<hbm>> -> memref<50x40xi32, #tpu.memory_space<hbm>>
      %dma_wait3A_767 = arith.constant 0 : i32
      %dma_wait3A_768 = arith.constant 0 : i32
      %dma_wait3A_769 = tpu.memref_slice %arg6[%run_scoped3A_596, %dma_wait3A_767, %dma_wait3A_768] : memref<2x50x40xi32, #tpu.memory_space<vmem>> -> memref<1x50x40xi32, #tpu.memory_space<vmem>>
      %dma_wait3A_770 = tpu.memref_squeeze %dma_wait3A_769 : memref<1x50x40xi32, #tpu.memory_space<vmem>> -> memref<50x40xi32, #tpu.memory_space<vmem>>
      %dma_wait3A_771 = arith.constant 0 : i32
      %dma_wait3A_772 = arith.constant 0 : i32
      %dma_wait3A_773 = tpu.memref_slice %arg3[%add3A, %run_scoped3A_595, %dma_wait3A_771, %dma_wait3A_772] : memref<32x5x50x40xi32, #tpu.memory_space<hbm>> -> memref<1x1x50x40xi32, #tpu.memory_space<hbm>>
      %dma_wait3A_774 = tpu.memref_squeeze %dma_wait3A_773 : memref<1x1x50x40xi32, #tpu.memory_space<hbm>> -> memref<50x40xi32, #tpu.memory_space<hbm>>
      tpu.wait_dma2 semaphore(%run_scoped3A_742 : memref<!tpu.dma_semaphore, #tpu.memory_space<semaphore_mem>>) src(%dma_wait3A_774 : memref<50x40xi32, #tpu.memory_space<hbm>>) dst(%dma_wait3A_770 : memref<50x40xi32, #tpu.memory_space<vmem>>)
      tpu.yield
    }) : () -> ()
    %run_scoped3A_597 = arith.constant 4 : i32
    %run_scoped3A_598 = arith.constant 1 : i32
    "tpu.region"() ({
      %run_scoped3A_742 = tpu.sem_alloc : memref<!tpu.dma_semaphore, #tpu.memory_space<semaphore_mem>>
      %dma_start3A_743 = arith.constant 0 : i32
      %dma_start3A_744 = arith.constant 0 : i32
      %dma_start3A_745 = tpu.memref_slice %arg6[%run_scoped3A_598, %dma_start3A_743, %dma_start3A_744] : memref<2x50x40xi32, #tpu.memory_space<vmem>> -> memref<1x50x40xi32, #tpu.memory_space<vmem>>
      %dma_start3A_746 = tpu.memref_squeeze %dma_start3A_745 : memref<1x50x40xi32, #tpu.memory_space<vmem>> -> memref<50x40xi32, #tpu.memory_space<vmem>>
      %dma_start3A_747 = arith.constant 0 : i32
      %dma_start3A_748 = arith.constant 0 : i32
      %dma_start3A_749 = tpu.memref_slice %arg4[%add3A, %run_scoped3A_597, %dma_start3A_747, %dma_start3A_748] : memref<32x5x50x40xi32, #tpu.memory_space<hbm>> -> memref<1x1x50x40xi32, #tpu.memory_space<hbm>>
      %dma_start3A_750 = tpu.memref_squeeze %dma_start3A_749 : memref<1x1x50x40xi32, #tpu.memory_space<hbm>> -> memref<50x40xi32, #tpu.memory_space<hbm>>
      %dma_start3A_751 = arith.constant 0 : i32
      %dma_start3A_752 = arith.constant 0 : i32
      %dma_start3A_753 = tpu.memref_slice %arg6[%run_scoped3A_598, %dma_start3A_751, %dma_start3A_752] : memref<2x50x40xi32, #tpu.memory_space<vmem>> -> memref<1x50x40xi32, #tpu.memory_space<vmem>>
      %dma_start3A_754 = tpu.memref_squeeze %dma_start3A_753 : memref<1x50x40xi32, #tpu.memory_space<vmem>> -> memref<50x40xi32, #tpu.memory_space<vmem>>
      %dma_start3A_755 = arith.constant 0 : i32
      %dma_start3A_756 = arith.constant 0 : i32
      %dma_start3A_757 = tpu.memref_slice %arg4[%add3A, %run_scoped3A_597, %dma_start3A_755, %dma_start3A_756] : memref<32x5x50x40xi32, #tpu.memory_space<hbm>> -> memref<1x1x50x40xi32, #tpu.memory_space<hbm>>
      %dma_start3A_758 = tpu.memref_squeeze %dma_start3A_757 : memref<1x1x50x40xi32, #tpu.memory_space<hbm>> -> memref<50x40xi32, #tpu.memory_space<hbm>>
      tpu.enqueue_dma source(%dma_start3A_758 : memref<50x40xi32, #tpu.memory_space<hbm>>) target(%dma_start3A_754 : memref<50x40xi32, #tpu.memory_space<vmem>>) target_semaphore(%run_scoped3A_742 : memref<!tpu.dma_semaphore, #tpu.memory_space<semaphore_mem>>)
      %dma_wait3A_759 = arith.constant 0 : i32
      %dma_wait3A_760 = arith.constant 0 : i32
      %dma_wait3A_761 = tpu.memref_slice %arg6[%run_scoped3A_598, %dma_wait3A_759, %dma_wait3A_760] : memref<2x50x40xi32, #tpu.memory_space<vmem>> -> memref<1x50x40xi32, #tpu.memory_space<vmem>>
      %dma_wait3A_762 = tpu.memref_squeeze %dma_wait3A_761 : memref<1x50x40xi32, #tpu.memory_space<vmem>> -> memref<50x40xi32, #tpu.memory_space<vmem>>
      %dma_wait3A_763 = arith.constant 0 : i32
      %dma_wait3A_764 = arith.constant 0 : i32
      %dma_wait3A_765 = tpu.memref_slice %arg4[%add3A, %run_scoped3A_597, %dma_wait3A_763, %dma_wait3A_764] : memref<32x5x50x40xi32, #tpu.memory_space<hbm>> -> memref<1x1x50x40xi32, #tpu.memory_space<hbm>>
      %dma_wait3A_766 = tpu.memref_squeeze %dma_wait3A_765 : memref<1x1x50x40xi32, #tpu.memory_space<hbm>> -> memref<50x40xi32, #tpu.memory_space<hbm>>
      %dma_wait3A_767 = arith.constant 0 : i32
      %dma_wait3A_768 = arith.constant 0 : i32
      %dma_wait3A_769 = tpu.memref_slice %arg6[%run_scoped3A_598, %dma_wait3A_767, %dma_wait3A_768] : memref<2x50x40xi32, #tpu.memory_space<vmem>> -> memref<1x50x40xi32, #tpu.memory_space<vmem>>
      %dma_wait3A_770 = tpu.memref_squeeze %dma_wait3A_769 : memref<1x50x40xi32, #tpu.memory_space<vmem>> -> memref<50x40xi32, #tpu.memory_space<vmem>>
      %dma_wait3A_771 = arith.constant 0 : i32
      %dma_wait3A_772 = arith.constant 0 : i32
      %dma_wait3A_773 = tpu.memref_slice %arg4[%add3A, %run_scoped3A_597, %dma_wait3A_771, %dma_wait3A_772] : memref<32x5x50x40xi32, #tpu.memory_space<hbm>> -> memref<1x1x50x40xi32, #tpu.memory_space<hbm>>
      %dma_wait3A_774 = tpu.memref_squeeze %dma_wait3A_773 : memref<1x1x50x40xi32, #tpu.memory_space<hbm>> -> memref<50x40xi32, #tpu.memory_space<hbm>>
      tpu.wait_dma2 semaphore(%run_scoped3A_742 : memref<!tpu.dma_semaphore, #tpu.memory_space<semaphore_mem>>) src(%dma_wait3A_774 : memref<50x40xi32, #tpu.memory_space<hbm>>) dst(%dma_wait3A_770 : memref<50x40xi32, #tpu.memory_space<vmem>>)
      tpu.yield
    }) : () -> ()
    %rem3A_599 = arith.constant 0 : i32
    %rem3A_600 = arith.constant 6 : i32
    %rem3A_601 = arith.remsi %rem3A_599, %rem3A_600 : i32
    %dma_start3A_602 = arith.constant 0 : i32
    %dma_start3A_603 = arith.constant 0 : i32
    %dma_start3A_604 = arith.constant 0 : i32
    %dma_start3A_605 = arith.constant 0 : i32
    %dma_start3A_606 = tpu.memref_slice %arg7[%rem3A_601, %dma_start3A_604, %dma_start3A_605] : memref<6x40x128xf32, #tpu.memory_space<vmem>> -> memref<1x40x128xf32, #tpu.memory_space<vmem>>
    %dma_start3A_607 = tpu.memref_squeeze %dma_start3A_606 : memref<1x40x128xf32, #tpu.memory_space<vmem>> -> memref<40x128xf32, #tpu.memory_space<vmem>>
    %dma_start3A_608 = arith.constant 0 : i32
    %dma_start3A_609 = tpu.memref_slice %arg6[%dma_start3A_602, %dma_start3A_603, %dma_start3A_608] : memref<2x50x40xi32, #tpu.memory_space<vmem>> -> memref<1x1x40xi32, #tpu.memory_space<vmem>>
    %dma_start3A_610 = tpu.memref_squeeze %dma_start3A_609 : memref<1x1x40xi32, #tpu.memory_space<vmem>> -> memref<40xi32, #tpu.memory_space<vmem>>
    %dma_start3A_611 = arith.constant 0 : i32
    %dma_start3A_612 = arith.constant 0 : i32
    %dma_start3A_613 = tpu.memref_slice %arg2[%dma_start3A_611, %dma_start3A_612] : memref<10000x128xf32, #tpu.memory_space<hbm>> -> memref<10000x128xf32, #tpu.memory_space<hbm>>
    %dma_start3A_614 = tpu.memref_slice %arg10[%rem3A_601] : memref<6x!tpu.dma_semaphore, #tpu.memory_space<semaphore_mem>> -> memref<1x!tpu.dma_semaphore, #tpu.memory_space<semaphore_mem>>
    %dma_start3A_615 = tpu.memref_squeeze %dma_start3A_614 : memref<1x!tpu.dma_semaphore, #tpu.memory_space<semaphore_mem>> -> memref<!tpu.dma_semaphore, #tpu.memory_space<semaphore_mem>>
    tpu.enqueue_indirect_dma source(%dma_start3A_613 : memref<10000x128xf32, #tpu.memory_space<hbm>>) target(%dma_start3A_607 : memref<40x128xf32, #tpu.memory_space<vmem>>) offsets(%dma_start3A_610 : memref<40xi32, #tpu.memory_space<vmem>>) semaphore(%dma_start3A_615 : memref<!tpu.dma_semaphore, #tpu.memory_space<semaphore_mem>>)
    %rem3A_616 = arith.constant 1 : i32
    %rem3A_617 = arith.constant 6 : i32
    %rem3A_618 = arith.remsi %rem3A_616, %rem3A_617 : i32
    %dma_start3A_619 = arith.constant 0 : i32
    %dma_start3A_620 = arith.constant 1 : i32
    %dma_start3A_621 = arith.constant 0 : i32
    %dma_start3A_622 = arith.constant 0 : i32
    %dma_start3A_623 = tpu.memref_slice %arg7[%rem3A_618, %dma_start3A_621, %dma_start3A_622] : memref<6x40x128xf32, #tpu.memory_space<vmem>> -> memref<1x40x128xf32, #tpu.memory_space<vmem>>
    %dma_start3A_624 = tpu.memref_squeeze %dma_start3A_623 : memref<1x40x128xf32, #tpu.memory_space<vmem>> -> memref<40x128xf32, #tpu.memory_space<vmem>>
    %dma_start3A_625 = arith.constant 0 : i32
    %dma_start3A_626 = tpu.memref_slice %arg6[%dma_start3A_619, %dma_start3A_620, %dma_start3A_625] : memref<2x50x40xi32, #tpu.memory_space<vmem>> -> memref<1x1x40xi32, #tpu.memory_space<vmem>>
    %dma_start3A_627 = tpu.memref_squeeze %dma_start3A_626 : memref<1x1x40xi32, #tpu.memory_space<vmem>> -> memref<40xi32, #tpu.memory_space<vmem>>
    %dma_start3A_628 = arith.constant 0 : i32
    %dma_start3A_629 = arith.constant 0 : i32
    %dma_start3A_630 = tpu.memref_slice %arg2[%dma_start3A_628, %dma_start3A_629] : memref<10000x128xf32, #tpu.memory_space<hbm>> -> memref<10000x128xf32, #tpu.memory_space<hbm>>
    %dma_start3A_631 = tpu.memref_slice %arg10[%rem3A_618] : memref<6x!tpu.dma_semaphore, #tpu.memory_space<semaphore_mem>> -> memref<1x!tpu.dma_semaphore, #tpu.memory_space<semaphore_mem>>
    %dma_start3A_632 = tpu.memref_squeeze %dma_start3A_631 : memref<1x!tpu.dma_semaphore, #tpu.memory_space<semaphore_mem>> -> memref<!tpu.dma_semaphore, #tpu.memory_space<semaphore_mem>>
    tpu.enqueue_indirect_dma source(%dma_start3A_630 : memref<10000x128xf32, #tpu.memory_space<hbm>>) target(%dma_start3A_624 : memref<40x128xf32, #tpu.memory_space<vmem>>) offsets(%dma_start3A_627 : memref<40xi32, #tpu.memory_space<vmem>>) semaphore(%dma_start3A_632 : memref<!tpu.dma_semaphore, #tpu.memory_space<semaphore_mem>>)
    %rem3A_633 = arith.constant 2 : i32
    %rem3A_634 = arith.constant 6 : i32
    %rem3A_635 = arith.remsi %rem3A_633, %rem3A_634 : i32
    %dma_start3A_636 = arith.constant 0 : i32
    %dma_start3A_637 = arith.constant 2 : i32
    %dma_start3A_638 = arith.constant 0 : i32
    %dma_start3A_639 = arith.constant 0 : i32
    %dma_start3A_640 = tpu.memref_slice %arg7[%rem3A_635, %dma_start3A_638, %dma_start3A_639] : memref<6x40x128xf32, #tpu.memory_space<vmem>> -> memref<1x40x128xf32, #tpu.memory_space<vmem>>
    %dma_start3A_641 = tpu.memref_squeeze %dma_start3A_640 : memref<1x40x128xf32, #tpu.memory_space<vmem>> -> memref<40x128xf32, #tpu.memory_space<vmem>>
    %dma_start3A_642 = arith.constant 0 : i32
    %dma_start3A_643 = tpu.memref_slice %arg6[%dma_start3A_636, %dma_start3A_637, %dma_start3A_642] : memref<2x50x40xi32, #tpu.memory_space<vmem>> -> memref<1x1x40xi32, #tpu.memory_space<vmem>>
    %dma_start3A_644 = tpu.memref_squeeze %dma_start3A_643 : memref<1x1x40xi32, #tpu.memory_space<vmem>> -> memref<40xi32, #tpu.memory_space<vmem>>
    %dma_start3A_645 = arith.constant 0 : i32
    %dma_start3A_646 = arith.constant 0 : i32
    %dma_start3A_647 = tpu.memref_slice %arg2[%dma_start3A_645, %dma_start3A_646] : memref<10000x128xf32, #tpu.memory_space<hbm>> -> memref<10000x128xf32, #tpu.memory_space<hbm>>
    %dma_start3A_648 = tpu.memref_slice %arg10[%rem3A_635] : memref<6x!tpu.dma_semaphore, #tpu.memory_space<semaphore_mem>> -> memref<1x!tpu.dma_semaphore, #tpu.memory_space<semaphore_mem>>
    %dma_start3A_649 = tpu.memref_squeeze %dma_start3A_648 : memref<1x!tpu.dma_semaphore, #tpu.memory_space<semaphore_mem>> -> memref<!tpu.dma_semaphore, #tpu.memory_space<semaphore_mem>>
    tpu.enqueue_indirect_dma source(%dma_start3A_647 : memref<10000x128xf32, #tpu.memory_space<hbm>>) target(%dma_start3A_641 : memref<40x128xf32, #tpu.memory_space<vmem>>) offsets(%dma_start3A_644 : memref<40xi32, #tpu.memory_space<vmem>>) semaphore(%dma_start3A_649 : memref<!tpu.dma_semaphore, #tpu.memory_space<semaphore_mem>>)
    %rem3A_650 = arith.constant 3 : i32
    %rem3A_651 = arith.constant 6 : i32
    %rem3A_652 = arith.remsi %rem3A_650, %rem3A_651 : i32
    %dma_start3A_653 = arith.constant 0 : i32
    %dma_start3A_654 = arith.constant 3 : i32
    %dma_start3A_655 = arith.constant 0 : i32
    %dma_start3A_656 = arith.constant 0 : i32
    %dma_start3A_657 = tpu.memref_slice %arg7[%rem3A_652, %dma_start3A_655, %dma_start3A_656] : memref<6x40x128xf32, #tpu.memory_space<vmem>> -> memref<1x40x128xf32, #tpu.memory_space<vmem>>
    %dma_start3A_658 = tpu.memref_squeeze %dma_start3A_657 : memref<1x40x128xf32, #tpu.memory_space<vmem>> -> memref<40x128xf32, #tpu.memory_space<vmem>>
    %dma_start3A_659 = arith.constant 0 : i32
    %dma_start3A_660 = tpu.memref_slice %arg6[%dma_start3A_653, %dma_start3A_654, %dma_start3A_659] : memref<2x50x40xi32, #tpu.memory_space<vmem>> -> memref<1x1x40xi32, #tpu.memory_space<vmem>>
    %dma_start3A_661 = tpu.memref_squeeze %dma_start3A_660 : memref<1x1x40xi32, #tpu.memory_space<vmem>> -> memref<40xi32, #tpu.memory_space<vmem>>
    %dma_start3A_662 = arith.constant 0 : i32
    %dma_start3A_663 = arith.constant 0 : i32
    %dma_start3A_664 = tpu.memref_slice %arg2[%dma_start3A_662, %dma_start3A_663] : memref<10000x128xf32, #tpu.memory_space<hbm>> -> memref<10000x128xf32, #tpu.memory_space<hbm>>
    %dma_start3A_665 = tpu.memref_slice %arg10[%rem3A_652] : memref<6x!tpu.dma_semaphore, #tpu.memory_space<semaphore_mem>> -> memref<1x!tpu.dma_semaphore, #tpu.memory_space<semaphore_mem>>
    %dma_start3A_666 = tpu.memref_squeeze %dma_start3A_665 : memref<1x!tpu.dma_semaphore, #tpu.memory_space<semaphore_mem>> -> memref<!tpu.dma_semaphore, #tpu.memory_space<semaphore_mem>>
    tpu.enqueue_indirect_dma source(%dma_start3A_664 : memref<10000x128xf32, #tpu.memory_space<hbm>>) target(%dma_start3A_658 : memref<40x128xf32, #tpu.memory_space<vmem>>) offsets(%dma_start3A_661 : memref<40xi32, #tpu.memory_space<vmem>>) semaphore(%dma_start3A_666 : memref<!tpu.dma_semaphore, #tpu.memory_space<semaphore_mem>>)
    %scan3A_667 = arith.constant 0 : i32
    %scan3A_668 = arith.constant 0 : i32
    %scan3A_669 = arith.constant 50 : i32
    %scan3A_670 = arith.addi %scan3A_668, %scan3A_669 : i32
    %scan3A_671 = arith.constant 1 : i32
    scf.for %scan3A_742 = %scan3A_668 to %scan3A_670 step %scan3A_671  : i32 {
      %rem3A_743 = arith.constant 6 : i32
      %rem3A_744 = arith.remsi %scan3A_742, %rem3A_743 : i32
      %dma_wait3A_745 = arith.constant 0 : i32
      %dma_wait3A_746 = arith.constant 0 : i32
      %dma_wait3A_747 = arith.constant 0 : i32
      %dma_wait3A_748 = tpu.memref_slice %arg7[%rem3A_744, %dma_wait3A_746, %dma_wait3A_747] : memref<6x40x128xf32, #tpu.memory_space<vmem>> -> memref<1x40x128xf32, #tpu.memory_space<vmem>>
      %dma_wait3A_749 = tpu.memref_squeeze %dma_wait3A_748 : memref<1x40x128xf32, #tpu.memory_space<vmem>> -> memref<40x128xf32, #tpu.memory_space<vmem>>
      %dma_wait3A_750 = arith.constant 0 : i32
      %dma_wait3A_751 = tpu.memref_slice %arg6[%dma_wait3A_745, %scan3A_742, %dma_wait3A_750] : memref<2x50x40xi32, #tpu.memory_space<vmem>> -> memref<1x1x40xi32, #tpu.memory_space<vmem>>
      %dma_wait3A_752 = tpu.memref_squeeze %dma_wait3A_751 : memref<1x1x40xi32, #tpu.memory_space<vmem>> -> memref<40xi32, #tpu.memory_space<vmem>>
      %dma_wait3A_753 = arith.constant 0 : i32
      %dma_wait3A_754 = arith.constant 0 : i32
      %dma_wait3A_755 = tpu.memref_slice %arg2[%dma_wait3A_753, %dma_wait3A_754] : memref<10000x128xf32, #tpu.memory_space<hbm>> -> memref<10000x128xf32, #tpu.memory_space<hbm>>
      %dma_wait3A_756 = tpu.memref_slice %arg10[%rem3A_744] : memref<6x!tpu.dma_semaphore, #tpu.memory_space<semaphore_mem>> -> memref<1x!tpu.dma_semaphore, #tpu.memory_space<semaphore_mem>>
      %dma_wait3A_757 = tpu.memref_squeeze %dma_wait3A_756 : memref<1x!tpu.dma_semaphore, #tpu.memory_space<semaphore_mem>> -> memref<!tpu.dma_semaphore, #tpu.memory_space<semaphore_mem>>
      tpu.wait_indirect_dma semaphore(%dma_wait3A_757 : memref<!tpu.dma_semaphore, #tpu.memory_space<semaphore_mem>>) src(%dma_wait3A_755 : memref<10000x128xf32, #tpu.memory_space<hbm>>) dst(%dma_wait3A_749 : memref<40x128xf32, #tpu.memory_space<vmem>>)
      %ge3A = arith.constant 4 : i32
      %ge3A_758 = arith.cmpi sge, %scan3A_742, %ge3A : i32
      %convert_element_type3A = arith.extui %ge3A_758 : i1 to i32
      %cond3A = arith.constant 0 : i32
      %cond3A_759 = arith.cmpi ne, %convert_element_type3A, %cond3A : i32
      scf.if %cond3A_759 {
        %sub3A = arith.constant 4 : i32
        %sub3A_779 = arith.subi %scan3A_742, %sub3A : i32
        %rem3A_780 = arith.constant 6 : i32
        %rem3A_781 = arith.remsi %sub3A_779, %rem3A_780 : i32
        %dma_wait3A_782 = arith.constant 1 : i32
        %dma_wait3A_783 = arith.constant 0 : i32
        %dma_wait3A_784 = arith.constant 0 : i32
        %dma_wait3A_785 = tpu.memref_slice %arg7[%rem3A_781, %dma_wait3A_783, %dma_wait3A_784] : memref<6x40x128xf32, #tpu.memory_space<vmem>> -> memref<1x40x128xf32, #tpu.memory_space<vmem>>
        %dma_wait3A_786 = tpu.memref_squeeze %dma_wait3A_785 : memref<1x40x128xf32, #tpu.memory_space<vmem>> -> memref<40x128xf32, #tpu.memory_space<vmem>>
        %dma_wait3A_787 = arith.constant 0 : i32
        %dma_wait3A_788 = tpu.memref_slice %arg6[%dma_wait3A_782, %sub3A_779, %dma_wait3A_787] : memref<2x50x40xi32, #tpu.memory_space<vmem>> -> memref<1x1x40xi32, #tpu.memory_space<vmem>>
        %dma_wait3A_789 = tpu.memref_squeeze %dma_wait3A_788 : memref<1x1x40xi32, #tpu.memory_space<vmem>> -> memref<40xi32, #tpu.memory_space<vmem>>
        %dma_wait3A_790 = arith.constant 0 : i32
        %dma_wait3A_791 = arith.constant 0 : i32
        %dma_wait3A_792 = tpu.memref_slice %arg9[%dma_wait3A_790, %dma_wait3A_791] : memref<10240x128xf32, #tpu.memory_space<vmem_shared>> -> memref<10240x128xf32, #tpu.memory_space<vmem_shared>>
        %dma_wait3A_793 = tpu.memref_slice %arg11[%rem3A_781] : memref<6x!tpu.dma_semaphore, #tpu.memory_space<semaphore_mem>> -> memref<1x!tpu.dma_semaphore, #tpu.memory_space<semaphore_mem>>
        %dma_wait3A_794 = tpu.memref_squeeze %dma_wait3A_793 : memref<1x!tpu.dma_semaphore, #tpu.memory_space<semaphore_mem>> -> memref<!tpu.dma_semaphore, #tpu.memory_space<semaphore_mem>>
        tpu.wait_indirect_dma semaphore(%dma_wait3A_794 : memref<!tpu.dma_semaphore, #tpu.memory_space<semaphore_mem>>) src(%dma_wait3A_786 : memref<40x128xf32, #tpu.memory_space<vmem>>) dst(%dma_wait3A_792 : memref<10240x128xf32, #tpu.memory_space<vmem_shared>>)
      } else {
      }
      %add3A_760 = arith.constant 4 : i32
      %add3A_761 = arith.addi %scan3A_742, %add3A_760 : i32
      %lt3A = arith.constant 50 : i32
      %lt3A_762 = arith.cmpi slt, %add3A_761, %lt3A : i32
      %convert_element_type3A_763 = arith.extui %lt3A_762 : i1 to i32
      %cond3A_764 = arith.constant 0 : i32
      %cond3A_765 = arith.cmpi ne, %convert_element_type3A_763, %cond3A_764 : i32
      scf.if %cond3A_765 {
        %add3A_779 = arith.constant 4 : i32
        %add3A_780 = arith.addi %scan3A_742, %add3A_779 : i32
        %rem3A_781 = arith.constant 6 : i32
        %rem3A_782 = arith.remsi %add3A_780, %rem3A_781 : i32
        %dma_start3A_783 = arith.constant 0 : i32
        %dma_start3A_784 = arith.constant 0 : i32
        %dma_start3A_785 = arith.constant 0 : i32
        %dma_start3A_786 = tpu.memref_slice %arg7[%rem3A_782, %dma_start3A_784, %dma_start3A_785] : memref<6x40x128xf32, #tpu.memory_space<vmem>> -> memref<1x40x128xf32, #tpu.memory_space<vmem>>
        %dma_start3A_787 = tpu.memref_squeeze %dma_start3A_786 : memref<1x40x128xf32, #tpu.memory_space<vmem>> -> memref<40x128xf32, #tpu.memory_space<vmem>>
        %dma_start3A_788 = arith.constant 0 : i32
        %dma_start3A_789 = tpu.memref_slice %arg6[%dma_start3A_783, %add3A_780, %dma_start3A_788] : memref<2x50x40xi32, #tpu.memory_space<vmem>> -> memref<1x1x40xi32, #tpu.memory_space<vmem>>
        %dma_start3A_790 = tpu.memref_squeeze %dma_start3A_789 : memref<1x1x40xi32, #tpu.memory_space<vmem>> -> memref<40xi32, #tpu.memory_space<vmem>>
        %dma_start3A_791 = arith.constant 0 : i32
        %dma_start3A_792 = arith.constant 0 : i32
        %dma_start3A_793 = tpu.memref_slice %arg2[%dma_start3A_791, %dma_start3A_792] : memref<10000x128xf32, #tpu.memory_space<hbm>> -> memref<10000x128xf32, #tpu.memory_space<hbm>>
        %dma_start3A_794 = tpu.memref_slice %arg10[%rem3A_782] : memref<6x!tpu.dma_semaphore, #tpu.memory_space<semaphore_mem>> -> memref<1x!tpu.dma_semaphore, #tpu.memory_space<semaphore_mem>>
        %dma_start3A_795 = tpu.memref_squeeze %dma_start3A_794 : memref<1x!tpu.dma_semaphore, #tpu.memory_space<semaphore_mem>> -> memref<!tpu.dma_semaphore, #tpu.memory_space<semaphore_mem>>
        tpu.enqueue_indirect_dma source(%dma_start3A_793 : memref<10000x128xf32, #tpu.memory_space<hbm>>) target(%dma_start3A_787 : memref<40x128xf32, #tpu.memory_space<vmem>>) offsets(%dma_start3A_790 : memref<40xi32, #tpu.memory_space<vmem>>) semaphore(%dma_start3A_795 : memref<!tpu.dma_semaphore, #tpu.memory_space<semaphore_mem>>)
      } else {
      }
      %dma_start3A_766 = arith.constant 1 : i32
      %dma_start3A_767 = arith.constant 0 : i32
      %dma_start3A_768 = arith.constant 0 : i32
      %dma_start3A_769 = tpu.memref_slice %arg7[%rem3A_744, %dma_start3A_767, %dma_start3A_768] : memref<6x40x128xf32, #tpu.memory_space<vmem>> -> memref<1x40x128xf32, #tpu.memory_space<vmem>>
      %dma_start3A_770 = tpu.memref_squeeze %dma_start3A_769 : memref<1x40x128xf32, #tpu.memory_space<vmem>> -> memref<40x128xf32, #tpu.memory_space<vmem>>
      %dma_start3A_771 = arith.constant 0 : i32
      %dma_start3A_772 = tpu.memref_slice %arg6[%dma_start3A_766, %scan3A_742, %dma_start3A_771] : memref<2x50x40xi32, #tpu.memory_space<vmem>> -> memref<1x1x40xi32, #tpu.memory_space<vmem>>
      %dma_start3A_773 = tpu.memref_squeeze %dma_start3A_772 : memref<1x1x40xi32, #tpu.memory_space<vmem>> -> memref<40xi32, #tpu.memory_space<vmem>>
      %dma_start3A_774 = arith.constant 0 : i32
      %dma_start3A_775 = arith.constant 0 : i32
      %dma_start3A_776 = tpu.memref_slice %arg9[%dma_start3A_774, %dma_start3A_775] : memref<10240x128xf32, #tpu.memory_space<vmem_shared>> -> memref<10240x128xf32, #tpu.memory_space<vmem_shared>>
      %dma_start3A_777 = tpu.memref_slice %arg11[%rem3A_744] : memref<6x!tpu.dma_semaphore, #tpu.memory_space<semaphore_mem>> -> memref<1x!tpu.dma_semaphore, #tpu.memory_space<semaphore_mem>>
      %dma_start3A_778 = tpu.memref_squeeze %dma_start3A_777 : memref<1x!tpu.dma_semaphore, #tpu.memory_space<semaphore_mem>> -> memref<!tpu.dma_semaphore, #tpu.memory_space<semaphore_mem>>
      tpu.enqueue_indirect_dma source(%dma_start3A_770 : memref<40x128xf32, #tpu.memory_space<vmem>>) target(%dma_start3A_776 : memref<10240x128xf32, #tpu.memory_space<vmem_shared>>) offsets(%dma_start3A_773 : memref<40xi32, #tpu.memory_space<vmem>>) semaphore(%dma_start3A_778 : memref<!tpu.dma_semaphore, #tpu.memory_space<semaphore_mem>>) {add = true}
    }
    %scan3A_672 = arith.constant 50 : i32
    %rem3A_673 = arith.constant 46 : i32
    %rem3A_674 = arith.constant 6 : i32
    %rem3A_675 = arith.remsi %rem3A_673, %rem3A_674 : i32
    %dma_wait3A_676 = arith.constant 1 : i32
    %dma_wait3A_677 = arith.constant 46 : i32
    %dma_wait3A_678 = arith.constant 0 : i32
    %dma_wait3A_679 = arith.constant 0 : i32
    %dma_wait3A_680 = tpu.memref_slice %arg7[%rem3A_675, %dma_wait3A_678, %dma_wait3A_679] : memref<6x40x128xf32, #tpu.memory_space<vmem>> -> memref<1x40x128xf32, #tpu.memory_space<vmem>>
    %dma_wait3A_681 = tpu.memref_squeeze %dma_wait3A_680 : memref<1x40x128xf32, #tpu.memory_space<vmem>> -> memref<40x128xf32, #tpu.memory_space<vmem>>
    %dma_wait3A_682 = arith.constant 0 : i32
    %dma_wait3A_683 = tpu.memref_slice %arg6[%dma_wait3A_676, %dma_wait3A_677, %dma_wait3A_682] : memref<2x50x40xi32, #tpu.memory_space<vmem>> -> memref<1x1x40xi32, #tpu.memory_space<vmem>>
    %dma_wait3A_684 = tpu.memref_squeeze %dma_wait3A_683 : memref<1x1x40xi32, #tpu.memory_space<vmem>> -> memref<40xi32, #tpu.memory_space<vmem>>
    %dma_wait3A_685 = arith.constant 0 : i32
    %dma_wait3A_686 = arith.constant 0 : i32
    %dma_wait3A_687 = tpu.memref_slice %arg9[%dma_wait3A_685, %dma_wait3A_686] : memref<10240x128xf32, #tpu.memory_space<vmem_shared>> -> memref<10240x128xf32, #tpu.memory_space<vmem_shared>>
    %dma_wait3A_688 = tpu.memref_slice %arg11[%rem3A_675] : memref<6x!tpu.dma_semaphore, #tpu.memory_space<semaphore_mem>> -> memref<1x!tpu.dma_semaphore, #tpu.memory_space<semaphore_mem>>
    %dma_wait3A_689 = tpu.memref_squeeze %dma_wait3A_688 : memref<1x!tpu.dma_semaphore, #tpu.memory_space<semaphore_mem>> -> memref<!tpu.dma_semaphore, #tpu.memory_space<semaphore_mem>>
    tpu.wait_indirect_dma semaphore(%dma_wait3A_689 : memref<!tpu.dma_semaphore, #tpu.memory_space<semaphore_mem>>) src(%dma_wait3A_681 : memref<40x128xf32, #tpu.memory_space<vmem>>) dst(%dma_wait3A_687 : memref<10240x128xf32, #tpu.memory_space<vmem_shared>>)
    %rem3A_690 = arith.constant 47 : i32
    %rem3A_691 = arith.constant 6 : i32
    %rem3A_692 = arith.remsi %rem3A_690, %rem3A_691 : i32
    %dma_wait3A_693 = arith.constant 1 : i32
    %dma_wait3A_694 = arith.constant 47 : i32
    %dma_wait3A_695 = arith.constant 0 : i32
    %dma_wait3A_696 = arith.constant 0 : i32
    %dma_wait3A_697 = tpu.memref_slice %arg7[%rem3A_692, %dma_wait3A_695, %dma_wait3A_696] : memref<6x40x128xf32, #tpu.memory_space<vmem>> -> memref<1x40x128xf32, #tpu.memory_space<vmem>>
    %dma_wait3A_698 = tpu.memref_squeeze %dma_wait3A_697 : memref<1x40x128xf32, #tpu.memory_space<vmem>> -> memref<40x128xf32, #tpu.memory_space<vmem>>
    %dma_wait3A_699 = arith.constant 0 : i32
    %dma_wait3A_700 = tpu.memref_slice %arg6[%dma_wait3A_693, %dma_wait3A_694, %dma_wait3A_699] : memref<2x50x40xi32, #tpu.memory_space<vmem>> -> memref<1x1x40xi32, #tpu.memory_space<vmem>>
    %dma_wait3A_701 = tpu.memref_squeeze %dma_wait3A_700 : memref<1x1x40xi32, #tpu.memory_space<vmem>> -> memref<40xi32, #tpu.memory_space<vmem>>
    %dma_wait3A_702 = arith.constant 0 : i32
    %dma_wait3A_703 = arith.constant 0 : i32
    %dma_wait3A_704 = tpu.memref_slice %arg9[%dma_wait3A_702, %dma_wait3A_703] : memref<10240x128xf32, #tpu.memory_space<vmem_shared>> -> memref<10240x128xf32, #tpu.memory_space<vmem_shared>>
    %dma_wait3A_705 = tpu.memref_slice %arg11[%rem3A_692] : memref<6x!tpu.dma_semaphore, #tpu.memory_space<semaphore_mem>> -> memref<1x!tpu.dma_semaphore, #tpu.memory_space<semaphore_mem>>
    %dma_wait3A_706 = tpu.memref_squeeze %dma_wait3A_705 : memref<1x!tpu.dma_semaphore, #tpu.memory_space<semaphore_mem>> -> memref<!tpu.dma_semaphore, #tpu.memory_space<semaphore_mem>>
    tpu.wait_indirect_dma semaphore(%dma_wait3A_706 : memref<!tpu.dma_semaphore, #tpu.memory_space<semaphore_mem>>) src(%dma_wait3A_698 : memref<40x128xf32, #tpu.memory_space<vmem>>) dst(%dma_wait3A_704 : memref<10240x128xf32, #tpu.memory_space<vmem_shared>>)
    %rem3A_707 = arith.constant 48 : i32
    %rem3A_708 = arith.constant 6 : i32
    %rem3A_709 = arith.remsi %rem3A_707, %rem3A_708 : i32
    %dma_wait3A_710 = arith.constant 1 : i32
    %dma_wait3A_711 = arith.constant 48 : i32
    %dma_wait3A_712 = arith.constant 0 : i32
    %dma_wait3A_713 = arith.constant 0 : i32
    %dma_wait3A_714 = tpu.memref_slice %arg7[%rem3A_709, %dma_wait3A_712, %dma_wait3A_713] : memref<6x40x128xf32, #tpu.memory_space<vmem>> -> memref<1x40x128xf32, #tpu.memory_space<vmem>>
    %dma_wait3A_715 = tpu.memref_squeeze %dma_wait3A_714 : memref<1x40x128xf32, #tpu.memory_space<vmem>> -> memref<40x128xf32, #tpu.memory_space<vmem>>
    %dma_wait3A_716 = arith.constant 0 : i32
    %dma_wait3A_717 = tpu.memref_slice %arg6[%dma_wait3A_710, %dma_wait3A_711, %dma_wait3A_716] : memref<2x50x40xi32, #tpu.memory_space<vmem>> -> memref<1x1x40xi32, #tpu.memory_space<vmem>>
    %dma_wait3A_718 = tpu.memref_squeeze %dma_wait3A_717 : memref<1x1x40xi32, #tpu.memory_space<vmem>> -> memref<40xi32, #tpu.memory_space<vmem>>
    %dma_wait3A_719 = arith.constant 0 : i32
    %dma_wait3A_720 = arith.constant 0 : i32
    %dma_wait3A_721 = tpu.memref_slice %arg9[%dma_wait3A_719, %dma_wait3A_720] : memref<10240x128xf32, #tpu.memory_space<vmem_shared>> -> memref<10240x128xf32, #tpu.memory_space<vmem_shared>>
    %dma_wait3A_722 = tpu.memref_slice %arg11[%rem3A_709] : memref<6x!tpu.dma_semaphore, #tpu.memory_space<semaphore_mem>> -> memref<1x!tpu.dma_semaphore, #tpu.memory_space<semaphore_mem>>
    %dma_wait3A_723 = tpu.memref_squeeze %dma_wait3A_722 : memref<1x!tpu.dma_semaphore, #tpu.memory_space<semaphore_mem>> -> memref<!tpu.dma_semaphore, #tpu.memory_space<semaphore_mem>>
    tpu.wait_indirect_dma semaphore(%dma_wait3A_723 : memref<!tpu.dma_semaphore, #tpu.memory_space<semaphore_mem>>) src(%dma_wait3A_715 : memref<40x128xf32, #tpu.memory_space<vmem>>) dst(%dma_wait3A_721 : memref<10240x128xf32, #tpu.memory_space<vmem_shared>>)
    %rem3A_724 = arith.constant 49 : i32
    %rem3A_725 = arith.constant 6 : i32
    %rem3A_726 = arith.remsi %rem3A_724, %rem3A_725 : i32
    %dma_wait3A_727 = arith.constant 1 : i32
    %dma_wait3A_728 = arith.constant 49 : i32
    %dma_wait3A_729 = arith.constant 0 : i32
    %dma_wait3A_730 = arith.constant 0 : i32
    %dma_wait3A_731 = tpu.memref_slice %arg7[%rem3A_726, %dma_wait3A_729, %dma_wait3A_730] : memref<6x40x128xf32, #tpu.memory_space<vmem>> -> memref<1x40x128xf32, #tpu.memory_space<vmem>>
    %dma_wait3A_732 = tpu.memref_squeeze %dma_wait3A_731 : memref<1x40x128xf32, #tpu.memory_space<vmem>> -> memref<40x128xf32, #tpu.memory_space<vmem>>
    %dma_wait3A_733 = arith.constant 0 : i32
    %dma_wait3A_734 = tpu.memref_slice %arg6[%dma_wait3A_727, %dma_wait3A_728, %dma_wait3A_733] : memref<2x50x40xi32, #tpu.memory_space<vmem>> -> memref<1x1x40xi32, #tpu.memory_space<vmem>>
    %dma_wait3A_735 = tpu.memref_squeeze %dma_wait3A_734 : memref<1x1x40xi32, #tpu.memory_space<vmem>> -> memref<40xi32, #tpu.memory_space<vmem>>
    %dma_wait3A_736 = arith.constant 0 : i32
    %dma_wait3A_737 = arith.constant 0 : i32
    %dma_wait3A_738 = tpu.memref_slice %arg9[%dma_wait3A_736, %dma_wait3A_737] : memref<10240x128xf32, #tpu.memory_space<vmem_shared>> -> memref<10240x128xf32, #tpu.memory_space<vmem_shared>>
    %dma_wait3A_739 = tpu.memref_slice %arg11[%rem3A_726] : memref<6x!tpu.dma_semaphore, #tpu.memory_space<semaphore_mem>> -> memref<1x!tpu.dma_semaphore, #tpu.memory_space<semaphore_mem>>
    %dma_wait3A_740 = tpu.memref_squeeze %dma_wait3A_739 : memref<1x!tpu.dma_semaphore, #tpu.memory_space<semaphore_mem>> -> memref<!tpu.dma_semaphore, #tpu.memory_space<semaphore_mem>>
    tpu.wait_indirect_dma semaphore(%dma_wait3A_740 : memref<!tpu.dma_semaphore, #tpu.memory_space<semaphore_mem>>) src(%dma_wait3A_732 : memref<40x128xf32, #tpu.memory_space<vmem>>) dst(%dma_wait3A_738 : memref<10240x128xf32, #tpu.memory_space<vmem_shared>>)
    %barrier3A_741 = arith.constant 0 : index
    tpu.barrier barrier_id(%barrier3A_741)
    "tpu.region"() ({
      %run_scoped3A_742 = tpu.sem_alloc : memref<!tpu.dma_semaphore, #tpu.memory_space<semaphore_mem>>
      %dma_start3A_743 = arith.constant 0 : i32
      %dma_start3A_744 = tpu.memref_slice %arg5[%arg0, %mul3A_8, %dma_start3A_743] : memref<2x10240x128xf32, #tpu.memory_space<hbm>> -> memref<1x640x128xf32, #tpu.memory_space<hbm>>
      %dma_start3A_745 = tpu.memref_squeeze %dma_start3A_744 : memref<1x640x128xf32, #tpu.memory_space<hbm>> -> memref<640x128xf32, #tpu.memory_space<hbm>>
      %dma_start3A_746 = arith.constant 0 : i32
      %dma_start3A_747 = tpu.memref_slice %arg9[%mul3A_8, %dma_start3A_746] : memref<10240x128xf32, #tpu.memory_space<vmem_shared>> -> memref<640x128xf32, #tpu.memory_space<vmem_shared>>
      tpu.enqueue_dma source(%dma_start3A_747 : memref<640x128xf32, #tpu.memory_space<vmem_shared>>) target(%dma_start3A_745 : memref<640x128xf32, #tpu.memory_space<hbm>>) target_semaphore(%run_scoped3A_742 : memref<!tpu.dma_semaphore, #tpu.memory_space<semaphore_mem>>)
      %dma_wait3A_748 = arith.constant 0 : i32
      %dma_wait3A_749 = tpu.memref_slice %arg5[%arg0, %mul3A_8, %dma_wait3A_748] : memref<2x10240x128xf32, #tpu.memory_space<hbm>> -> memref<1x640x128xf32, #tpu.memory_space<hbm>>
      %dma_wait3A_750 = tpu.memref_squeeze %dma_wait3A_749 : memref<1x640x128xf32, #tpu.memory_space<hbm>> -> memref<640x128xf32, #tpu.memory_space<hbm>>
      %dma_wait3A_751 = arith.constant 0 : i32
      %dma_wait3A_752 = tpu.memref_slice %arg9[%mul3A_8, %dma_wait3A_751] : memref<10240x128xf32, #tpu.memory_space<vmem_shared>> -> memref<640x128xf32, #tpu.memory_space<vmem_shared>>
      tpu.wait_dma2 semaphore(%run_scoped3A_742 : memref<!tpu.dma_semaphore, #tpu.memory_space<semaphore_mem>>) src(%dma_wait3A_752 : memref<640x128xf32, #tpu.memory_space<vmem_shared>>) dst(%dma_wait3A_750 : memref<640x128xf32, #tpu.memory_space<hbm>>)
      tpu.yield
    }) : () -> ()
    return
  }
}

module attributes {stable_mosaic.version = 14 : i64} {
  func.func @_tc_body(%arg0: i32, %arg1: memref<5000x128xf32, #tpu.memory_space<vmem>>, %arg2: memref<1x5000x128xf32, #tpu.memory_space<vmem>>, %arg3: memref<1x5000x128xf32, #tpu.memory_space<vmem>>, %arg4: memref<128x256xf32, #tpu.memory_space<vmem>>, %arg5: memref<1x256xf32, #tpu.memory_space<vmem>>, %arg6: memref<1x256xf32, #tpu.memory_space<vmem>>, %arg7: memref<1x256xf32, #tpu.memory_space<vmem>>, %arg8: memref<256x256xf32, #tpu.memory_space<vmem>>, %arg9: memref<1x256xf32, #tpu.memory_space<vmem>>, %arg10: memref<256x128xf32, #tpu.memory_space<vmem>>, %arg11: memref<1x128xf32, #tpu.memory_space<vmem>>, %arg12: memref<5000x128xf32, #tpu.memory_space<vmem>>, %arg13: memref<10000x256xf32, #tpu.memory_space<vmem>>, %arg14: memref<2x256xf32, #tpu.memory_space<vmem>>, %arg15: memref<1x256xf32, #tpu.memory_space<vmem>>, %arg16: memref<256x128xf32, #tpu.memory_space<vmem>>, %arg17: memref<1x128xf32, #tpu.memory_space<vmem>>) attributes {dimension_semantics = [#tpu.dimension_semantics<arbitrary>], iteration_bounds = array<i64: 4>, scalar_prefetch = 0 : i64, scratch_operands = 5 : i64, tpu.core_type = #tpu.core_type<tc>, window_params = [{transform_indices = @transform_0, window_bounds = array<i64: 5000, 128>}, {transform_indices = @transform_1, window_bounds = array<i64: 1, 5000, 128>}, {transform_indices = @transform_2, window_bounds = array<i64: 1, 5000, 128>}, {pipeline_mode = #tpu.pipeline_mode<synchronous>, transform_indices = @transform_3, window_bounds = array<i64: 128, 256>}, {pipeline_mode = #tpu.pipeline_mode<synchronous>, transform_indices = @transform_4, window_bounds = array<i64: 1, 256>}, {pipeline_mode = #tpu.pipeline_mode<synchronous>, transform_indices = @transform_5, window_bounds = array<i64: 1, 256>}, {pipeline_mode = #tpu.pipeline_mode<synchronous>, transform_indices = @transform_6, window_bounds = array<i64: 1, 256>}, {pipeline_mode = #tpu.pipeline_mode<synchronous>, transform_indices = @transform_7, window_bounds = array<i64: 256, 256>}, {pipeline_mode = #tpu.pipeline_mode<synchronous>, transform_indices = @transform_8, window_bounds = array<i64: 1, 256>}, {pipeline_mode = #tpu.pipeline_mode<synchronous>, transform_indices = @transform_9, window_bounds = array<i64: 256, 128>}, {pipeline_mode = #tpu.pipeline_mode<synchronous>, transform_indices = @transform_10, window_bounds = array<i64: 1, 128>}, {transform_indices = @transform_11, window_bounds = array<i64: 5000, 128>}]} {
    %lt3A = arith.constant 2 : i32
    %lt3A_0 = arith.cmpi slt, %arg0, %lt3A : i32
    %convert_element_type3A = arith.extui %lt3A_0 : i1 to i32
    %cond3A = arith.constant 0 : i32
    %cond3A_1 = arith.cmpi ne, %convert_element_type3A, %cond3A : i32
    scf.if %cond3A_1 {
      %get3A = arith.constant 0 : index
      %get3A_10 = arith.constant 0 : index
      %get3A_11 = vector.load %arg1[%get3A, %get3A_10] : memref<5000x128xf32, #tpu.memory_space<vmem>>, vector<5000x128xf32>
      %get3A_12 = arith.constant 0 : index
      %get3A_13 = arith.constant 0 : index
      %get3A_14 = arith.constant 0 : index
      %get3A_15 = vector.load %arg2[%get3A_12, %get3A_13, %get3A_14] : memref<1x5000x128xf32, #tpu.memory_space<vmem>>, vector<1x5000x128xf32>
      %get3A_16 = vector.shape_cast %get3A_15 : vector<1x5000x128xf32> to vector<5000x128xf32>
      %add3A = arith.addf %get3A_11, %get3A_16 : vector<5000x128xf32>
      %get3A_17 = arith.constant 0 : index
      %get3A_18 = arith.constant 0 : index
      %get3A_19 = arith.constant 0 : index
      %get3A_20 = vector.load %arg3[%get3A_17, %get3A_18, %get3A_19] : memref<1x5000x128xf32, #tpu.memory_space<vmem>>, vector<1x5000x128xf32>
      %get3A_21 = vector.shape_cast %get3A_20 : vector<1x5000x128xf32> to vector<5000x128xf32>
      %add3A_22 = arith.addf %add3A, %get3A_21 : vector<5000x128xf32>
      %get3A_23 = arith.constant 0 : index
      %get3A_24 = arith.constant 0 : index
      %get3A_25 = vector.load %arg4[%get3A_23, %get3A_24] : memref<128x256xf32, #tpu.memory_space<vmem>>, vector<128x256xf32>
      %dot_general3A = arith.constant dense<0.000000e+00> : vector<5000x256xf32>
      %dot_general3A_26 = tpu.matmul %add3A_22, %get3A_25, %dot_general3A {dimension_numbers = #tpu.dot_dimension_numbers<[1], [0], [0], [1], [0, 0, 1, 1], [], []>, transpose_lhs_hint = false} : vector<5000x128xf32>, vector<128x256xf32>, vector<5000x256xf32> -> vector<5000x256xf32>
      %get3A_27 = arith.constant 0 : index
      %get3A_28 = arith.constant 0 : index
      %get3A_29 = vector.load %arg5[%get3A_27, %get3A_28] : memref<1x256xf32, #tpu.memory_space<vmem>>, vector<1x256xf32>
      %add3A_30 = vector.broadcast %get3A_29 : vector<1x256xf32> to vector<5000x256xf32>
      %add3A_31 = arith.addf %dot_general3A_26, %add3A_30 : vector<5000x256xf32>
      %max3A = arith.constant 0.000000e+00 : f32
      %max3A_32 = vector.broadcast %max3A : f32 to vector<5000x256xf32>
      %max3A_33 = arith.maximumf %add3A_31, %max3A_32 : vector<5000x256xf32>
      %mul3A = arith.constant 5000 : i32
      %mul3A_34 = arith.muli %arg0, %mul3A : i32
      %swap3A = arith.index_cast %mul3A_34 : i32 to index
      %swap3A_35 = arith.constant 0 : index
      %swap3A_36 = vector.load %arg13[%swap3A, %swap3A_35] : memref<10000x256xf32, #tpu.memory_space<vmem>>, vector<5000x256xf32>
      tpu.vector_store %arg13[%swap3A, %swap3A_35], %max3A_33 {strides = array<i32>} : memref<10000x256xf32, #tpu.memory_space<vmem>>, vector<5000x256xf32>,
      %reduce_sum3A = arith.constant dense<0.000000e+00> : vector<256xf32>
      %reduce_sum3A_37 = vector.multi_reduction <add>, %max3A_33, %reduce_sum3A [0] : vector<5000x256xf32> to vector<256xf32>
      %broadcast_in_dim3A = vector.shape_cast %reduce_sum3A_37 : vector<256xf32> to vector<1x256xf32>
      %mul3A_38 = arith.mulf %max3A_33, %max3A_33 : vector<5000x256xf32>
      %reduce_sum3A_39 = arith.constant dense<0.000000e+00> : vector<256xf32>
      %reduce_sum3A_40 = vector.multi_reduction <add>, %mul3A_38, %reduce_sum3A_39 [0] : vector<5000x256xf32> to vector<256xf32>
      %broadcast_in_dim3A_41 = vector.shape_cast %reduce_sum3A_40 : vector<256xf32> to vector<1x256xf32>
      %concatenate3A = tpu.concatenate %broadcast_in_dim3A, %broadcast_in_dim3A_41 in 0 : vector<1x256xf32>, vector<1x256xf32> -> vector<2x256xf32>
      %eq3A_42 = arith.constant 0 : i32
      %eq3A_43 = arith.cmpi eq, %arg0, %eq3A_42 : i32
      %convert_element_type3A_44 = arith.extui %eq3A_43 : i1 to i32
      %cond3A_45 = arith.constant 0 : i32
      %cond3A_46 = arith.cmpi ne, %convert_element_type3A_44, %cond3A_45 : i32
      scf.if %cond3A_46 {
        %swap3A_51 = arith.constant 0 : index
        %swap3A_52 = arith.constant 0 : index
        %swap3A_53 = vector.load %arg14[%swap3A_51, %swap3A_52] : memref<2x256xf32, #tpu.memory_space<vmem>>, vector<2x256xf32>
        tpu.vector_store %arg14[%swap3A_51, %swap3A_52], %concatenate3A {strides = array<i32>} : memref<2x256xf32, #tpu.memory_space<vmem>>, vector<2x256xf32>,
      } else {
      }
      %gt3A = arith.constant 0 : i32
      %gt3A_47 = arith.cmpi sgt, %arg0, %gt3A : i32
      %convert_element_type3A_48 = arith.extui %gt3A_47 : i1 to i32
      %cond3A_49 = arith.constant 0 : i32
      %cond3A_50 = arith.cmpi ne, %convert_element_type3A_48, %cond3A_49 : i32
      scf.if %cond3A_50 {
        %get3A_51 = arith.constant 0 : index
        %get3A_52 = arith.constant 0 : index
        %get3A_53 = vector.load %arg14[%get3A_51, %get3A_52] : memref<2x256xf32, #tpu.memory_space<vmem>>, vector<2x256xf32>
        %add3A_54 = arith.addf %get3A_53, %concatenate3A : vector<2x256xf32>
        %swap3A_55 = arith.constant 0 : index
        %swap3A_56 = arith.constant 0 : index
        %swap3A_57 = vector.load %arg14[%swap3A_55, %swap3A_56] : memref<2x256xf32, #tpu.memory_space<vmem>>, vector<2x256xf32>
        tpu.vector_store %arg14[%swap3A_55, %swap3A_56], %add3A_54 {strides = array<i32>} : memref<2x256xf32, #tpu.memory_space<vmem>>, vector<2x256xf32>,
      } else {
      }
    } else {
    }
    %eq3A = arith.constant 2 : i32
    %eq3A_2 = arith.cmpi eq, %arg0, %eq3A : i32
    %convert_element_type3A_3 = arith.extui %eq3A_2 : i1 to i32
    %cond3A_4 = arith.constant 0 : i32
    %cond3A_5 = arith.cmpi ne, %convert_element_type3A_3, %cond3A_4 : i32
    scf.if %cond3A_5 {
      %get3A = arith.constant 0 : index
      %get3A_10 = arith.constant 0 : index
      %get3A_11 = vector.load %arg14[%get3A, %get3A_10] : memref<2x256xf32, #tpu.memory_space<vmem>>, vector<1x256xf32>
      %mul3A = arith.constant 9.99999974E-5 : f32
      %mul3A_12 = vector.broadcast %mul3A : f32 to vector<1x256xf32>
      %mul3A_13 = arith.mulf %get3A_11, %mul3A_12 : vector<1x256xf32>
      %get3A_14 = arith.constant 1 : index
      %get3A_15 = arith.constant 0 : index
      %get3A_16 = vector.load %arg14[%get3A_14, %get3A_15] : memref<2x256xf32, #tpu.memory_space<vmem>>, vector<1x256xf32>
      %mul3A_17 = arith.constant 9.99999974E-5 : f32
      %mul3A_18 = vector.broadcast %mul3A_17 : f32 to vector<1x256xf32>
      %mul3A_19 = arith.mulf %get3A_16, %mul3A_18 : vector<1x256xf32>
      %mul3A_20 = arith.mulf %mul3A_13, %mul3A_13 : vector<1x256xf32>
      %sub3A = arith.subf %mul3A_19, %mul3A_20 : vector<1x256xf32>
      %get3A_21 = arith.constant 0 : index
      %get3A_22 = arith.constant 0 : index
      %get3A_23 = vector.load %arg6[%get3A_21, %get3A_22] : memref<1x256xf32, #tpu.memory_space<vmem>>, vector<1x256xf32>
      %add3A = arith.constant 9.99999974E-6 : f32
      %add3A_24 = vector.broadcast %add3A : f32 to vector<1x256xf32>
      %add3A_25 = arith.addf %sub3A, %add3A_24 : vector<1x256xf32>
      %rsqrt3A = math.rsqrt %add3A_25 : vector<1x256xf32>
      %mul3A_26 = arith.mulf %get3A_23, %rsqrt3A : vector<1x256xf32>
      %get3A_27 = arith.constant 0 : index
      %get3A_28 = arith.constant 0 : index
      %get3A_29 = vector.load %arg7[%get3A_27, %get3A_28] : memref<1x256xf32, #tpu.memory_space<vmem>>, vector<1x256xf32>
      %mul3A_30 = arith.mulf %mul3A_13, %mul3A_26 : vector<1x256xf32>
      %sub3A_31 = arith.subf %get3A_29, %mul3A_30 : vector<1x256xf32>
      %get3A_32 = arith.constant 0 : index
      %get3A_33 = arith.constant 0 : index
      %get3A_34 = vector.load %arg8[%get3A_32, %get3A_33] : memref<256x256xf32, #tpu.memory_space<vmem>>, vector<256x256xf32>
      %dot_general3A = arith.constant dense<0.000000e+00> : vector<1x256xf32>
      %dot_general3A_35 = tpu.matmul %sub3A_31, %get3A_34, %dot_general3A {dimension_numbers = #tpu.dot_dimension_numbers<[1], [0], [0], [1], [0, 0, 1, 1], [], []>, transpose_lhs_hint = false} : vector<1x256xf32>, vector<256x256xf32>, vector<1x256xf32> -> vector<1x256xf32>
      %get3A_36 = arith.constant 0 : index
      %get3A_37 = arith.constant 0 : index
      %get3A_38 = vector.load %arg9[%get3A_36, %get3A_37] : memref<1x256xf32, #tpu.memory_space<vmem>>, vector<1x256xf32>
      %add3A_39 = arith.addf %dot_general3A_35, %get3A_38 : vector<1x256xf32>
      %get3A_40 = arith.constant 0 : index
      %get3A_41 = arith.constant 0 : index
      %get3A_42 = vector.load %arg10[%get3A_40, %get3A_41] : memref<256x128xf32, #tpu.memory_space<vmem>>, vector<256x128xf32>
      %dot_general3A_43 = arith.constant dense<0.000000e+00> : vector<1x128xf32>
      %dot_general3A_44 = tpu.matmul %add3A_39, %get3A_42, %dot_general3A_43 {dimension_numbers = #tpu.dot_dimension_numbers<[1], [0], [0], [1], [0, 0, 1, 1], [], []>, transpose_lhs_hint = false} : vector<1x256xf32>, vector<256x128xf32>, vector<1x128xf32> -> vector<1x128xf32>
      %get3A_45 = arith.constant 0 : index
      %get3A_46 = arith.constant 0 : index
      %get3A_47 = vector.load %arg11[%get3A_45, %get3A_46] : memref<1x128xf32, #tpu.memory_space<vmem>>, vector<1x128xf32>
      %add3A_48 = arith.addf %dot_general3A_44, %get3A_47 : vector<1x128xf32>
      %swap3A = arith.constant 0 : index
      %swap3A_49 = arith.constant 0 : index
      %swap3A_50 = vector.load %arg15[%swap3A, %swap3A_49] : memref<1x256xf32, #tpu.memory_space<vmem>>, vector<1x256xf32>
      tpu.vector_store %arg15[%swap3A, %swap3A_49], %mul3A_26 {strides = array<i32>} : memref<1x256xf32, #tpu.memory_space<vmem>>, vector<1x256xf32>,
      %get3A_51 = arith.constant 0 : index
      %get3A_52 = arith.constant 0 : index
      %get3A_53 = vector.load %arg8[%get3A_51, %get3A_52] : memref<256x256xf32, #tpu.memory_space<vmem>>, vector<256x256xf32>
      %get3A_54 = arith.constant 0 : index
      %get3A_55 = arith.constant 0 : index
      %get3A_56 = vector.load %arg10[%get3A_54, %get3A_55] : memref<256x128xf32, #tpu.memory_space<vmem>>, vector<256x128xf32>
      %dot_general3A_57 = arith.constant dense<0.000000e+00> : vector<256x128xf32>
      %dot_general3A_58 = tpu.matmul %get3A_53, %get3A_56, %dot_general3A_57 {dimension_numbers = #tpu.dot_dimension_numbers<[1], [0], [0], [1], [0, 0, 1, 1], [], []>, transpose_lhs_hint = false} : vector<256x256xf32>, vector<256x128xf32>, vector<256x128xf32> -> vector<256x128xf32>
      %swap3A_59 = arith.constant 0 : index
      %swap3A_60 = arith.constant 0 : index
      %swap3A_61 = vector.load %arg16[%swap3A_59, %swap3A_60] : memref<256x128xf32, #tpu.memory_space<vmem>>, vector<256x128xf32>
      tpu.vector_store %arg16[%swap3A_59, %swap3A_60], %dot_general3A_58 {strides = array<i32>} : memref<256x128xf32, #tpu.memory_space<vmem>>, vector<256x128xf32>,
      %swap3A_62 = arith.constant 0 : index
      %swap3A_63 = arith.constant 0 : index
      %swap3A_64 = vector.load %arg17[%swap3A_62, %swap3A_63] : memref<1x128xf32, #tpu.memory_space<vmem>>, vector<1x128xf32>
      tpu.vector_store %arg17[%swap3A_62, %swap3A_63], %add3A_48 {strides = array<i32>} : memref<1x128xf32, #tpu.memory_space<vmem>>, vector<1x128xf32>,
    } else {
    }
    %ge3A = arith.constant 2 : i32
    %ge3A_6 = arith.cmpi sge, %arg0, %ge3A : i32
    %convert_element_type3A_7 = arith.extui %ge3A_6 : i1 to i32
    %cond3A_8 = arith.constant 0 : i32
    %cond3A_9 = arith.cmpi ne, %convert_element_type3A_7, %cond3A_8 : i32
    scf.if %cond3A_9 {
      %sub3A = arith.constant 2 : i32
      %sub3A_10 = arith.subi %arg0, %sub3A : i32
      %mul3A = arith.constant 5000 : i32
      %mul3A_11 = arith.muli %sub3A_10, %mul3A : i32
      %get3A = arith.index_cast %mul3A_11 : i32 to index
      %get3A_12 = arith.constant 0 : index
      %get3A_13 = vector.load %arg13[%get3A, %get3A_12] : memref<10000x256xf32, #tpu.memory_space<vmem>>, vector<5000x256xf32>
      %get3A_14 = arith.constant 0 : index
      %get3A_15 = arith.constant 0 : index
      %get3A_16 = vector.load %arg15[%get3A_14, %get3A_15] : memref<1x256xf32, #tpu.memory_space<vmem>>, vector<1x256xf32>
      %mul3A_17 = vector.broadcast %get3A_16 : vector<1x256xf32> to vector<5000x256xf32>
      %mul3A_18 = arith.mulf %get3A_13, %mul3A_17 : vector<5000x256xf32>
      %get3A_19 = arith.constant 0 : index
      %get3A_20 = arith.constant 0 : index
      %get3A_21 = vector.load %arg16[%get3A_19, %get3A_20] : memref<256x128xf32, #tpu.memory_space<vmem>>, vector<256x128xf32>
      %dot_general3A = arith.constant dense<0.000000e+00> : vector<5000x128xf32>
      %dot_general3A_22 = tpu.matmul %mul3A_18, %get3A_21, %dot_general3A {dimension_numbers = #tpu.dot_dimension_numbers<[1], [0], [0], [1], [0, 0, 1, 1], [], []>, transpose_lhs_hint = false} : vector<5000x256xf32>, vector<256x128xf32>, vector<5000x128xf32> -> vector<5000x128xf32>
      %get3A_23 = arith.constant 0 : index
      %get3A_24 = arith.constant 0 : index
      %get3A_25 = vector.load %arg17[%get3A_23, %get3A_24] : memref<1x128xf32, #tpu.memory_space<vmem>>, vector<1x128xf32>
      %add3A = vector.broadcast %get3A_25 : vector<1x128xf32> to vector<5000x128xf32>
      %add3A_26 = arith.addf %dot_general3A_22, %add3A : vector<5000x128xf32>
      %swap3A = arith.constant 0 : index
      %swap3A_27 = arith.constant 0 : index
      %swap3A_28 = vector.load %arg12[%swap3A, %swap3A_27] : memref<5000x128xf32, #tpu.memory_space<vmem>>, vector<5000x128xf32>
      tpu.vector_store %arg12[%swap3A, %swap3A_27], %add3A_26 {strides = array<i32>} : memref<5000x128xf32, #tpu.memory_space<vmem>>, vector<5000x128xf32>,
    } else {
    }
    return
  }
  func.func @transform_0(%arg0: i32) -> (i32, i32) {
    %min3A = arith.constant 1 : i32
    %min3A_0 = arith.minsi %arg0, %min3A : i32
    %c0_i32 = arith.constant 0 : i32
    %c0_i32_1 = arith.constant 0 : i32
    return %min3A_0, %c0_i32 : i32, i32
  }
  func.func @transform_1(%arg0: i32) -> (i32, i32, i32) {
    %min3A = arith.constant 1 : i32
    %min3A_0 = arith.minsi %arg0, %min3A : i32
    %c0_i32 = arith.constant 0 : i32
    %c0_i32_1 = arith.constant 0 : i32
    %c0_i32_2 = arith.constant 0 : i32
    return %c0_i32, %min3A_0, %c0_i32_1 : i32, i32, i32
  }
  func.func @transform_2(%arg0: i32) -> (i32, i32, i32) {
    %min3A = arith.constant 1 : i32
    %min3A_0 = arith.minsi %arg0, %min3A : i32
    %c1_i32 = arith.constant 1 : i32
    %c0_i32 = arith.constant 0 : i32
    %c0_i32_1 = arith.constant 0 : i32
    return %c1_i32, %min3A_0, %c0_i32 : i32, i32, i32
  }
  func.func @transform_3(%arg0: i32) -> (i32, i32) {
    %c0_i32 = arith.constant 0 : i32
    %c0_i32_0 = arith.constant 0 : i32
    %c0_i32_1 = arith.constant 0 : i32
    return %c0_i32, %c0_i32_0 : i32, i32
  }
  func.func @transform_4(%arg0: i32) -> (i32, i32) {
    %c0_i32 = arith.constant 0 : i32
    %c0_i32_0 = arith.constant 0 : i32
    %c0_i32_1 = arith.constant 0 : i32
    return %c0_i32, %c0_i32_0 : i32, i32
  }
  func.func @transform_5(%arg0: i32) -> (i32, i32) {
    %c0_i32 = arith.constant 0 : i32
    %c0_i32_0 = arith.constant 0 : i32
    %c0_i32_1 = arith.constant 0 : i32
    return %c0_i32, %c0_i32_0 : i32, i32
  }
  func.func @transform_6(%arg0: i32) -> (i32, i32) {
    %c0_i32 = arith.constant 0 : i32
    %c0_i32_0 = arith.constant 0 : i32
    %c0_i32_1 = arith.constant 0 : i32
    return %c0_i32, %c0_i32_0 : i32, i32
  }
  func.func @transform_7(%arg0: i32) -> (i32, i32) {
    %c0_i32 = arith.constant 0 : i32
    %c0_i32_0 = arith.constant 0 : i32
    %c0_i32_1 = arith.constant 0 : i32
    return %c0_i32, %c0_i32_0 : i32, i32
  }
  func.func @transform_8(%arg0: i32) -> (i32, i32) {
    %c0_i32 = arith.constant 0 : i32
    %c0_i32_0 = arith.constant 0 : i32
    %c0_i32_1 = arith.constant 0 : i32
    return %c0_i32, %c0_i32_0 : i32, i32
  }
  func.func @transform_9(%arg0: i32) -> (i32, i32) {
    %c0_i32 = arith.constant 0 : i32
    %c0_i32_0 = arith.constant 0 : i32
    %c0_i32_1 = arith.constant 0 : i32
    return %c0_i32, %c0_i32_0 : i32, i32
  }
  func.func @transform_10(%arg0: i32) -> (i32, i32) {
    %c0_i32 = arith.constant 0 : i32
    %c0_i32_0 = arith.constant 0 : i32
    %c0_i32_1 = arith.constant 0 : i32
    return %c0_i32, %c0_i32_0 : i32, i32
  }
  func.func @transform_11(%arg0: i32) -> (i32, i32) {
    %sub3A = arith.constant 2 : i32
    %sub3A_0 = arith.subi %arg0, %sub3A : i32
    %max3A = arith.constant 0 : i32
    %max3A_1 = arith.maxsi %sub3A_0, %max3A : i32
    %c0_i32 = arith.constant 0 : i32
    %c0_i32_2 = arith.constant 0 : i32
    return %max3A_1, %c0_i32 : i32, i32
  }
}

</mosaic_0001>

<sc_bundles>
// kernel: kernel.4.cloned.1.call-start
scs
__scs_entry_jumppad:
0x0: {  	(pc) =	sbr.rel $0x88, $3  }
0x1: {  	(tag) =	ssettag $0x0;
	lr =	simm.s32 $0x1  }
0x2: {  	[smem:$0x3F97] =	sst lr;
	_ =	strace $0xD0000000  }
0x3: {  	_ = 	snop  }
0x4: {  	_ = 	snop  }
0x5: {  	_ = 	snop  }
0x6: {  	_ = 	snop  }
0x7: {  	_ = 	snop  }
__scs_overlays_trampoline_lowered:
0x8: {  	[smem:$0x3FA6] =	sst s0  }
0x9: {  	[smem:$0x3FA7] =	sst s1  }
0xa: {  	[smem:$0x3FA8] =	sst s2  }
0xb: {  	[smem:$0x3FA9] =	sst s3  }
0xc: {  	[smem:$0x3FAA] =	sst s4  }
0xd: {  	[smem:$0x3FAB] =	sst s5  }
0xe: {  	[smem:$0x3FAC] =	sst s6  }
0xf: {  	[smem:$0x3FAD] =	sst s7  }
0x10: {  	[smem:$0x3FAE] =	sst s8  }
0x11: {  	[smem:$0x3FAF] =	sst s9;
	s0 =	simm.s32 @!p0 $0x0  }
0x12: {  	s1 =	sld [smem:$0x3F95];
	s0 =	simm.s32 @p0 $0x1  }
0x13: {  	[smem:$0x3FB0] =	sst s0;
	s0 =	simm.s32 @!p1 $0x0  }
0x14: {  	s2 =	sld [smem:$0x3F94];
	s0 =	simm.s32 @p1 $0x1  }
0x15: {  	[smem:$0x3FB1] =	sst s0;
	s0 =	simm.s32 @!p2 $0x0  }
0x16: {  	s3 =	sld [smem:$0x3FDB];
	s0 =	simm.s32 @p2 $0x1  }
0x17: {  	s4 =	simm.s32 $0x1BF5;
	[smem:$0x3FB3] =	sst s0  }
0x18: {  	s0 =	sld [smem:$0x3F96];
	_ =	swait.ge [sflag:s4], $0x0  }
0x19: {  	s7 =	sld [smem:$0x3F97]  }
0x1a: {  	s8 =	sadd.s32 $0xFFFFE003, lr  }
0x1b: {  	s9 =	sadd.s32 $0xFFFFFEF7, lr;
	s5 =	simm.s32 $0xFFFFFFFF;
	p2 =	slt.u32 s8, $0xFFFFF086  }
0x1c: {  	p1 =	slt.u32 s9, $0xF7A;
	s5 =	simm.s32 @!p2 $0x0  }
0x1d: {  	s5 =	simm.s32 @p1 $0x1;
	p0 =	seq.s32 s7, s2  }
0x1e: {  	s7 =	smul.u32 @!p0 $0xF7A, s2;
	p2 =	seq.s32 @!p0 s5, $0x0  }
0x1f: {  	s9 =	smul.u32 $0xF7A, s1;
	s8 =	simm.s32 @!p0 $0x1BF5;
	p2 =	por !p2, p0  }
0x20: {  	[sflag:s8] =	ssyncset.s32 @!p0 $0xFFFFF086;
	s6 =	sadd.s32 @!p0 s3, s7;
	s7 =	simm.s32 @!p0 $0x108  }
0x21: {  	s3 =	sadd.s32 s3, s9;
	s6 =	sadd.s32 @!p0 $0x88, s6;
	s7 =	simm.s32 @p2 $0x1082  }
0x22: {  	[simem:s7], [sflag:s8] =	dma.local @!p0 [hbm:s6], $0xF7A  }
0x23: {  	s9 =	sor.u32 $0xD0000000, s2;
	s6 =	simm.s32 $0x108;
	_ =	swait.ge @!p0 [sflag:s8], $0x0  }
0x24: {  	s3 =	sadd.s32 $0x88, s3;
	s6 =	simm.s32 @!p1 $0x1082;
	[sflag:s4] =	ssyncset.s32 $0xFFFFF086  }
0x25: {  	[simem:s6], [sflag:s4] =	dma.local [hbm:s3], $0xF7A  }
0x26: {  	[smem:$0x3F97] =	sst s1;
	(tag) =	ssettag s2;
	_ =	strace s9  }
0x27: {  	s1 =	sld [smem:$0x3FA7]  }
0x28: {  	s2 =	sld [smem:$0x3FA8]  }
0x29: {  	s4 =	sld [smem:$0x3FAA]  }
0x2a: {  	p0 =	seq.s32 s5, $0x0;
	s5 =	sld [smem:$0x3FAB]  }
0x2b: {  	s6 =	sld [smem:$0x3FAC]  }
0x2c: {  	s7 =	sld [smem:$0x3FAD]  }
0x2d: {  	s3 =	simm.s32 $0x108;
	s8 =	sld [smem:$0x3FAE]  }
0x2e: {  	s3 =	simm.s32 @!p0 $0x1082;
	s9 =	sld [smem:$0x3FAF]  }
0x2f: {  	lr =	sadd.s32 s0, s3;
	s0 =	sld [smem:$0x3FA6]  }
0x30: {  	s3 =	sld [smem:$0x3FA9]  }
0x31: {  	[smem:$0x3FB2] =	sst s10  }
0x32: {  	s10 =	sld [smem:$0x3FB0];
	_ =	sdelay $0x3  }
0x33: {  	p0 =	seq.s32 s10, $0x1;
	s10 =	sld [smem:$0x3FB2];
	_ =	sdelay $0x3  }
0x34: {  	[smem:$0x3FB2] =	sst s10  }
0x35: {  	s10 =	sld [smem:$0x3FB1];
	_ =	sdelay $0x3  }
0x36: {  	p1 =	seq.s32 s10, $0x1;
	s10 =	sld [smem:$0x3FB2];
	_ =	sdelay $0x3  }
0x37: {  	[smem:$0x3FB2] =	sst s10  }
0x38: {  	s10 =	sld [smem:$0x3FB3]  }
0x39: {  	_ = 	snop;
	(pc) =	sbr.ind lr, $3  }
0x3a: {  	_ = 	snop  }
0x3b: {  	_ = 	snop  }
0x3c: {  	p2 =	seq.s32 s10, $0x1;
	s10 =	sld [smem:$0x3FB2]  }
0x3d: {  	_ =	shalt  }
0x3e: {  	_ =	shalt  }
0x3f: {  	_ =	shalt  }
0x40: {  	_ =	shalt  }
0x41: {  	_ =	shalt  }
0x42: {  	_ =	shalt  }
0x43: {  	_ =	shalt  }
0x44: {  	_ =	shalt  }
0x45: {  	_ =	shalt  }
0x46: {  	_ =	shalt  }
0x47: {  	_ =	shalt  }
0x48: {  	_ =	shalt  }
0x49: {  	_ =	shalt  }
0x4a: {  	_ =	shalt  }
0x4b: {  	_ =	shalt  }
0x4c: {  	_ =	shalt  }
0x4d: {  	_ =	shalt  }
0x4e: {  	_ =	shalt  }
0x4f: {  	_ =	shalt  }
0x50: {  	_ =	shalt  }
0x51: {  	_ =	shalt  }
0x52: {  	_ =	shalt  }
0x53: {  	_ =	shalt  }
0x54: {  	_ =	shalt  }
0x55: {  	_ =	shalt  }
0x56: {  	_ =	shalt  }
0x57: {  	_ =	shalt  }
0x58: {  	_ =	shalt  }
0x59: {  	_ =	shalt  }
0x5a: {  	_ =	shalt  }
0x5b: {  	_ =	shalt  }
0x5c: {  	_ =	shalt  }
0x5d: {  	_ =	shalt  }
0x5e: {  	_ =	shalt  }
0x5f: {  	_ =	shalt  }
0x60: {  	_ =	shalt  }
0x61: {  	_ =	shalt  }
0x62: {  	_ =	shalt  }
0x63: {  	_ =	shalt  }
0x64: {  	_ =	shalt  }
0x65: {  	_ =	shalt  }
0x66: {  	_ =	shalt  }
0x67: {  	_ =	shalt  }
0x68: {  	_ =	shalt  }
0x69: {  	_ =	shalt  }
0x6a: {  	_ =	shalt  }
0x6b: {  	_ =	shalt  }
0x6c: {  	_ =	shalt  }
0x6d: {  	_ =	shalt  }
0x6e: {  	_ =	shalt  }
0x6f: {  	_ =	shalt  }
0x70: {  	_ =	shalt  }
0x71: {  	_ =	shalt  }
0x72: {  	_ =	shalt  }
0x73: {  	_ =	shalt  }
0x74: {  	_ =	shalt  }
0x75: {  	_ =	shalt  }
0x76: {  	_ =	shalt  }
0x77: {  	_ =	shalt  }
0x78: {  	_ =	shalt  }
0x79: {  	_ =	shalt  }
0x7a: {  	_ =	shalt  }
0x7b: {  	_ =	shalt  }
0x7c: {  	_ =	shalt  }
0x7d: {  	_ =	shalt  }
0x7e: {  	_ =	shalt  }
0x7f: {  	_ =	shalt  }
0x80: {  	_ =	shalt  }
0x81: {  	_ =	shalt  }
0x82: {  	_ =	shalt  }
0x83: {  	_ =	shalt  }
0x84: {  	_ =	shalt  }
0x85: {  	_ =	shalt  }
0x86: {  	_ =	shalt  }
0x87: {  	_ =	shalt  }
.Lfunc_end0:
.L_simem_size_0:
called_computation_lowered:
.L_overlay_start_0:
0x88: {  	s2 =	sld [smem:$0x3FD9]  }
0x89: {  	s3 =	sld [smem:$0x3FFE];
	_ =	sdelay $0x1  }
0x8a: {  	s1 =	srdreg.scid  }
0x8b: {  	s0 =	sand.u32 $0x1, s1  }
0x8c: {  	s17 =	sshll.u32 s0, $0xA;
	s2 =	sadd.s32 s3, s2  }
0x8d: {  	s2 =	sadd.s32 s2, s17  }
0x8e: {  	[smem:$0x3FBE] =	sst s2  }
0x8f: {  	_ = 	snop  }
0x90: {  	s2 =	sld [smem:$0x3FC9]  }
0x91: {  	s18 =	sld [smem:$0x3FD0];
	(tm) =	ssettm $0x1  }
0x92: {  	s4 =	sld [smem:$0x3FFB];
	_ =	sdelay $0x3  }
0x93: {  	_ =	strace s4  }
0x94: {  	s4 =	sld [smem:$0x3FFC];
	_ =	sdelay $0x3  }
0x95: {  	_ =	strace s4  }
0x96: {  	s4 =	sld [smem:$0x3FFD];
	_ =	sdelay $0x3  }
0x97: {  	_ =	strace s4  }
0x98: {  	_ =	strace $0x8FFFFFFF  }
0x99: {  	s19 =	sld [smem:$0x3FDB];
	_ =	sdelay $0x1  }
0x9a: {  	s5 =	simm.s32 $_scs_section_size  }
0x9b: {  	s6 =	simm.s32 $_size__tile_overlayer_lowered;
	s7 =	simm.s32 $_tile_overlayer_lowered  }
0x9c: {  	s22 =	simm.s32 $0x1BFF;
	s21 =	sshll.u32 s7, $0x1;
	s4 =	sadd.s32 s5, s19  }
0x9d: {  	s8 =	simm.s32 $0x0;
	s20 =	sshll.u32 s6, $0x1;
	s6 =	sadd.s32 s21, s4  }
0x9e: {  	[timem:s8], [sflag:s22] =	dma.local [hbm:s6], s20  }
0x9f: {  	_ =	swait.ge [sflag:s22], s20  }
0xa0: {  	s5 =	ssub.s32 $0x0, s20;
	[sflag:s22] =	ssyncset.done $0x0  }
0xa1: {  	[sflag:s22] =	ssyncadd.s32 s5;
	_ =	sdelay $0x1  }
0xa2: {  	s23 =	simm.s32 $0x1B8B  }
0xa3: {  	_ =	swait.ge [sflag:s23], $0x1  }
0xa4: {  	[sflag:s23] =	ssyncset.done $0x0  }
0xa5: {  	s25 =	simm.s32 $0x1B8E;
	s24 =	sld [smem:$0x3FFE];
	[sflag:s23] =	ssyncadd.s32 $0xFFFFFFFF  }
0xa6: {  	s26 =	simm.s32 $execute0_lowered;
	[smem:$0x3FD2] =	sst s25  }
0xa7: {  	s6 =	sshll.u32 s26, $0x1;
	_ =	strace $0x80000046;
	[dreg:$0x1] =	wrdreg $0xFFFFFFFF  }
0xa8: {  	s28 =	simm.s32 $_size_execute0_lowered;
	s4 =	sadd.s32 s4, s6;
	[dreg:$0x0] =	wrdreg $0x0  }
0xa9: {  	s6 =	sshll.u32 s28, $0x1;
	[dreg:$0x2] =	wrdreg s4  }
0xaa: {  	[dreg:$0x3] =	wrdreg s6  }
0xab: {  	[dreg:$0x4] =	wrdreg $0xC0  }
0xac: {  	_ =	task [dreg:s8], $0x5FFFF  }
0xad: {  	[dreg:$0x1] =	wrdreg $0xFFFFFFFF  }
0xae: {  	[dreg:$0x0] =	wrdreg $0x60  }
0xaf: {  	[dreg:$0x2] =	wrdreg s2  }
0xb0: {  	[dreg:$0x3] =	wrdreg s18  }
0xb1: {  	[dreg:$0x4] =	wrdreg s24  }
0xb2: {  	[dreg:$0x5] =	wrdreg $0xB8000  }
0xb3: {  	[dreg:$0x6] =	wrdreg $0x9  }
0xb4: {  	_ =	task.clear_ibuf [dreg:s8], $0x7FFFF;
	_ =	strace $0x90000046  }
0xb5: {  	s29 =	simm.s32 $0x9;
	_ =	strace $0x80000048  }
0xb6: {  	_ =	swait.ge [sflag:s29], $0x1  }
0xb7: {  	[sflag:s29] =	ssyncadd.s32 $0xFFFFFFFF  }
0xb8: {  	_ =	strace $0x90000048  }
0xb9: {  	_ =	sfence  }
0xba: {  	s30 =	sld [smem:$0x0];
	_ =	sdelay $0x2  }
0xbb: {  	s31 =	sshll.u32 s1, $0xD;
	s1 =	sshrl.u32 s1, $0x2  }
0xbc: {  	s3 =	sand.u32 $0x4000, s31;
	s1 =	sadd.s32 s1, s30  }
0xbd: {  	s0 =	sor.u32 s3, s0;
	s1 =	sshll.u32 s1, $0x11  }
0xbe: {  	s0 =	sor.u32 s1, s0  }
0xbf: {  	s0 =	sadd.s32 $0x8F2B, s0  }
0xc0: {  	[sflag:s0] =	ssyncadd.remote.s32 $0x1  }
0xc1: {  	_ =	sfence.sel $0xFFFF  }
0xc2: {  	[dreg:$0x0] =	wrdreg $0xFFFFFFFF;
	(pc) =	sbr.abs _section_cstart, $3  }
0xc3: {  	[dreg:$0x1] =	wrdreg $0xFFFFFFFF  }
0xc4: {  	_ =	task.clear_ibuf [dreg:s8], $0x2FFFF;
	_ =	strace $0x9FFFFFFF  }
0xc5: {  	(tm) =	ssettm $0x7FFFFFFF  }
tec
execute0_lowered:
.L_overlay_start_1:
0x0: {  	(tag) =	ssettag $0x1  }
0x1: {  	s1 =	rddreg [dreg:$0x0]  }
0x2: {  	s0 =	rddreg [dreg:$0x1]  }
0x3: {  	s3 =	rddreg [dreg:$0x2]  }
0x4: {  	s2 =	rddreg [dreg:$0x3]  }
0x5: {  	s4 =	srdreg.scid;
	s9 =	stileid.u32;
	s28 =	simm.s32 $0x7400  }
0x6: {  	s29 =	simm.s32 $0xB;
	s30 =	simm.s32 $0xC;
	s7 =	smul.u32 $0x14000, s9  }
0x7: {  	s31 =	simm.s32 $0x7;
	s5 =	sand.u32 $0x1, s4;
	s19 =	smul.u32 $0x50000, s9  }
0x8: {  	s4 =	simm.s32 $0x0;
	s15 =	sadd.s32 $0x1600, s3;
	s6 =	smul.u32 $0x140000, s5  }
0x9: {  	[smem:$0x7FF] =	sst s4;
	s8 =	sshll.u32 s5, $0x4;
	s5 =	ssub.s32 $0x2, s5  }
0xa: {  	_ =	strace $0x80000047;
	s18 =	sor.u32 s9, s8;
	s20 =	sshrl.u32 s5, $0x1  }
0xb: {  	s8 =	sshrl.u32 s19, $0x2;
	s6 =	sadd.s32 s7, s6;
	s7 =	smul.u32 $0x8C00, s18  }
0xc: {  	s19 =	simm.s32 $0xD;
	s18 =	simm.s32 $0xB000;
	s6 =	sshrl.u32 s6, $0x3  }
0xd: {  	s3 =	sadd.s32 s6, s3;
	s6 =	ssub.s32 s5, s20;
	s7 =	sshrl.u32 s7, $0x3  }
0xe: {  	s5 =	sadd.s32 s8, s2;
	s20 =	simm.s32 $0x28;
	s21 =	sadd.s32 s0, s7  }
0xf: {  	s22 =	sadd.s32 s15, s7;
	s23 =	sadd.s32 $0x380, s7;
	s11 =	sadd.s32 $0x700, s7  }
0x10: {  	s13 =	sadd.s32 $0xA80, s7;
	s7 =	sadd.s32 $0xE00, s7;
	[dreg:$0x5] =	wrdreg s21  }
0x11: {  	s16 =	sadd.s32 $0x24600, s3;
	s17 =	smax.u32 s6, $0x1;
	[dreg:$0x6] =	wrdreg s22  }
0x12: {  	s24 =	sadd.s32 s0, s23;
	s25 =	sadd.s32 s15, s23;
	s26 =	sadd.s32 s0, s11  }
0x13: {  	s11 =	sadd.s32 s15, s11;
	s12 =	sadd.s32 s0, s13;
	s13 =	sadd.s32 s15, s13  }
0x14: {  	s14 =	sadd.s32 s0, s7;
	s15 =	sadd.s32 s15, s7;
	[dreg:$0x7] =	wrdreg s24  }
0x15: {  	s21 =	simm.s32 $0x3800;
	s22 =	simm.s32 $0x80;
	[dreg:$0x8] =	wrdreg s25  }
0x16: {  	s23 =	simm.s32 $0x4C00;
	s0 =	simm.s32 $0x8;
	[dreg:$0x9] =	wrdreg s26  }
0x17: {  	v0 =	vimm.f32 $0.0e+00;
	s24 =	simm.s32 $0x100;
	s25 =	simm.s32 $0x6000;
	s26 =	simm.s32 $0x180  }
.LBB2_1:
0x18: {  	s3 =	simm.s32 $0x0;
	s6 =	simm.s32 $0x0  }
.LBB2_2:
0x19: {  	p0 =	sne.s32 s6, $0x1FC0  }
.Ltmp0:
0x1a: {  	_ = 	snop;
	(pc) =	sbr.rel @p0 .LBB2_2-.Ltmp0, $4  }
0x1b: {  	s7 =	sand.u32 $0x1E00, s6  }
0x1c: {  	s8 =	sand.u32 $0x70, s3;
	s7 =	sshrl.u32 s7, $0x2  }
0x1d: {  	s7 =	sor.u32 s8, s7  }
0x1e: {  	s3 =	sadd.s32 $0x10, s3;
	s6 =	sadd.s32 $0x40, s6;
	[tilespmem:s7+$0xB000] =	vst v0  }
0x1f: {  	s3 =	sadd.s32 $0x0, s5  }
0x20: {  	[spmem:s3] =	stream.linear.scatter [tilespmem:s18], [sflag:$0xD], $0x800, $0x38;
	[tilespmem:$0x1F800] =	vst v63  }
0x21: {  	s3 =	simm.s32 $0x2000;
	_ =	swait.ge [sflag:s19], $0x800  }
.LBB2_4:
0x22: {  	s6 =	sshra.s32 s3, $0x2;
	[sflag:s19] =	ssyncset.done $0x0;
	p0 =	sne.s32 s3, $0x4E000  }
.Ltmp1:
0x23: {  	s6 =	sadd.s32 s6, s5;
	[sflag:s19] =	ssyncadd.s32 $0xFFFFF800;
	(pc) =	sbr.rel @p0 .LBB2_4-.Ltmp1, $3  }
0x24: {  	[spmem:s6] =	stream.linear.scatter [tilespmem:s18], [sflag:$0xD], $0x800, $0x38;
	[tilespmem:$0x1F800] =	vst v63  }
0x25: {  	s3 =	sadd.s32 $0x2000, s3;
	_ =	sdelay $0x1  }
0x26: {  	_ =	swait.ge [sflag:s19], $0x800  }
0x27: {  	[sflag:s19] =	ssyncset.done $0x0  }
0x28: {  	[sflag:s19] =	ssyncadd.s32 $0xFFFFF800  }
0x29: {  	[bflag:$0x0] =	sbarrier.arrive $0xFFFF  }
0x2a: {  	s3 =	simm.s32 $0x0;
	s6 =	rddreg [dreg:$0x5]  }
0x2b: {  	[tilespmem:s3], [sflag:$0xD] =	stream.linear.gather [hbm4b:s6+s3], $0x1900, $0x38;
	[tilespmem:$0x1F800] =	vst v63  }
0x2c: {  	_ =	swait.ge [sflag:s19], $0x1900  }
0x2d: {  	[sflag:s19] =	ssyncset.done $0x0  }
0x2e: {  	s6 =	simm.s32 $0x1C00;
	s7 =	rddreg [dreg:$0x6];
	[sflag:s19] =	ssyncadd.s32 $0xFFFFE700  }
0x2f: {  	[tilespmem:s6], [sflag:$0xD] =	stream.linear.gather [hbm4b:s7+s3], $0x1900, $0x38;
	[tilespmem:$0x1F800] =	vst v63  }
0x30: {  	_ =	swait.ge [sflag:s19], $0x1900  }
0x31: {  	[sflag:s19] =	ssyncset.done $0x0  }
0x32: {  	[sflag:s19] =	ssyncadd.s32 $0xFFFFE700  }
0x33: {  	[tilespmem:s21], [sflag:$0x1] =	stream.indirect.gather [hbm4b:s1+s20], $0x80, s3, s20, $0xb8;
	[tilespmem:$0x1F800] =	vst v63  }
0x34: {  	_ = 	snop  }
0x35: {  	[tilespmem:s23], [sflag:$0x2] =	stream.indirect.gather [hbm4b:s1+s20], $0x80, s22, s20, $0xb8;
	[tilespmem:$0x1F800] =	vst v63  }
0x36: {  	_ = 	snop  }
0x37: {  	[tilespmem:s25], [sflag:$0x3] =	stream.indirect.gather [hbm4b:s1+s20], $0x80, s24, s20, $0xb8;
	[tilespmem:$0x1F800] =	vst v63  }
0x38: {  	_ = 	snop  }
0x39: {  	[tilespmem:s28], [sflag:$0x4] =	stream.indirect.gather [hbm4b:s1+s20], $0x80, s26, s20, $0xb8;
	[tilespmem:$0x1F800] =	vst v63  }
.LBB2_6:
0x3a: {  	s7 =	smul.u32 $0xAB, s3;
	p0 =	slt.u32 s3, $0x4  }
0x3b: {  	s8 =	sadd.s32 @!p0 $0xFFFFFFFC, s3  }
0x3c: {  	s7 =	sshrl.u32 s7, $0xA;
	s9 =	sand.u32 @!p0 $0xFF, s8  }
0x3d: {  	s7 =	sand.u32 $0x3F, s7;
	s9 =	smul.u32 @!p0 $0xAB, s9  }
0x3e: {  	s7 =	smul.u32 $0x6, s7;
	_ =	sdelay $0x1  }
0x3f: {  	s9 =	sshrl.u32 @!p0 s9, $0xA;
	s7 =	ssub.s32 s3, s7  }
0x40: {  	s9 =	smul.u32 @!p0 $0x6, s9;
	s7 =	sand.u32 $0xFF, s7  }
0x41: {  	s10 =	sadd.s32 $0x1, s7  }
0x42: {  	s8 =	ssub.s32 @!p0 s8, s9;
	_ =	swait.ge [sflag:s10], $0x1400  }
0x43: {  	s8 =	sand.u32 @!p0 $0xFF, s8;
	[sflag:s10] =	ssyncset.done $0x0  }
0x44: {  	s8 =	sadd.s32 @!p0 $0x7, s8;
	[sflag:s10] =	ssyncadd.s32 $0xFFFFEC00  }
0x45: {  	p1 =	sgt.u32 @!p0 s3, $0x2D;
	_ =	swait.ge @!p0 [sflag:s8], $0x1400  }
0x46: {  	p1 =	por p0, !p1;
	[sflag:s8] =	ssyncset.done @!p0 $0x0  }
0x47: {  	[sflag:s8] =	ssyncadd.s32 @!p0 $0xFFFFEC00;
	s8 =	sadd.s32 @p1 $0x4, s3  }
0x48: {  	s9 =	smul.u32 @p1 $0xAB, s8;
	_ =	sdelay $0x1  }
0x49: {  	s9 =	sshrl.u32 @p1 s9, $0xA  }
0x4a: {  	s9 =	sand.u32 @p1 $0x3F, s9  }
0x4b: {  	s9 =	smul.u32 @p1 $0x6, s9;
	_ =	sdelay $0x1  }
0x4c: {  	s8 =	ssub.s32 @p1 s8, s9  }
0x4d: {  	s8 =	sand.u32 @p1 $0xFF, s8  }
0x4e: {  	s9 =	smul.u32 @p1 $0x5000, s8;
	_ =	sdelay $0x1  }
0x4f: {  	s10 =	sadd.s32 @p1 $0xFFFFE600, s6;
	s9 =	sshrl.u32 @p1 s9, $0x2  }
0x50: {  	s3 =	sadd.s32 $0x1, s3;
	s8 =	sadd.s32 @p1 $0x1, s8;
	s9 =	sadd.s32 @p1 $0x3800, s9  }
0x51: {  	[tilespmem:s9], [sflag:s8] =	stream.indirect.gather @p1 [hbm4b:s1+s20], $0x80, s10, s20, $0xb8;
	[tilespmem:$0x1F800] =	vst v63  }
0x52: {  	p0 =	sne.s32 s3, $0x32;
	s10 =	smul.u32 $0x5000, s7  }
.Ltmp2:
0x53: {  	_ = 	snop;
	(pc) =	sbr.rel @p0 .LBB2_6-.Ltmp2, $4  }
0x54: {  	s8 =	sshrl.u32 s10, $0x2  }
0x55: {  	s7 =	sadd.s32 $0x7, s7;
	s8 =	sadd.s32 $0x3800, s8  }
0x56: {  	[spmem:s2] =	stream.indirect.scatter.add.f32 [tilespmem:s8], [sflag:s7], $0x80, s6, s20, $0xb8;
	[tilespmem:$0x1F800] =	vst v63  }
0x57: {  	s6 =	sadd.s32 $0x80, s6  }
0x58: {  	_ =	swait.ge [sflag:s29], $0x1400  }
0x59: {  	[sflag:s29] =	ssyncset.done $0x0  }
0x5a: {  	[sflag:s29] =	ssyncadd.s32 $0xFFFFEC00  }
0x5b: {  	_ =	swait.ge [sflag:s30], $0x1400  }
0x5c: {  	[sflag:s30] =	ssyncset.done $0x0  }
0x5d: {  	[sflag:s30] =	ssyncadd.s32 $0xFFFFEC00  }
0x5e: {  	_ =	swait.ge [sflag:s31], $0x1400  }
0x5f: {  	[sflag:s31] =	ssyncset.done $0x0  }
0x60: {  	[sflag:s31] =	ssyncadd.s32 $0xFFFFEC00  }
0x61: {  	_ =	swait.ge [sflag:s0], $0x1400  }
0x62: {  	[sflag:s0] =	ssyncset.done $0x0  }
0x63: {  	s3 =	simm.s32 $0x0;
	s6 =	rddreg [dreg:$0x7];
	[sflag:s0] =	ssyncadd.s32 $0xFFFFEC00  }
0x64: {  	[tilespmem:s3], [sflag:$0xD] =	stream.linear.gather [hbm4b:s6+s3], $0x1900, $0x38;
	[tilespmem:$0x1F800] =	vst v63  }
0x65: {  	_ =	swait.ge [sflag:s19], $0x1900  }
0x66: {  	[sflag:s19] =	ssyncset.done $0x0  }
0x67: {  	s6 =	simm.s32 $0x1C00;
	s7 =	rddreg [dreg:$0x8];
	[sflag:s19] =	ssyncadd.s32 $0xFFFFE700  }
0x68: {  	[tilespmem:s6], [sflag:$0xD] =	stream.linear.gather [hbm4b:s7+s3], $0x1900, $0x38;
	[tilespmem:$0x1F800] =	vst v63  }
0x69: {  	_ =	swait.ge [sflag:s19], $0x1900  }
0x6a: {  	[sflag:s19] =	ssyncset.done $0x0  }
0x6b: {  	[sflag:s19] =	ssyncadd.s32 $0xFFFFE700  }
0x6c: {  	[tilespmem:s21], [sflag:$0x1] =	stream.indirect.gather [hbm4b:s1+s20], $0x80, s3, s20, $0xb8;
	[tilespmem:$0x1F800] =	vst v63  }
0x6d: {  	_ = 	snop  }
0x6e: {  	[tilespmem:s23], [sflag:$0x2] =	stream.indirect.gather [hbm4b:s1+s20], $0x80, s22, s20, $0xb8;
	[tilespmem:$0x1F800] =	vst v63  }
0x6f: {  	_ = 	snop  }
0x70: {  	[tilespmem:s25], [sflag:$0x3] =	stream.indirect.gather [hbm4b:s1+s20], $0x80, s24, s20, $0xb8;
	[tilespmem:$0x1F800] =	vst v63  }
0x71: {  	_ = 	snop  }
0x72: {  	[tilespmem:s28], [sflag:$0x4] =	stream.indirect.gather [hbm4b:s1+s20], $0x80, s26, s20, $0xb8;
	[tilespmem:$0x1F800] =	vst v63  }
.LBB2_8:
0x73: {  	s7 =	smul.u32 $0xAB, s3;
	p0 =	slt.u32 s3, $0x4  }
0x74: {  	s8 =	sadd.s32 @!p0 $0xFFFFFFFC, s3  }
0x75: {  	s7 =	sshrl.u32 s7, $0xA;
	s9 =	sand.u32 @!p0 $0xFF, s8  }
0x76: {  	s7 =	sand.u32 $0x3F, s7;
	s9 =	smul.u32 @!p0 $0xAB, s9  }
0x77: {  	s7 =	smul.u32 $0x6, s7;
	_ =	sdelay $0x1  }
0x78: {  	s9 =	sshrl.u32 @!p0 s9, $0xA;
	s7 =	ssub.s32 s3, s7  }
0x79: {  	s9 =	smul.u32 @!p0 $0x6, s9;
	s7 =	sand.u32 $0xFF, s7  }
0x7a: {  	s10 =	sadd.s32 $0x1, s7  }
0x7b: {  	s8 =	ssub.s32 @!p0 s8, s9;
	_ =	swait.ge [sflag:s10], $0x1400  }
0x7c: {  	s8 =	sand.u32 @!p0 $0xFF, s8;
	[sflag:s10] =	ssyncset.done $0x0  }
0x7d: {  	s8 =	sadd.s32 @!p0 $0x7, s8;
	[sflag:s10] =	ssyncadd.s32 $0xFFFFEC00  }
0x7e: {  	p1 =	sgt.u32 @!p0 s3, $0x2D;
	_ =	swait.ge @!p0 [sflag:s8], $0x1400  }
0x7f: {  	p1 =	por p0, !p1;
	[sflag:s8] =	ssyncset.done @!p0 $0x0  }
0x80: {  	[sflag:s8] =	ssyncadd.s32 @!p0 $0xFFFFEC00;
	s8 =	sadd.s32 @p1 $0x4, s3  }
0x81: {  	s9 =	smul.u32 @p1 $0xAB, s8;
	_ =	sdelay $0x1  }
0x82: {  	s9 =	sshrl.u32 @p1 s9, $0xA  }
0x83: {  	s9 =	sand.u32 @p1 $0x3F, s9  }
0x84: {  	s9 =	smul.u32 @p1 $0x6, s9;
	_ =	sdelay $0x1  }
0x85: {  	s8 =	ssub.s32 @p1 s8, s9  }
0x86: {  	s8 =	sand.u32 @p1 $0xFF, s8  }
0x87: {  	s9 =	smul.u32 @p1 $0x5000, s8;
	_ =	sdelay $0x1  }
0x88: {  	s10 =	sadd.s32 @p1 $0xFFFFE600, s6;
	s9 =	sshrl.u32 @p1 s9, $0x2  }
0x89: {  	s3 =	sadd.s32 $0x1, s3;
	s8 =	sadd.s32 @p1 $0x1, s8;
	s9 =	sadd.s32 @p1 $0x3800, s9  }
0x8a: {  	[tilespmem:s9], [sflag:s8] =	stream.indirect.gather @p1 [hbm4b:s1+s20], $0x80, s10, s20, $0xb8;
	[tilespmem:$0x1F800] =	vst v63  }
0x8b: {  	p0 =	sne.s32 s3, $0x32;
	s10 =	smul.u32 $0x5000, s7  }
.Ltmp3:
0x8c: {  	_ = 	snop;
	(pc) =	sbr.rel @p0 .LBB2_8-.Ltmp3, $4  }
0x8d: {  	s8 =	sshrl.u32 s10, $0x2  }
0x8e: {  	s7 =	sadd.s32 $0x7, s7;
	s8 =	sadd.s32 $0x3800, s8  }
0x8f: {  	[spmem:s2] =	stream.indirect.scatter.add.f32 [tilespmem:s8], [sflag:s7], $0x80, s6, s20, $0xb8;
	[tilespmem:$0x1F800] =	vst v63  }
0x90: {  	s6 =	sadd.s32 $0x80, s6  }
0x91: {  	_ =	swait.ge [sflag:s29], $0x1400  }
0x92: {  	[sflag:s29] =	ssyncset.done $0x0  }
0x93: {  	[sflag:s29] =	ssyncadd.s32 $0xFFFFEC00  }
0x94: {  	_ =	swait.ge [sflag:s30], $0x1400  }
0x95: {  	[sflag:s30] =	ssyncset.done $0x0  }
0x96: {  	[sflag:s30] =	ssyncadd.s32 $0xFFFFEC00  }
0x97: {  	_ =	swait.ge [sflag:s31], $0x1400  }
0x98: {  	[sflag:s31] =	ssyncset.done $0x0  }
0x99: {  	[sflag:s31] =	ssyncadd.s32 $0xFFFFEC00  }
0x9a: {  	_ =	swait.ge [sflag:s0], $0x1400  }
0x9b: {  	[sflag:s0] =	ssyncset.done $0x0  }
0x9c: {  	s3 =	simm.s32 $0x0;
	s6 =	rddreg [dreg:$0x9];
	[sflag:s0] =	ssyncadd.s32 $0xFFFFEC00  }
0x9d: {  	[tilespmem:s3], [sflag:$0xD] =	stream.linear.gather [hbm4b:s6+s3], $0x1900, $0x38;
	[tilespmem:$0x1F800] =	vst v63  }
0x9e: {  	_ =	swait.ge [sflag:s19], $0x1900  }
0x9f: {  	[sflag:s19] =	ssyncset.done $0x0  }
0xa0: {  	s6 =	simm.s32 $0x1C00;
	[sflag:s19] =	ssyncadd.s32 $0xFFFFE700  }
0xa1: {  	[tilespmem:s6], [sflag:$0xD] =	stream.linear.gather [hbm4b:s11+s3], $0x1900, $0x38;
	[tilespmem:$0x1F800] =	vst v63  }
0xa2: {  	_ =	swait.ge [sflag:s19], $0x1900  }
0xa3: {  	[sflag:s19] =	ssyncset.done $0x0  }
0xa4: {  	[sflag:s19] =	ssyncadd.s32 $0xFFFFE700  }
0xa5: {  	[tilespmem:s21], [sflag:$0x1] =	stream.indirect.gather [hbm4b:s1+s20], $0x80, s3, s20, $0xb8;
	[tilespmem:$0x1F800] =	vst v63  }
0xa6: {  	_ = 	snop  }
0xa7: {  	[tilespmem:s23], [sflag:$0x2] =	stream.indirect.gather [hbm4b:s1+s20], $0x80, s22, s20, $0xb8;
	[tilespmem:$0x1F800] =	vst v63  }
0xa8: {  	_ = 	snop  }
0xa9: {  	[tilespmem:s25], [sflag:$0x3] =	stream.indirect.gather [hbm4b:s1+s20], $0x80, s24, s20, $0xb8;
	[tilespmem:$0x1F800] =	vst v63  }
0xaa: {  	_ = 	snop  }
0xab: {  	[tilespmem:s28], [sflag:$0x4] =	stream.indirect.gather [hbm4b:s1+s20], $0x80, s26, s20, $0xb8;
	[tilespmem:$0x1F800] =	vst v63  }
.LBB2_10:
0xac: {  	s7 =	smul.u32 $0xAB, s3;
	p0 =	slt.u32 s3, $0x4  }
0xad: {  	s8 =	sadd.s32 @!p0 $0xFFFFFFFC, s3  }
0xae: {  	s7 =	sshrl.u32 s7, $0xA;
	s9 =	sand.u32 @!p0 $0xFF, s8  }
0xaf: {  	s7 =	sand.u32 $0x3F, s7;
	s9 =	smul.u32 @!p0 $0xAB, s9  }
0xb0: {  	s7 =	smul.u32 $0x6, s7;
	_ =	sdelay $0x1  }
0xb1: {  	s9 =	sshrl.u32 @!p0 s9, $0xA;
	s7 =	ssub.s32 s3, s7  }
0xb2: {  	s9 =	smul.u32 @!p0 $0x6, s9;
	s7 =	sand.u32 $0xFF, s7  }
0xb3: {  	s10 =	sadd.s32 $0x1, s7  }
0xb4: {  	s8 =	ssub.s32 @!p0 s8, s9;
	_ =	swait.ge [sflag:s10], $0x1400  }
0xb5: {  	s8 =	sand.u32 @!p0 $0xFF, s8;
	[sflag:s10] =	ssyncset.done $0x0  }
0xb6: {  	s8 =	sadd.s32 @!p0 $0x7, s8;
	[sflag:s10] =	ssyncadd.s32 $0xFFFFEC00  }
0xb7: {  	p1 =	sgt.u32 @!p0 s3, $0x2D;
	_ =	swait.ge @!p0 [sflag:s8], $0x1400  }
0xb8: {  	p1 =	por p0, !p1;
	[sflag:s8] =	ssyncset.done @!p0 $0x0  }
0xb9: {  	[sflag:s8] =	ssyncadd.s32 @!p0 $0xFFFFEC00;
	s8 =	sadd.s32 @p1 $0x4, s3  }
0xba: {  	s9 =	smul.u32 @p1 $0xAB, s8;
	_ =	sdelay $0x1  }
0xbb: {  	s9 =	sshrl.u32 @p1 s9, $0xA  }
0xbc: {  	s9 =	sand.u32 @p1 $0x3F, s9  }
0xbd: {  	s9 =	smul.u32 @p1 $0x6, s9;
	_ =	sdelay $0x1  }
0xbe: {  	s8 =	ssub.s32 @p1 s8, s9  }
0xbf: {  	s8 =	sand.u32 @p1 $0xFF, s8  }
0xc0: {  	s9 =	smul.u32 @p1 $0x5000, s8;
	_ =	sdelay $0x1  }
0xc1: {  	s10 =	sadd.s32 @p1 $0xFFFFE600, s6;
	s9 =	sshrl.u32 @p1 s9, $0x2  }
0xc2: {  	s3 =	sadd.s32 $0x1, s3;
	s8 =	sadd.s32 @p1 $0x1, s8;
	s9 =	sadd.s32 @p1 $0x3800, s9  }
0xc3: {  	[tilespmem:s9], [sflag:s8] =	stream.indirect.gather @p1 [hbm4b:s1+s20], $0x80, s10, s20, $0xb8;
	[tilespmem:$0x1F800] =	vst v63  }
0xc4: {  	p0 =	sne.s32 s3, $0x32;
	s10 =	smul.u32 $0x5000, s7  }
.Ltmp4:
0xc5: {  	_ = 	snop;
	(pc) =	sbr.rel @p0 .LBB2_10-.Ltmp4, $4  }
0xc6: {  	s8 =	sshrl.u32 s10, $0x2  }
0xc7: {  	s7 =	sadd.s32 $0x7, s7;
	s8 =	sadd.s32 $0x3800, s8  }
0xc8: {  	[spmem:s2] =	stream.indirect.scatter.add.f32 [tilespmem:s8], [sflag:s7], $0x80, s6, s20, $0xb8;
	[tilespmem:$0x1F800] =	vst v63  }
0xc9: {  	s6 =	sadd.s32 $0x80, s6  }
0xca: {  	_ =	swait.ge [sflag:s29], $0x1400  }
0xcb: {  	[sflag:s29] =	ssyncset.done $0x0  }
0xcc: {  	[sflag:s29] =	ssyncadd.s32 $0xFFFFEC00  }
0xcd: {  	_ =	swait.ge [sflag:s30], $0x1400  }
0xce: {  	[sflag:s30] =	ssyncset.done $0x0  }
0xcf: {  	[sflag:s30] =	ssyncadd.s32 $0xFFFFEC00  }
0xd0: {  	_ =	swait.ge [sflag:s31], $0x1400  }
0xd1: {  	[sflag:s31] =	ssyncset.done $0x0  }
0xd2: {  	[sflag:s31] =	ssyncadd.s32 $0xFFFFEC00  }
0xd3: {  	_ =	swait.ge [sflag:s0], $0x1400  }
0xd4: {  	[sflag:s0] =	ssyncset.done $0x0  }
0xd5: {  	s3 =	simm.s32 $0x0;
	[sflag:s0] =	ssyncadd.s32 $0xFFFFEC00  }
0xd6: {  	[tilespmem:s3], [sflag:$0xD] =	stream.linear.gather [hbm4b:s12+s3], $0x1900, $0x38;
	[tilespmem:$0x1F800] =	vst v63  }
0xd7: {  	_ =	swait.ge [sflag:s19], $0x1900  }
0xd8: {  	[sflag:s19] =	ssyncset.done $0x0  }
0xd9: {  	s6 =	simm.s32 $0x1C00;
	[sflag:s19] =	ssyncadd.s32 $0xFFFFE700  }
0xda: {  	[tilespmem:s6], [sflag:$0xD] =	stream.linear.gather [hbm4b:s13+s3], $0x1900, $0x38;
	[tilespmem:$0x1F800] =	vst v63  }
0xdb: {  	_ =	swait.ge [sflag:s19], $0x1900  }
0xdc: {  	[sflag:s19] =	ssyncset.done $0x0  }
0xdd: {  	[sflag:s19] =	ssyncadd.s32 $0xFFFFE700  }
0xde: {  	[tilespmem:s21], [sflag:$0x1] =	stream.indirect.gather [hbm4b:s1+s20], $0x80, s3, s20, $0xb8;
	[tilespmem:$0x1F800] =	vst v63  }
0xdf: {  	_ = 	snop  }
0xe0: {  	[tilespmem:s23], [sflag:$0x2] =	stream.indirect.gather [hbm4b:s1+s20], $0x80, s22, s20, $0xb8;
	[tilespmem:$0x1F800] =	vst v63  }
0xe1: {  	_ = 	snop  }
0xe2: {  	[tilespmem:s25], [sflag:$0x3] =	stream.indirect.gather [hbm4b:s1+s20], $0x80, s24, s20, $0xb8;
	[tilespmem:$0x1F800] =	vst v63  }
0xe3: {  	_ = 	snop  }
0xe4: {  	[tilespmem:s28], [sflag:$0x4] =	stream.indirect.gather [hbm4b:s1+s20], $0x80, s26, s20, $0xb8;
	[tilespmem:$0x1F800] =	vst v63  }
.LBB2_12:
0xe5: {  	s7 =	smul.u32 $0xAB, s3;
	p0 =	slt.u32 s3, $0x4  }
0xe6: {  	s8 =	sadd.s32 @!p0 $0xFFFFFFFC, s3  }
0xe7: {  	s7 =	sshrl.u32 s7, $0xA;
	s9 =	sand.u32 @!p0 $0xFF, s8  }
0xe8: {  	s7 =	sand.u32 $0x3F, s7;
	s9 =	smul.u32 @!p0 $0xAB, s9  }
0xe9: {  	s7 =	smul.u32 $0x6, s7;
	_ =	sdelay $0x1  }
0xea: {  	s9 =	sshrl.u32 @!p0 s9, $0xA;
	s7 =	ssub.s32 s3, s7  }
0xeb: {  	s9 =	smul.u32 @!p0 $0x6, s9;
	s7 =	sand.u32 $0xFF, s7  }
0xec: {  	s10 =	sadd.s32 $0x1, s7  }
0xed: {  	s8 =	ssub.s32 @!p0 s8, s9;
	_ =	swait.ge [sflag:s10], $0x1400  }
0xee: {  	s8 =	sand.u32 @!p0 $0xFF, s8;
	[sflag:s10] =	ssyncset.done $0x0  }
0xef: {  	s8 =	sadd.s32 @!p0 $0x7, s8;
	[sflag:s10] =	ssyncadd.s32 $0xFFFFEC00  }
0xf0: {  	p1 =	sgt.u32 @!p0 s3, $0x2D;
	_ =	swait.ge @!p0 [sflag:s8], $0x1400  }
0xf1: {  	p1 =	por p0, !p1;
	[sflag:s8] =	ssyncset.done @!p0 $0x0  }
0xf2: {  	[sflag:s8] =	ssyncadd.s32 @!p0 $0xFFFFEC00;
	s8 =	sadd.s32 @p1 $0x4, s3  }
0xf3: {  	s9 =	smul.u32 @p1 $0xAB, s8;
	_ =	sdelay $0x1  }
0xf4: {  	s9 =	sshrl.u32 @p1 s9, $0xA  }
0xf5: {  	s9 =	sand.u32 @p1 $0x3F, s9  }
0xf6: {  	s9 =	smul.u32 @p1 $0x6, s9;
	_ =	sdelay $0x1  }
0xf7: {  	s8 =	ssub.s32 @p1 s8, s9  }
0xf8: {  	s8 =	sand.u32 @p1 $0xFF, s8  }
0xf9: {  	s9 =	smul.u32 @p1 $0x5000, s8;
	_ =	sdelay $0x1  }
0xfa: {  	s10 =	sadd.s32 @p1 $0xFFFFE600, s6;
	s9 =	sshrl.u32 @p1 s9, $0x2  }
0xfb: {  	s3 =	sadd.s32 $0x1, s3;
	s8 =	sadd.s32 @p1 $0x1, s8;
	s9 =	sadd.s32 @p1 $0x3800, s9  }
0xfc: {  	[tilespmem:s9], [sflag:s8] =	stream.indirect.gather @p1 [hbm4b:s1+s20], $0x80, s10, s20, $0xb8;
	[tilespmem:$0x1F800] =	vst v63  }
0xfd: {  	p0 =	sne.s32 s3, $0x32;
	s10 =	smul.u32 $0x5000, s7  }
.Ltmp5:
0xfe: {  	_ = 	snop;
	(pc) =	sbr.rel @p0 .LBB2_12-.Ltmp5, $4  }
0xff: {  	s8 =	sshrl.u32 s10, $0x2  }
0x100: {  	s7 =	sadd.s32 $0x7, s7;
	s8 =	sadd.s32 $0x3800, s8  }
0x101: {  	[spmem:s2] =	stream.indirect.scatter.add.f32 [tilespmem:s8], [sflag:s7], $0x80, s6, s20, $0xb8;
	[tilespmem:$0x1F800] =	vst v63  }
0x102: {  	s6 =	sadd.s32 $0x80, s6  }
0x103: {  	_ =	swait.ge [sflag:s29], $0x1400  }
0x104: {  	[sflag:s29] =	ssyncset.done $0x0  }
0x105: {  	[sflag:s29] =	ssyncadd.s32 $0xFFFFEC00  }
0x106: {  	_ =	swait.ge [sflag:s30], $0x1400  }
0x107: {  	[sflag:s30] =	ssyncset.done $0x0  }
0x108: {  	[sflag:s30] =	ssyncadd.s32 $0xFFFFEC00  }
0x109: {  	_ =	swait.ge [sflag:s31], $0x1400  }
0x10a: {  	[sflag:s31] =	ssyncset.done $0x0  }
0x10b: {  	[sflag:s31] =	ssyncadd.s32 $0xFFFFEC00  }
0x10c: {  	_ =	swait.ge [sflag:s0], $0x1400  }
0x10d: {  	[sflag:s0] =	ssyncset.done $0x0  }
0x10e: {  	s3 =	simm.s32 $0x0;
	[sflag:s0] =	ssyncadd.s32 $0xFFFFEC00  }
0x10f: {  	[tilespmem:s3], [sflag:$0xD] =	stream.linear.gather [hbm4b:s14+s3], $0x1900, $0x38;
	[tilespmem:$0x1F800] =	vst v63  }
0x110: {  	_ =	swait.ge [sflag:s19], $0x1900  }
0x111: {  	[sflag:s19] =	ssyncset.done $0x0  }
0x112: {  	s6 =	simm.s32 $0x1C00;
	[sflag:s19] =	ssyncadd.s32 $0xFFFFE700  }
0x113: {  	[tilespmem:s6], [sflag:$0xD] =	stream.linear.gather [hbm4b:s15+s3], $0x1900, $0x38;
	[tilespmem:$0x1F800] =	vst v63  }
0x114: {  	_ =	swait.ge [sflag:s19], $0x1900  }
0x115: {  	[sflag:s19] =	ssyncset.done $0x0  }
0x116: {  	[sflag:s19] =	ssyncadd.s32 $0xFFFFE700  }
0x117: {  	[tilespmem:s21], [sflag:$0x1] =	stream.indirect.gather [hbm4b:s1+s20], $0x80, s3, s20, $0xb8;
	[tilespmem:$0x1F800] =	vst v63  }
0x118: {  	_ = 	snop  }
0x119: {  	[tilespmem:s23], [sflag:$0x2] =	stream.indirect.gather [hbm4b:s1+s20], $0x80, s22, s20, $0xb8;
	[tilespmem:$0x1F800] =	vst v63  }
0x11a: {  	_ = 	snop  }
0x11b: {  	[tilespmem:s25], [sflag:$0x3] =	stream.indirect.gather [hbm4b:s1+s20], $0x80, s24, s20, $0xb8;
	[tilespmem:$0x1F800] =	vst v63  }
0x11c: {  	_ = 	snop  }
0x11d: {  	[tilespmem:s28], [sflag:$0x4] =	stream.indirect.gather [hbm4b:s1+s20], $0x80, s26, s20, $0xb8;
	[tilespmem:$0x1F800] =	vst v63  }
.LBB2_14:
0x11e: {  	s7 =	smul.u32 $0xAB, s3;
	p0 =	slt.u32 s3, $0x4  }
0x11f: {  	s8 =	sadd.s32 @!p0 $0xFFFFFFFC, s3  }
0x120: {  	s7 =	sshrl.u32 s7, $0xA;
	s9 =	sand.u32 @!p0 $0xFF, s8  }
0x121: {  	s7 =	sand.u32 $0x3F, s7;
	s9 =	smul.u32 @!p0 $0xAB, s9  }
0x122: {  	s7 =	smul.u32 $0x6, s7;
	_ =	sdelay $0x1  }
0x123: {  	s9 =	sshrl.u32 @!p0 s9, $0xA;
	s7 =	ssub.s32 s3, s7  }
0x124: {  	s9 =	smul.u32 @!p0 $0x6, s9;
	s7 =	sand.u32 $0xFF, s7  }
0x125: {  	s10 =	sadd.s32 $0x1, s7  }
0x126: {  	s8 =	ssub.s32 @!p0 s8, s9;
	_ =	swait.ge [sflag:s10], $0x1400  }
0x127: {  	s8 =	sand.u32 @!p0 $0xFF, s8;
	[sflag:s10] =	ssyncset.done $0x0  }
0x128: {  	s8 =	sadd.s32 @!p0 $0x7, s8;
	[sflag:s10] =	ssyncadd.s32 $0xFFFFEC00  }
0x129: {  	p1 =	sgt.u32 @!p0 s3, $0x2D;
	_ =	swait.ge @!p0 [sflag:s8], $0x1400  }
0x12a: {  	p1 =	por p0, !p1;
	[sflag:s8] =	ssyncset.done @!p0 $0x0  }
0x12b: {  	[sflag:s8] =	ssyncadd.s32 @!p0 $0xFFFFEC00;
	s8 =	sadd.s32 @p1 $0x4, s3  }
0x12c: {  	s9 =	smul.u32 @p1 $0xAB, s8;
	_ =	sdelay $0x1  }
0x12d: {  	s9 =	sshrl.u32 @p1 s9, $0xA  }
0x12e: {  	s9 =	sand.u32 @p1 $0x3F, s9  }
0x12f: {  	s9 =	smul.u32 @p1 $0x6, s9;
	_ =	sdelay $0x1  }
0x130: {  	s8 =	ssub.s32 @p1 s8, s9  }
0x131: {  	s8 =	sand.u32 @p1 $0xFF, s8  }
0x132: {  	s9 =	smul.u32 @p1 $0x5000, s8;
	_ =	sdelay $0x1  }
0x133: {  	s10 =	sadd.s32 @p1 $0xFFFFE600, s6;
	s9 =	sshrl.u32 @p1 s9, $0x2  }
0x134: {  	s3 =	sadd.s32 $0x1, s3;
	s8 =	sadd.s32 @p1 $0x1, s8;
	s9 =	sadd.s32 @p1 $0x3800, s9  }
0x135: {  	[tilespmem:s9], [sflag:s8] =	stream.indirect.gather @p1 [hbm4b:s1+s20], $0x80, s10, s20, $0xb8;
	[tilespmem:$0x1F800] =	vst v63  }
0x136: {  	p0 =	sne.s32 s3, $0x32;
	s10 =	smul.u32 $0x5000, s7  }
.Ltmp6:
0x137: {  	_ = 	snop;
	(pc) =	sbr.rel @p0 .LBB2_14-.Ltmp6, $4  }
0x138: {  	s8 =	sshrl.u32 s10, $0x2  }
0x139: {  	s7 =	sadd.s32 $0x7, s7;
	s8 =	sadd.s32 $0x3800, s8  }
0x13a: {  	[spmem:s2] =	stream.indirect.scatter.add.f32 [tilespmem:s8], [sflag:s7], $0x80, s6, s20, $0xb8;
	[tilespmem:$0x1F800] =	vst v63  }
0x13b: {  	s6 =	sadd.s32 $0x80, s6  }
0x13c: {  	_ =	swait.ge [sflag:s29], $0x1400  }
0x13d: {  	[sflag:s29] =	ssyncset.done $0x0  }
0x13e: {  	[sflag:s29] =	ssyncadd.s32 $0xFFFFEC00  }
0x13f: {  	_ =	swait.ge [sflag:s30], $0x1400  }
0x140: {  	[sflag:s30] =	ssyncset.done $0x0  }
0x141: {  	[sflag:s30] =	ssyncadd.s32 $0xFFFFEC00  }
0x142: {  	_ =	swait.ge [sflag:s31], $0x1400  }
0x143: {  	[sflag:s31] =	ssyncset.done $0x0  }
0x144: {  	[sflag:s31] =	ssyncadd.s32 $0xFFFFEC00  }
0x145: {  	s3 =	stileid.u32;
	_ =	swait.ge [sflag:s0], $0x1400  }
0x146: {  	s6 =	sshrl.u32 s5, $0x3;
	s4 =	sadd.s32 $0x1, s4;
	[sflag:s0] =	ssyncset.done $0x0  }
0x147: {  	s3 =	sshll.u32 s3, $0x6;
	p0 =	sne.s32 s4, s17;
	[sflag:s0] =	ssyncadd.s32 $0xFFFFEC00  }
.Ltmp7:
0x148: {  	s3 =	sor.u32 $0x1C0D, s3;
	[bflag:$0x0] =	sbarrier.arrive $0xFFFF;
	(pc) =	sbr.rel @p0 .LBB2_1-.Ltmp7, $4  }
0x149: {  	[hbm:s16], [sflag:s3] =	dma.local [spmem:s6], $0x2800  }
0x14a: {  	_ =	swait.ge [sflag:s19], $0x2800  }
0x14b: {  	[sflag:s19] =	ssyncset.done $0x0  }
0x14c: {  	[sflag:s19] =	ssyncadd.s32 $0xFFFFD800  }
0x14d: {  	_ =	sfence.sel $0x180000  }
0x14e: {  	[bflag:$0x0] =	sbarrier.arrive $0xFFFF  }
0x14f: {  	_ =	strace $0x90000047  }
0x150: {  	s0 =	stileid.u32;
	[bflag:$0x2] =	sbarrier.arrive $0xFFFF  }
0x151: {  	p0 =	sne.s32 s0, $0x0;
	s0 =	rddreg [dreg:$0x4]  }
0x152: {  	s0 =	sadd.s32 @!p0 $0x100000, s0  }
0x153: {  	[sflag:s0] =	ssyncadd.tile.s32 @!p0 $0x1;
	_ =	shalt  }
.Lfunc_end2:
_tile_overlayer_lowered:
.L_overlay_start_2:
0x154: {  	(tag) =	ssettag $0x2  }
0x155: {  	s0 =	rddreg [dreg:$0x0];
	s2 =	stileid.u32  }
0x156: {  	s1 =	rddreg [dreg:$0x1];
	p0 =	sne.s32 s2, $0x0  }
0x157: {  	s3 =	rddreg [dreg:$0x2];
	[bflag:$0x3] =	sbarrier.arrive $0xFFFF;
	s2 =	simm.s32 @!p0 $0x1C0D  }
0x158: {  	[timem:s3], [sflag:s2] =	dma.local @!p0 [hbm:s0], s1  }
0x159: {  	s0 =	simm.s32 @!p0 $0xD  }
0x15a: {  	_ =	swait.ge @!p0 [sflag:s0], s1  }
0x15b: {  	s1 =	ssub.s32 @!p0 $0x0, s1;
	[sflag:s0] =	ssyncset.done @!p0 $0x0  }
0x15c: {  	[sflag:s0] =	ssyncadd.s32 @!p0 s1  }
0x15d: {  	[bflag:$0x3] =	sbarrier.arrive $0xFFFF  }
0x15e: {  	_ =	shalt  }

</sc_bundles>
